<compile_context>
chip_gen: v7x
topology: tpu7x:2x2x1
jax: 0.10.2.dev20260603
libtpu: 0.0.44.dev20260713+nightly
codegen_flags: <defaults>
</compile_context>

<pallas_src>
import functools

import jax
import jax.numpy as jnp
from jax import lax
from jax.experimental import pallas as pl
from jax.experimental.pallas import tpu as pltpu
from jax.experimental.pallas import tpu_sc as plsc

N_FIELDS = 26
VOCAB = 100000
EMBED_DIM = 16
BATCH = 16384

NC = 2
NS = 16
NW = NC * NS

GWIN = 128
VB = 4096
VOCAB_PAD = 25 * VB
NF_A, NF_B = 16, 10
NE_A, NE_B = 8, 5

BLKL = 256


def _tr_body(t_ref, o_ref):
    e = t_ref[...]
    pk = pltpu.bitcast(e.astype(jnp.bfloat16), jnp.float32)
    o_ref[0] = pk.T


def _tc_transpose(tables_2d, row0):
    return pl.pallas_call(
        _tr_body,
        grid=(1, VOCAB_PAD // VB),
        compiler_params=pltpu.CompilerParams(
            dimension_semantics=("parallel", "parallel")),
        in_specs=[pl.BlockSpec((256, VB), lambda g, j: (g + row0 // 2, j))],
        out_specs=pl.BlockSpec((1, VB, 128), lambda g, j: (g, j, 0)),
        out_shape=jax.ShapeDtypeStruct((1, VOCAB_PAD, 128), jnp.float32),
    )(tables_2d)


def _sc_gather(flat_tables, gidx, total_rows, group):
    rows_per_w = total_rows // NW
    nwin = rows_per_w // GWIN
    ngroups = nwin // group
    gchunk = group * GWIN
    assert nwin % group == 0 and ngroups % 2 == 0
    mesh = plsc.VectorSubcoreMesh(core_axis_name="c", subcore_axis_name="s")

    @functools.partial(
        pl.kernel,
        mesh=mesh,
        compiler_params=pltpu.CompilerParams(use_tc_tiling_on_sc=False),
        out_type=jax.ShapeDtypeStruct((total_rows, EMBED_DIM), jnp.float32),
        scratch_types=[
            pltpu.VMEM((nwin, GWIN), jnp.int32),
            pltpu.VMEM((gchunk, EMBED_DIM), jnp.float32),
            pltpu.VMEM((gchunk, EMBED_DIM), jnp.float32),
            pltpu.SemaphoreType.DMA,
            pltpu.SemaphoreType.DMA,
            pltpu.SemaphoreType.DMA,
            pltpu.SemaphoreType.DMA,
        ],
    )
    def k(tbl_hbm, idx_hbm, out_hbm, idx_v, rows_a, rows_b, gsem_a, gsem_b,
          wsem_a, wsem_b):
        wid = lax.axis_index("s") * NC + lax.axis_index("c")
        pltpu.sync_copy(idx_hbm.at[wid], idx_v)
        bufs = ((rows_a, gsem_a, wsem_a), (rows_b, gsem_b, wsem_b))

        @pl.loop(0, ngroups, step=2)
        def _(go):
            for s in range(2):
                buf, gsem, wsem = bufs[s]
                g = go + s
                row0 = wid * rows_per_w + g * gchunk

                @pl.when(go > 0)
                def _():
                    pltpu.make_async_copy(
                        buf, out_hbm.at[pl.ds(0, gchunk)], wsem).wait()

                cps = [
                    pltpu.make_async_copy(
                        tbl_hbm.at[idx_v.at[g * group + t]],
                        buf.at[pl.ds(t * GWIN, GWIN)],
                        gsem)
                    for t in range(group)
                ]
                for cp in cps:
                    cp.start()
                for cp in cps:
                    cp.wait()
                pltpu.make_async_copy(
                    buf, out_hbm.at[pl.ds(row0, gchunk)], wsem).start()

        for buf, _, wsem in bufs:
            pltpu.make_async_copy(
                buf, out_hbm.at[pl.ds(0, gchunk)], wsem).wait()

    return k(flat_tables, gidx)


def _group_mat():
    li = lax.broadcasted_iota(jnp.int32, (128, 8), 0) // EMBED_DIM
    ci = lax.broadcasted_iota(jnp.int32, (128, 8), 1)
    return (li == ci).astype(jnp.float32)


def _unpack(ew, ne):
    ev = ew[:ne]
    od = pltpu.roll(ew[ne:], 120, 2)
    allw = jnp.concatenate([ev, od], axis=0)
    ui = lax.bitcast_convert_type(allw, jnp.int32)
    lo = lax.bitcast_convert_type(ui << 16, jnp.float32)
    hi = lax.bitcast_convert_type(ui & jnp.int32(-65536), jnp.float32)
    return lo, hi


def _red_body(sta_ref, stb_ref, wlo_ref, whi_ref, b_ref, o_ref):
    lo_a, hi_a = _unpack(sta_ref[...], NE_A)
    lo_b, hi_b = _unpack(stb_ref[...], NE_B)
    lo = jnp.concatenate([lo_a, lo_b], axis=0)
    hi = jnp.concatenate([hi_a, hi_b], axis=0)
    sl = jnp.sum(lo, axis=0)
    sh = jnp.sum(hi, axis=0)
    q = jnp.sum(lo * lo + hi * hi, axis=0)
    tt = jnp.sum(lo * wlo_ref[...] + hi * whi_ref[...], axis=0)
    z = tt + 0.5 * (sl * sl + sh * sh - q)
    lanes = lax.broadcasted_iota(jnp.int32, (BLKL, 128), 1)
    zm = jnp.where(lanes % EMBED_DIM < 8, z, 0.0)
    y8 = lax.dot_general(zm, _group_mat(), (((1,), (0,)), ((), ())),
                         preferred_element_type=jnp.float32)
    o_ref[...] = jax.nn.sigmoid(y8 + b_ref[0])


def _tc_reduce(stga, stgb, wlo, whi, b):
    nlines = BATCH // 8
    return pl.pallas_call(
        _red_body,
        grid=(nlines // BLKL,),
        compiler_params=pltpu.CompilerParams(
            dimension_semantics=("parallel",)),
        in_specs=[
            pl.BlockSpec((NF_A, BLKL, 128), lambda i: (0, i, 0)),
            pl.BlockSpec((NF_B, BLKL, 128), lambda i: (0, i, 0)),
            pl.BlockSpec((N_FIELDS, 1, 128), lambda i: (0, 0, 0)),
            pl.BlockSpec((N_FIELDS, 1, 128), lambda i: (0, 0, 0)),
            pl.BlockSpec(memory_space=pltpu.SMEM),
        ],
        out_specs=pl.BlockSpec((BLKL, 8), lambda i: (i, 0)),
        out_shape=jax.ShapeDtypeStruct((nlines, 8), jnp.float32),
    )(stga, stgb, wlo, whi, b)


def _field_order():
    orda = [f for f in range(NF_A) if f % 2 == 0] + \
           [f for f in range(NF_A) if f % 2 == 1]
    ordb = [f for f in range(NF_A, N_FIELDS) if f % 2 == 0] + \
           [f for f in range(NF_A, N_FIELDS) if f % 2 == 1]
    return orda + ordb


def kernel(x, tables, W, b):
    tables_t = jnp.swapaxes(tables, 1, 2)
    tables_2d = tables_t.reshape(N_FIELDS * EMBED_DIM, VOCAB)
    tbl_a = _tc_transpose(tables_2d, 0)
    tbl_b = _tc_transpose(tables_2d, 2)
    flat_a = tbl_a.reshape(VOCAB_PAD * 8, EMBED_DIM)
    flat_b = tbl_b.reshape(VOCAB_PAD * 8, EMBED_DIM)

    order = jnp.array(_field_order(), dtype=jnp.int32)
    xt = x.T.astype(jnp.int32)
    f = jnp.arange(N_FIELDS, dtype=jnp.int32)[:, None]
    slot_pair = (f % NF_A) // 2
    gidx = (xt * 8 + slot_pair)[order]
    gidx_a = gidx[:NF_A].reshape(NW, -1, GWIN)
    gidx_b = gidx[NF_A:].reshape(NW, -1, GWIN)

    staged_a = _sc_gather(flat_a, gidx_a, NF_A * BATCH, 16)
    staged_b = _sc_gather(flat_b, gidx_b, NF_B * BATCH, 20)
    stg_a = staged_a.reshape(NF_A, BATCH // 8, 128)
    stg_b = staged_b.reshape(NF_B, BATCH // 8, 128)

    w2 = W.reshape(N_FIELDS, EMBED_DIM)[order]
    lane_w = jnp.arange(128) % EMBED_DIM
    valid = lane_w < 8
    wlo = jnp.where(valid[None, None, :],
                    w2[:, jnp.minimum(2 * lane_w, 15)][:, None, :], 0.0)
    whi = jnp.where(valid[None, None, :],
                    w2[:, jnp.minimum(2 * lane_w + 1, 15)][:, None, :], 0.0)

    out8 = _tc_reduce(stg_a, stg_b, wlo, whi, b)
    return out8.reshape(BATCH)

# --- scband reference (transcript-rebuilt; emitter-appended) ---
"""Pipeline reference for scband-fmmodel-70738111365931 (READ-ONLY COPY).

The authoritative reference and input builder live on the scoring server;
editing this copy changes nothing except your own understanding.
"""

import jax, jax.numpy as jnp
import numpy as np

N_FIELDS = 26
VOCAB = 100000
EMBED_DIM = 16
BATCH = 16384

def setup_inputs(seed: int = 0) -> dict:
    key = jax.random.key(seed)
    k1, k2, k3, k4 = jax.random.split(key, 4)
    # sparse feature indices, one column per sparse field
    x = jax.random.randint(k1, (BATCH, N_FIELDS), 0, VOCAB, dtype=jnp.int32)
    # one embedding table per sparse field, stacked: [n_fields, vocab, embed_dim]
    tables = jax.random.normal(k2, (N_FIELDS, VOCAB, EMBED_DIM), dtype=jnp.float32) * 0.01
    # LR (linear) layer over flattened fm embeddings: in=n_fields*embed_dim, out=1
    W = jax.random.normal(k3, (N_FIELDS * EMBED_DIM, 1), dtype=jnp.float32) * 0.01
    b = jnp.zeros((1,), dtype=jnp.float32)
    return {"x": x, "tables": tables, "W": W, "b": b}

def reference(x, tables, W, b):
    # EmbeddingLayer(x, fm_features, squeeze_dim=False) -> [B, n_fields, embed_dim]
    field_idx = jnp.arange(N_FIELDS)[None, :]           # [1, n_fields]
    emb = tables[field_idx, x]                          # gather -> [B, n_fields, embed_dim]
    # LR on flattened embeddings -> [B, 1]
    flat = emb.reshape(emb.shape[0], -1)                # [B, n_fields*embed_dim]
    y_linear = flat @ W + b                             # [B, 1]
    # FM(reduce_sum=True): 0.5 * sum_d((sum_f e)^2 - sum_f e^2) -> [B, 1]
    square_of_sum = jnp.sum(emb, axis=1) ** 2           # [B, embed_dim]
    sum_of_square = jnp.sum(emb ** 2, axis=1)           # [B, embed_dim]
    y_fm = 0.5 * jnp.sum(square_of_sum - sum_of_square, axis=1, keepdims=True)  # [B, 1]
    y = (y_linear + y_fm).squeeze(1)                    # [B]
    return jax.nn.sigmoid(y)

if __name__ == "__main__":
    import jax
    _d = setup_inputs()
    print(jax.jit(kernel)(*tuple(_d.values())))

</pallas_src>

<mosaic_0001>
#map = affine_map<(d0, d1) -> (0, 0)>
#map1 = affine_map<(d0, d1) -> (0, 0, 0)>
module attributes {stable_mosaic.version = 14 : i64} {
  func.func @k(%arg0: i32, %arg1: i32, %arg2: memref<819200x16xf32, #tpu.memory_space<hbm>>, %arg3: memref<32x64x128xi32, #tpu.memory_space<hbm>>, %arg4: memref<262144x16xf32, #tpu.memory_space<hbm>>, %arg5: memref<64x128xi32, #tpu.memory_space<vmem>>, %arg6: memref<2048x16xf32, #tpu.memory_space<vmem>>, %arg7: memref<2048x16xf32, #tpu.memory_space<vmem>>, %arg8: memref<!tpu.dma_semaphore, #tpu.memory_space<semaphore_mem>>, %arg9: memref<!tpu.dma_semaphore, #tpu.memory_space<semaphore_mem>>, %arg10: memref<!tpu.dma_semaphore, #tpu.memory_space<semaphore_mem>>, %arg11: memref<!tpu.dma_semaphore, #tpu.memory_space<semaphore_mem>>) attributes {dimension_semantics = [#tpu.dimension_semantics<core_parallel>, #tpu.dimension_semantics<subcore_parallel>], iteration_bounds = array<i64: 2, 16>, scalar_prefetch = 0 : i64, scratch_operands = 7 : i64, tpu.core_type = #tpu.core_type<sc_vector_subcore>, window_params = [{transform_indices = #map}, {transform_indices = #map1}, {transform_indices = #map}]} {
    %mul3A = arith.constant 2 : i32
    %mul3A_0 = arith.muli %arg1, %mul3A : i32
    %add3A = arith.addi %mul3A_0, %arg0 : i32
    "tpu.region"() ({
      %run_scoped3A = tpu.sem_alloc : memref<!tpu.dma_semaphore, #tpu.memory_space<semaphore_mem>>
      %dma_start3A = arith.constant 0 : i32
      %dma_start3A_16 = arith.constant 0 : i32
      %dma_start3A_17 = tpu.memref_slice %arg3[%add3A, %dma_start3A, %dma_start3A_16] : memref<32x64x128xi32, #tpu.memory_space<hbm>> -> memref<1x64x128xi32, #tpu.memory_space<hbm>>
      %dma_start3A_18 = tpu.memref_squeeze %dma_start3A_17 : memref<1x64x128xi32, #tpu.memory_space<hbm>> -> memref<64x128xi32, #tpu.memory_space<hbm>>
      %dma_start3A_19 = arith.constant 0 : i32
      %dma_start3A_20 = arith.constant 0 : i32
      %dma_start3A_21 = tpu.memref_slice %arg3[%add3A, %dma_start3A_19, %dma_start3A_20] : memref<32x64x128xi32, #tpu.memory_space<hbm>> -> memref<1x64x128xi32, #tpu.memory_space<hbm>>
      %dma_start3A_22 = tpu.memref_squeeze %dma_start3A_21 : memref<1x64x128xi32, #tpu.memory_space<hbm>> -> memref<64x128xi32, #tpu.memory_space<hbm>>
      tpu.enqueue_dma source(%dma_start3A_22 : memref<64x128xi32, #tpu.memory_space<hbm>>) target(%arg5 : memref<64x128xi32, #tpu.memory_space<vmem>>) target_semaphore(%run_scoped3A : memref<!tpu.dma_semaphore, #tpu.memory_space<semaphore_mem>>)
      %dma_wait3A_23 = arith.constant 0 : i32
      %dma_wait3A_24 = arith.constant 0 : i32
      %dma_wait3A_25 = tpu.memref_slice %arg3[%add3A, %dma_wait3A_23, %dma_wait3A_24] : memref<32x64x128xi32, #tpu.memory_space<hbm>> -> memref<1x64x128xi32, #tpu.memory_space<hbm>>
      %dma_wait3A_26 = tpu.memref_squeeze %dma_wait3A_25 : memref<1x64x128xi32, #tpu.memory_space<hbm>> -> memref<64x128xi32, #tpu.memory_space<hbm>>
      %dma_wait3A_27 = arith.constant 0 : i32
      %dma_wait3A_28 = arith.constant 0 : i32
      %dma_wait3A_29 = tpu.memref_slice %arg3[%add3A, %dma_wait3A_27, %dma_wait3A_28] : memref<32x64x128xi32, #tpu.memory_space<hbm>> -> memref<1x64x128xi32, #tpu.memory_space<hbm>>
      %dma_wait3A_30 = tpu.memref_squeeze %dma_wait3A_29 : memref<1x64x128xi32, #tpu.memory_space<hbm>> -> memref<64x128xi32, #tpu.memory_space<hbm>>
      tpu.wait_dma2 semaphore(%run_scoped3A : memref<!tpu.dma_semaphore, #tpu.memory_space<semaphore_mem>>) src(%dma_wait3A_30 : memref<64x128xi32, #tpu.memory_space<hbm>>) dst(%arg5 : memref<64x128xi32, #tpu.memory_space<vmem>>)
      tpu.yield
    }) : () -> ()
    %scan3A = arith.constant 0 : i32
    %scan3A_1 = arith.constant 2 : i32
    %scan3A_2 = arith.addi %scan3A, %scan3A_1 : i32
    %scan3A_3 = arith.constant 1 : i32
    scf.for %scan3A_16 = %scan3A to %scan3A_2 step %scan3A_3  : i32 {
      %mul3A_17 = arith.constant 2 : i32
      %mul3A_18 = arith.muli %scan3A_16, %mul3A_17 : i32
      %add3A_19 = arith.constant 0 : i32
      %add3A_20 = arith.addi %add3A_19, %mul3A_18 : i32
      %add3A_21 = arith.constant 0 : i32
      %add3A_22 = arith.addi %add3A_20, %add3A_21 : i32
      %mul3A_23 = arith.constant 8192 : i32
      %mul3A_24 = arith.muli %add3A, %mul3A_23 : i32
      %mul3A_25 = arith.constant 2048 : i32
      %mul3A_26 = arith.muli %add3A_22, %mul3A_25 : i32
      %add3A_27 = arith.addi %mul3A_24, %mul3A_26 : i32
      %gt3A = arith.constant 0 : i32
      %gt3A_28 = arith.cmpi sgt, %add3A_20, %gt3A : i32
      %convert_element_type3A = arith.extui %gt3A_28 : i1 to i32
      %cond3A = arith.constant 0 : i32
      %cond3A_29 = arith.cmpi ne, %convert_element_type3A, %cond3A : i32
      scf.if %cond3A_29 {
        %dma_wait3A_753 = arith.constant 0 : i32
        %dma_wait3A_754 = arith.constant 0 : i32
        %dma_wait3A_755 = tpu.memref_slice %arg4[%dma_wait3A_753, %dma_wait3A_754] : memref<262144x16xf32, #tpu.memory_space<hbm>> -> memref<2048x16xf32, #tpu.memory_space<hbm>>
        %dma_wait3A_756 = arith.constant 0 : i32
        %dma_wait3A_757 = arith.constant 0 : i32
        %dma_wait3A_758 = tpu.memref_slice %arg4[%dma_wait3A_756, %dma_wait3A_757] : memref<262144x16xf32, #tpu.memory_space<hbm>> -> memref<2048x16xf32, #tpu.memory_space<hbm>>
        tpu.wait_dma2 semaphore(%arg10 : memref<!tpu.dma_semaphore, #tpu.memory_space<semaphore_mem>>) src(%arg6 : memref<2048x16xf32, #tpu.memory_space<vmem>>) dst(%dma_wait3A_758 : memref<2048x16xf32, #tpu.memory_space<hbm>>)
      } else {
      }
      %mul3A_30 = arith.constant 16 : i32
      %mul3A_31 = arith.muli %add3A_22, %mul3A_30 : i32
      %add3A_32 = arith.constant 0 : i32
      %add3A_33 = arith.addi %mul3A_31, %add3A_32 : i32
      %mul3A_34 = arith.constant 16 : i32
      %mul3A_35 = arith.muli %add3A_22, %mul3A_34 : i32
      %add3A_36 = arith.constant 1 : i32
      %add3A_37 = arith.addi %mul3A_35, %add3A_36 : i32
      %mul3A_38 = arith.constant 16 : i32
      %mul3A_39 = arith.muli %add3A_22, %mul3A_38 : i32
      %add3A_40 = arith.constant 2 : i32
      %add3A_41 = arith.addi %mul3A_39, %add3A_40 : i32
      %mul3A_42 = arith.constant 16 : i32
      %mul3A_43 = arith.muli %add3A_22, %mul3A_42 : i32
      %add3A_44 = arith.constant 3 : i32
      %add3A_45 = arith.addi %mul3A_43, %add3A_44 : i32
      %mul3A_46 = arith.constant 16 : i32
      %mul3A_47 = arith.muli %add3A_22, %mul3A_46 : i32
      %add3A_48 = arith.constant 4 : i32
      %add3A_49 = arith.addi %mul3A_47, %add3A_48 : i32
      %mul3A_50 = arith.constant 16 : i32
      %mul3A_51 = arith.muli %add3A_22, %mul3A_50 : i32
      %add3A_52 = arith.constant 5 : i32
      %add3A_53 = arith.addi %mul3A_51, %add3A_52 : i32
      %mul3A_54 = arith.constant 16 : i32
      %mul3A_55 = arith.muli %add3A_22, %mul3A_54 : i32
      %add3A_56 = arith.constant 6 : i32
      %add3A_57 = arith.addi %mul3A_55, %add3A_56 : i32
      %mul3A_58 = arith.constant 16 : i32
      %mul3A_59 = arith.muli %add3A_22, %mul3A_58 : i32
      %add3A_60 = arith.constant 7 : i32
      %add3A_61 = arith.addi %mul3A_59, %add3A_60 : i32
      %mul3A_62 = arith.constant 16 : i32
      %mul3A_63 = arith.muli %add3A_22, %mul3A_62 : i32
      %add3A_64 = arith.constant 8 : i32
      %add3A_65 = arith.addi %mul3A_63, %add3A_64 : i32
      %mul3A_66 = arith.constant 16 : i32
      %mul3A_67 = arith.muli %add3A_22, %mul3A_66 : i32
      %add3A_68 = arith.constant 9 : i32
      %add3A_69 = arith.addi %mul3A_67, %add3A_68 : i32
      %mul3A_70 = arith.constant 16 : i32
      %mul3A_71 = arith.muli %add3A_22, %mul3A_70 : i32
      %add3A_72 = arith.constant 10 : i32
      %add3A_73 = arith.addi %mul3A_71, %add3A_72 : i32
      %mul3A_74 = arith.constant 16 : i32
      %mul3A_75 = arith.muli %add3A_22, %mul3A_74 : i32
      %add3A_76 = arith.constant 11 : i32
      %add3A_77 = arith.addi %mul3A_75, %add3A_76 : i32
      %mul3A_78 = arith.constant 16 : i32
      %mul3A_79 = arith.muli %add3A_22, %mul3A_78 : i32
      %add3A_80 = arith.constant 12 : i32
      %add3A_81 = arith.addi %mul3A_79, %add3A_80 : i32
      %mul3A_82 = arith.constant 16 : i32
      %mul3A_83 = arith.muli %add3A_22, %mul3A_82 : i32
      %add3A_84 = arith.constant 13 : i32
      %add3A_85 = arith.addi %mul3A_83, %add3A_84 : i32
      %mul3A_86 = arith.constant 16 : i32
      %mul3A_87 = arith.muli %add3A_22, %mul3A_86 : i32
      %add3A_88 = arith.constant 14 : i32
      %add3A_89 = arith.addi %mul3A_87, %add3A_88 : i32
      %mul3A_90 = arith.constant 16 : i32
      %mul3A_91 = arith.muli %add3A_22, %mul3A_90 : i32
      %add3A_92 = arith.constant 15 : i32
      %add3A_93 = arith.addi %mul3A_91, %add3A_92 : i32
      %dma_start3A = arith.constant 0 : i32
      %dma_start3A_94 = arith.constant 0 : i32
      %dma_start3A_95 = tpu.memref_slice %arg6[%dma_start3A, %dma_start3A_94] : memref<2048x16xf32, #tpu.memory_space<vmem>> -> memref<128x16xf32, #tpu.memory_space<vmem>>
      %dma_start3A_96 = arith.constant 0 : i32
      %dma_start3A_97 = tpu.memref_slice %arg5[%add3A_33, %dma_start3A_96] : memref<64x128xi32, #tpu.memory_space<vmem>> -> memref<1x128xi32, #tpu.memory_space<vmem>>
      %dma_start3A_98 = tpu.memref_squeeze %dma_start3A_97 : memref<1x128xi32, #tpu.memory_space<vmem>> -> memref<128xi32, #tpu.memory_space<vmem>>
      %dma_start3A_99 = arith.constant 0 : i32
      %dma_start3A_100 = arith.constant 0 : i32
      %dma_start3A_101 = tpu.memref_slice %arg2[%dma_start3A_99, %dma_start3A_100] : memref<819200x16xf32, #tpu.memory_space<hbm>> -> memref<819200x16xf32, #tpu.memory_space<hbm>>
      tpu.enqueue_indirect_dma source(%dma_start3A_101 : memref<819200x16xf32, #tpu.memory_space<hbm>>) target(%dma_start3A_95 : memref<128x16xf32, #tpu.memory_space<vmem>>) offsets(%dma_start3A_98 : memref<128xi32, #tpu.memory_space<vmem>>) semaphore(%arg8 : memref<!tpu.dma_semaphore, #tpu.memory_space<semaphore_mem>>)
      %dma_start3A_102 = arith.constant 128 : i32
      %dma_start3A_103 = arith.constant 0 : i32
      %dma_start3A_104 = tpu.memref_slice %arg6[%dma_start3A_102, %dma_start3A_103] : memref<2048x16xf32, #tpu.memory_space<vmem>> -> memref<128x16xf32, #tpu.memory_space<vmem>>
      %dma_start3A_105 = arith.constant 0 : i32
      %dma_start3A_106 = tpu.memref_slice %arg5[%add3A_37, %dma_start3A_105] : memref<64x128xi32, #tpu.memory_space<vmem>> -> memref<1x128xi32, #tpu.memory_space<vmem>>
      %dma_start3A_107 = tpu.memref_squeeze %dma_start3A_106 : memref<1x128xi32, #tpu.memory_space<vmem>> -> memref<128xi32, #tpu.memory_space<vmem>>
      %dma_start3A_108 = arith.constant 0 : i32
      %dma_start3A_109 = arith.constant 0 : i32
      %dma_start3A_110 = tpu.memref_slice %arg2[%dma_start3A_108, %dma_start3A_109] : memref<819200x16xf32, #tpu.memory_space<hbm>> -> memref<819200x16xf32, #tpu.memory_space<hbm>>
      tpu.enqueue_indirect_dma source(%dma_start3A_110 : memref<819200x16xf32, #tpu.memory_space<hbm>>) target(%dma_start3A_104 : memref<128x16xf32, #tpu.memory_space<vmem>>) offsets(%dma_start3A_107 : memref<128xi32, #tpu.memory_space<vmem>>) semaphore(%arg8 : memref<!tpu.dma_semaphore, #tpu.memory_space<semaphore_mem>>)
      %dma_start3A_111 = arith.constant 256 : i32
      %dma_start3A_112 = arith.constant 0 : i32
      %dma_start3A_113 = tpu.memref_slice %arg6[%dma_start3A_111, %dma_start3A_112] : memref<2048x16xf32, #tpu.memory_space<vmem>> -> memref<128x16xf32, #tpu.memory_space<vmem>>
      %dma_start3A_114 = arith.constant 0 : i32
      %dma_start3A_115 = tpu.memref_slice %arg5[%add3A_41, %dma_start3A_114] : memref<64x128xi32, #tpu.memory_space<vmem>> -> memref<1x128xi32, #tpu.memory_space<vmem>>
      %dma_start3A_116 = tpu.memref_squeeze %dma_start3A_115 : memref<1x128xi32, #tpu.memory_space<vmem>> -> memref<128xi32, #tpu.memory_space<vmem>>
      %dma_start3A_117 = arith.constant 0 : i32
      %dma_start3A_118 = arith.constant 0 : i32
      %dma_start3A_119 = tpu.memref_slice %arg2[%dma_start3A_117, %dma_start3A_118] : memref<819200x16xf32, #tpu.memory_space<hbm>> -> memref<819200x16xf32, #tpu.memory_space<hbm>>
      tpu.enqueue_indirect_dma source(%dma_start3A_119 : memref<819200x16xf32, #tpu.memory_space<hbm>>) target(%dma_start3A_113 : memref<128x16xf32, #tpu.memory_space<vmem>>) offsets(%dma_start3A_116 : memref<128xi32, #tpu.memory_space<vmem>>) semaphore(%arg8 : memref<!tpu.dma_semaphore, #tpu.memory_space<semaphore_mem>>)
      %dma_start3A_120 = arith.constant 384 : i32
      %dma_start3A_121 = arith.constant 0 : i32
      %dma_start3A_122 = tpu.memref_slice %arg6[%dma_start3A_120, %dma_start3A_121] : memref<2048x16xf32, #tpu.memory_space<vmem>> -> memref<128x16xf32, #tpu.memory_space<vmem>>
      %dma_start3A_123 = arith.constant 0 : i32
      %dma_start3A_124 = tpu.memref_slice %arg5[%add3A_45, %dma_start3A_123] : memref<64x128xi32, #tpu.memory_space<vmem>> -> memref<1x128xi32, #tpu.memory_space<vmem>>
      %dma_start3A_125 = tpu.memref_squeeze %dma_start3A_124 : memref<1x128xi32, #tpu.memory_space<vmem>> -> memref<128xi32, #tpu.memory_space<vmem>>
      %dma_start3A_126 = arith.constant 0 : i32
      %dma_start3A_127 = arith.constant 0 : i32
      %dma_start3A_128 = tpu.memref_slice %arg2[%dma_start3A_126, %dma_start3A_127] : memref<819200x16xf32, #tpu.memory_space<hbm>> -> memref<819200x16xf32, #tpu.memory_space<hbm>>
      tpu.enqueue_indirect_dma source(%dma_start3A_128 : memref<819200x16xf32, #tpu.memory_space<hbm>>) target(%dma_start3A_122 : memref<128x16xf32, #tpu.memory_space<vmem>>) offsets(%dma_start3A_125 : memref<128xi32, #tpu.memory_space<vmem>>) semaphore(%arg8 : memref<!tpu.dma_semaphore, #tpu.memory_space<semaphore_mem>>)
      %dma_start3A_129 = arith.constant 512 : i32
      %dma_start3A_130 = arith.constant 0 : i32
      %dma_start3A_131 = tpu.memref_slice %arg6[%dma_start3A_129, %dma_start3A_130] : memref<2048x16xf32, #tpu.memory_space<vmem>> -> memref<128x16xf32, #tpu.memory_space<vmem>>
      %dma_start3A_132 = arith.constant 0 : i32
      %dma_start3A_133 = tpu.memref_slice %arg5[%add3A_49, %dma_start3A_132] : memref<64x128xi32, #tpu.memory_space<vmem>> -> memref<1x128xi32, #tpu.memory_space<vmem>>
      %dma_start3A_134 = tpu.memref_squeeze %dma_start3A_133 : memref<1x128xi32, #tpu.memory_space<vmem>> -> memref<128xi32, #tpu.memory_space<vmem>>
      %dma_start3A_135 = arith.constant 0 : i32
      %dma_start3A_136 = arith.constant 0 : i32
      %dma_start3A_137 = tpu.memref_slice %arg2[%dma_start3A_135, %dma_start3A_136] : memref<819200x16xf32, #tpu.memory_space<hbm>> -> memref<819200x16xf32, #tpu.memory_space<hbm>>
      tpu.enqueue_indirect_dma source(%dma_start3A_137 : memref<819200x16xf32, #tpu.memory_space<hbm>>) target(%dma_start3A_131 : memref<128x16xf32, #tpu.memory_space<vmem>>) offsets(%dma_start3A_134 : memref<128xi32, #tpu.memory_space<vmem>>) semaphore(%arg8 : memref<!tpu.dma_semaphore, #tpu.memory_space<semaphore_mem>>)
      %dma_start3A_138 = arith.constant 640 : i32
      %dma_start3A_139 = arith.constant 0 : i32
      %dma_start3A_140 = tpu.memref_slice %arg6[%dma_start3A_138, %dma_start3A_139] : memref<2048x16xf32, #tpu.memory_space<vmem>> -> memref<128x16xf32, #tpu.memory_space<vmem>>
      %dma_start3A_141 = arith.constant 0 : i32
      %dma_start3A_142 = tpu.memref_slice %arg5[%add3A_53, %dma_start3A_141] : memref<64x128xi32, #tpu.memory_space<vmem>> -> memref<1x128xi32, #tpu.memory_space<vmem>>
      %dma_start3A_143 = tpu.memref_squeeze %dma_start3A_142 : memref<1x128xi32, #tpu.memory_space<vmem>> -> memref<128xi32, #tpu.memory_space<vmem>>
      %dma_start3A_144 = arith.constant 0 : i32
      %dma_start3A_145 = arith.constant 0 : i32
      %dma_start3A_146 = tpu.memref_slice %arg2[%dma_start3A_144, %dma_start3A_145] : memref<819200x16xf32, #tpu.memory_space<hbm>> -> memref<819200x16xf32, #tpu.memory_space<hbm>>
      tpu.enqueue_indirect_dma source(%dma_start3A_146 : memref<819200x16xf32, #tpu.memory_space<hbm>>) target(%dma_start3A_140 : memref<128x16xf32, #tpu.memory_space<vmem>>) offsets(%dma_start3A_143 : memref<128xi32, #tpu.memory_space<vmem>>) semaphore(%arg8 : memref<!tpu.dma_semaphore, #tpu.memory_space<semaphore_mem>>)
      %dma_start3A_147 = arith.constant 768 : i32
      %dma_start3A_148 = arith.constant 0 : i32
      %dma_start3A_149 = tpu.memref_slice %arg6[%dma_start3A_147, %dma_start3A_148] : memref<2048x16xf32, #tpu.memory_space<vmem>> -> memref<128x16xf32, #tpu.memory_space<vmem>>
      %dma_start3A_150 = arith.constant 0 : i32
      %dma_start3A_151 = tpu.memref_slice %arg5[%add3A_57, %dma_start3A_150] : memref<64x128xi32, #tpu.memory_space<vmem>> -> memref<1x128xi32, #tpu.memory_space<vmem>>
      %dma_start3A_152 = tpu.memref_squeeze %dma_start3A_151 : memref<1x128xi32, #tpu.memory_space<vmem>> -> memref<128xi32, #tpu.memory_space<vmem>>
      %dma_start3A_153 = arith.constant 0 : i32
      %dma_start3A_154 = arith.constant 0 : i32
      %dma_start3A_155 = tpu.memref_slice %arg2[%dma_start3A_153, %dma_start3A_154] : memref<819200x16xf32, #tpu.memory_space<hbm>> -> memref<819200x16xf32, #tpu.memory_space<hbm>>
      tpu.enqueue_indirect_dma source(%dma_start3A_155 : memref<819200x16xf32, #tpu.memory_space<hbm>>) target(%dma_start3A_149 : memref<128x16xf32, #tpu.memory_space<vmem>>) offsets(%dma_start3A_152 : memref<128xi32, #tpu.memory_space<vmem>>) semaphore(%arg8 : memref<!tpu.dma_semaphore, #tpu.memory_space<semaphore_mem>>)
      %dma_start3A_156 = arith.constant 896 : i32
      %dma_start3A_157 = arith.constant 0 : i32
      %dma_start3A_158 = tpu.memref_slice %arg6[%dma_start3A_156, %dma_start3A_157] : memref<2048x16xf32, #tpu.memory_space<vmem>> -> memref<128x16xf32, #tpu.memory_space<vmem>>
      %dma_start3A_159 = arith.constant 0 : i32
      %dma_start3A_160 = tpu.memref_slice %arg5[%add3A_61, %dma_start3A_159] : memref<64x128xi32, #tpu.memory_space<vmem>> -> memref<1x128xi32, #tpu.memory_space<vmem>>
      %dma_start3A_161 = tpu.memref_squeeze %dma_start3A_160 : memref<1x128xi32, #tpu.memory_space<vmem>> -> memref<128xi32, #tpu.memory_space<vmem>>
      %dma_start3A_162 = arith.constant 0 : i32
      %dma_start3A_163 = arith.constant 0 : i32
      %dma_start3A_164 = tpu.memref_slice %arg2[%dma_start3A_162, %dma_start3A_163] : memref<819200x16xf32, #tpu.memory_space<hbm>> -> memref<819200x16xf32, #tpu.memory_space<hbm>>
      tpu.enqueue_indirect_dma source(%dma_start3A_164 : memref<819200x16xf32, #tpu.memory_space<hbm>>) target(%dma_start3A_158 : memref<128x16xf32, #tpu.memory_space<vmem>>) offsets(%dma_start3A_161 : memref<128xi32, #tpu.memory_space<vmem>>) semaphore(%arg8 : memref<!tpu.dma_semaphore, #tpu.memory_space<semaphore_mem>>)
      %dma_start3A_165 = arith.constant 1024 : i32
      %dma_start3A_166 = arith.constant 0 : i32
      %dma_start3A_167 = tpu.memref_slice %arg6[%dma_start3A_165, %dma_start3A_166] : memref<2048x16xf32, #tpu.memory_space<vmem>> -> memref<128x16xf32, #tpu.memory_space<vmem>>
      %dma_start3A_168 = arith.constant 0 : i32
      %dma_start3A_169 = tpu.memref_slice %arg5[%add3A_65, %dma_start3A_168] : memref<64x128xi32, #tpu.memory_space<vmem>> -> memref<1x128xi32, #tpu.memory_space<vmem>>
      %dma_start3A_170 = tpu.memref_squeeze %dma_start3A_169 : memref<1x128xi32, #tpu.memory_space<vmem>> -> memref<128xi32, #tpu.memory_space<vmem>>
      %dma_start3A_171 = arith.constant 0 : i32
      %dma_start3A_172 = arith.constant 0 : i32
      %dma_start3A_173 = tpu.memref_slice %arg2[%dma_start3A_171, %dma_start3A_172] : memref<819200x16xf32, #tpu.memory_space<hbm>> -> memref<819200x16xf32, #tpu.memory_space<hbm>>
      tpu.enqueue_indirect_dma source(%dma_start3A_173 : memref<819200x16xf32, #tpu.memory_space<hbm>>) target(%dma_start3A_167 : memref<128x16xf32, #tpu.memory_space<vmem>>) offsets(%dma_start3A_170 : memref<128xi32, #tpu.memory_space<vmem>>) semaphore(%arg8 : memref<!tpu.dma_semaphore, #tpu.memory_space<semaphore_mem>>)
      %dma_start3A_174 = arith.constant 1152 : i32
      %dma_start3A_175 = arith.constant 0 : i32
      %dma_start3A_176 = tpu.memref_slice %arg6[%dma_start3A_174, %dma_start3A_175] : memref<2048x16xf32, #tpu.memory_space<vmem>> -> memref<128x16xf32, #tpu.memory_space<vmem>>
      %dma_start3A_177 = arith.constant 0 : i32
      %dma_start3A_178 = tpu.memref_slice %arg5[%add3A_69, %dma_start3A_177] : memref<64x128xi32, #tpu.memory_space<vmem>> -> memref<1x128xi32, #tpu.memory_space<vmem>>
      %dma_start3A_179 = tpu.memref_squeeze %dma_start3A_178 : memref<1x128xi32, #tpu.memory_space<vmem>> -> memref<128xi32, #tpu.memory_space<vmem>>
      %dma_start3A_180 = arith.constant 0 : i32
      %dma_start3A_181 = arith.constant 0 : i32
      %dma_start3A_182 = tpu.memref_slice %arg2[%dma_start3A_180, %dma_start3A_181] : memref<819200x16xf32, #tpu.memory_space<hbm>> -> memref<819200x16xf32, #tpu.memory_space<hbm>>
      tpu.enqueue_indirect_dma source(%dma_start3A_182 : memref<819200x16xf32, #tpu.memory_space<hbm>>) target(%dma_start3A_176 : memref<128x16xf32, #tpu.memory_space<vmem>>) offsets(%dma_start3A_179 : memref<128xi32, #tpu.memory_space<vmem>>) semaphore(%arg8 : memref<!tpu.dma_semaphore, #tpu.memory_space<semaphore_mem>>)
      %dma_start3A_183 = arith.constant 1280 : i32
      %dma_start3A_184 = arith.constant 0 : i32
      %dma_start3A_185 = tpu.memref_slice %arg6[%dma_start3A_183, %dma_start3A_184] : memref<2048x16xf32, #tpu.memory_space<vmem>> -> memref<128x16xf32, #tpu.memory_space<vmem>>
      %dma_start3A_186 = arith.constant 0 : i32
      %dma_start3A_187 = tpu.memref_slice %arg5[%add3A_73, %dma_start3A_186] : memref<64x128xi32, #tpu.memory_space<vmem>> -> memref<1x128xi32, #tpu.memory_space<vmem>>
      %dma_start3A_188 = tpu.memref_squeeze %dma_start3A_187 : memref<1x128xi32, #tpu.memory_space<vmem>> -> memref<128xi32, #tpu.memory_space<vmem>>
      %dma_start3A_189 = arith.constant 0 : i32
      %dma_start3A_190 = arith.constant 0 : i32
      %dma_start3A_191 = tpu.memref_slice %arg2[%dma_start3A_189, %dma_start3A_190] : memref<819200x16xf32, #tpu.memory_space<hbm>> -> memref<819200x16xf32, #tpu.memory_space<hbm>>
      tpu.enqueue_indirect_dma source(%dma_start3A_191 : memref<819200x16xf32, #tpu.memory_space<hbm>>) target(%dma_start3A_185 : memref<128x16xf32, #tpu.memory_space<vmem>>) offsets(%dma_start3A_188 : memref<128xi32, #tpu.memory_space<vmem>>) semaphore(%arg8 : memref<!tpu.dma_semaphore, #tpu.memory_space<semaphore_mem>>)
      %dma_start3A_192 = arith.constant 1408 : i32
      %dma_start3A_193 = arith.constant 0 : i32
      %dma_start3A_194 = tpu.memref_slice %arg6[%dma_start3A_192, %dma_start3A_193] : memref<2048x16xf32, #tpu.memory_space<vmem>> -> memref<128x16xf32, #tpu.memory_space<vmem>>
      %dma_start3A_195 = arith.constant 0 : i32
      %dma_start3A_196 = tpu.memref_slice %arg5[%add3A_77, %dma_start3A_195] : memref<64x128xi32, #tpu.memory_space<vmem>> -> memref<1x128xi32, #tpu.memory_space<vmem>>
      %dma_start3A_197 = tpu.memref_squeeze %dma_start3A_196 : memref<1x128xi32, #tpu.memory_space<vmem>> -> memref<128xi32, #tpu.memory_space<vmem>>
      %dma_start3A_198 = arith.constant 0 : i32
      %dma_start3A_199 = arith.constant 0 : i32
      %dma_start3A_200 = tpu.memref_slice %arg2[%dma_start3A_198, %dma_start3A_199] : memref<819200x16xf32, #tpu.memory_space<hbm>> -> memref<819200x16xf32, #tpu.memory_space<hbm>>
      tpu.enqueue_indirect_dma source(%dma_start3A_200 : memref<819200x16xf32, #tpu.memory_space<hbm>>) target(%dma_start3A_194 : memref<128x16xf32, #tpu.memory_space<vmem>>) offsets(%dma_start3A_197 : memref<128xi32, #tpu.memory_space<vmem>>) semaphore(%arg8 : memref<!tpu.dma_semaphore, #tpu.memory_space<semaphore_mem>>)
      %dma_start3A_201 = arith.constant 1536 : i32
      %dma_start3A_202 = arith.constant 0 : i32
      %dma_start3A_203 = tpu.memref_slice %arg6[%dma_start3A_201, %dma_start3A_202] : memref<2048x16xf32, #tpu.memory_space<vmem>> -> memref<128x16xf32, #tpu.memory_space<vmem>>
      %dma_start3A_204 = arith.constant 0 : i32
      %dma_start3A_205 = tpu.memref_slice %arg5[%add3A_81, %dma_start3A_204] : memref<64x128xi32, #tpu.memory_space<vmem>> -> memref<1x128xi32, #tpu.memory_space<vmem>>
      %dma_start3A_206 = tpu.memref_squeeze %dma_start3A_205 : memref<1x128xi32, #tpu.memory_space<vmem>> -> memref<128xi32, #tpu.memory_space<vmem>>
      %dma_start3A_207 = arith.constant 0 : i32
      %dma_start3A_208 = arith.constant 0 : i32
      %dma_start3A_209 = tpu.memref_slice %arg2[%dma_start3A_207, %dma_start3A_208] : memref<819200x16xf32, #tpu.memory_space<hbm>> -> memref<819200x16xf32, #tpu.memory_space<hbm>>
      tpu.enqueue_indirect_dma source(%dma_start3A_209 : memref<819200x16xf32, #tpu.memory_space<hbm>>) target(%dma_start3A_203 : memref<128x16xf32, #tpu.memory_space<vmem>>) offsets(%dma_start3A_206 : memref<128xi32, #tpu.memory_space<vmem>>) semaphore(%arg8 : memref<!tpu.dma_semaphore, #tpu.memory_space<semaphore_mem>>)
      %dma_start3A_210 = arith.constant 1664 : i32
      %dma_start3A_211 = arith.constant 0 : i32
      %dma_start3A_212 = tpu.memref_slice %arg6[%dma_start3A_210, %dma_start3A_211] : memref<2048x16xf32, #tpu.memory_space<vmem>> -> memref<128x16xf32, #tpu.memory_space<vmem>>
      %dma_start3A_213 = arith.constant 0 : i32
      %dma_start3A_214 = tpu.memref_slice %arg5[%add3A_85, %dma_start3A_213] : memref<64x128xi32, #tpu.memory_space<vmem>> -> memref<1x128xi32, #tpu.memory_space<vmem>>
      %dma_start3A_215 = tpu.memref_squeeze %dma_start3A_214 : memref<1x128xi32, #tpu.memory_space<vmem>> -> memref<128xi32, #tpu.memory_space<vmem>>
      %dma_start3A_216 = arith.constant 0 : i32
      %dma_start3A_217 = arith.constant 0 : i32
      %dma_start3A_218 = tpu.memref_slice %arg2[%dma_start3A_216, %dma_start3A_217] : memref<819200x16xf32, #tpu.memory_space<hbm>> -> memref<819200x16xf32, #tpu.memory_space<hbm>>
      tpu.enqueue_indirect_dma source(%dma_start3A_218 : memref<819200x16xf32, #tpu.memory_space<hbm>>) target(%dma_start3A_212 : memref<128x16xf32, #tpu.memory_space<vmem>>) offsets(%dma_start3A_215 : memref<128xi32, #tpu.memory_space<vmem>>) semaphore(%arg8 : memref<!tpu.dma_semaphore, #tpu.memory_space<semaphore_mem>>)
      %dma_start3A_219 = arith.constant 1792 : i32
      %dma_start3A_220 = arith.constant 0 : i32
      %dma_start3A_221 = tpu.memref_slice %arg6[%dma_start3A_219, %dma_start3A_220] : memref<2048x16xf32, #tpu.memory_space<vmem>> -> memref<128x16xf32, #tpu.memory_space<vmem>>
      %dma_start3A_222 = arith.constant 0 : i32
      %dma_start3A_223 = tpu.memref_slice %arg5[%add3A_89, %dma_start3A_222] : memref<64x128xi32, #tpu.memory_space<vmem>> -> memref<1x128xi32, #tpu.memory_space<vmem>>
      %dma_start3A_224 = tpu.memref_squeeze %dma_start3A_223 : memref<1x128xi32, #tpu.memory_space<vmem>> -> memref<128xi32, #tpu.memory_space<vmem>>
      %dma_start3A_225 = arith.constant 0 : i32
      %dma_start3A_226 = arith.constant 0 : i32
      %dma_start3A_227 = tpu.memref_slice %arg2[%dma_start3A_225, %dma_start3A_226] : memref<819200x16xf32, #tpu.memory_space<hbm>> -> memref<819200x16xf32, #tpu.memory_space<hbm>>
      tpu.enqueue_indirect_dma source(%dma_start3A_227 : memref<819200x16xf32, #tpu.memory_space<hbm>>) target(%dma_start3A_221 : memref<128x16xf32, #tpu.memory_space<vmem>>) offsets(%dma_start3A_224 : memref<128xi32, #tpu.memory_space<vmem>>) semaphore(%arg8 : memref<!tpu.dma_semaphore, #tpu.memory_space<semaphore_mem>>)
      %dma_start3A_228 = arith.constant 1920 : i32
      %dma_start3A_229 = arith.constant 0 : i32
      %dma_start3A_230 = tpu.memref_slice %arg6[%dma_start3A_228, %dma_start3A_229] : memref<2048x16xf32, #tpu.memory_space<vmem>> -> memref<128x16xf32, #tpu.memory_space<vmem>>
      %dma_start3A_231 = arith.constant 0 : i32
      %dma_start3A_232 = tpu.memref_slice %arg5[%add3A_93, %dma_start3A_231] : memref<64x128xi32, #tpu.memory_space<vmem>> -> memref<1x128xi32, #tpu.memory_space<vmem>>
      %dma_start3A_233 = tpu.memref_squeeze %dma_start3A_232 : memref<1x128xi32, #tpu.memory_space<vmem>> -> memref<128xi32, #tpu.memory_space<vmem>>
      %dma_start3A_234 = arith.constant 0 : i32
      %dma_start3A_235 = arith.constant 0 : i32
      %dma_start3A_236 = tpu.memref_slice %arg2[%dma_start3A_234, %dma_start3A_235] : memref<819200x16xf32, #tpu.memory_space<hbm>> -> memref<819200x16xf32, #tpu.memory_space<hbm>>
      tpu.enqueue_indirect_dma source(%dma_start3A_236 : memref<819200x16xf32, #tpu.memory_space<hbm>>) target(%dma_start3A_230 : memref<128x16xf32, #tpu.memory_space<vmem>>) offsets(%dma_start3A_233 : memref<128xi32, #tpu.memory_space<vmem>>) semaphore(%arg8 : memref<!tpu.dma_semaphore, #tpu.memory_space<semaphore_mem>>)
      %dma_wait3A_237 = arith.constant 0 : i32
      %dma_wait3A_238 = arith.constant 0 : i32
      %dma_wait3A_239 = tpu.memref_slice %arg6[%dma_wait3A_237, %dma_wait3A_238] : memref<2048x16xf32, #tpu.memory_space<vmem>> -> memref<128x16xf32, #tpu.memory_space<vmem>>
      %dma_wait3A_240 = arith.constant 0 : i32
      %dma_wait3A_241 = tpu.memref_slice %arg5[%add3A_33, %dma_wait3A_240] : memref<64x128xi32, #tpu.memory_space<vmem>> -> memref<1x128xi32, #tpu.memory_space<vmem>>
      %dma_wait3A_242 = tpu.memref_squeeze %dma_wait3A_241 : memref<1x128xi32, #tpu.memory_space<vmem>> -> memref<128xi32, #tpu.memory_space<vmem>>
      %dma_wait3A_243 = arith.constant 0 : i32
      %dma_wait3A_244 = arith.constant 0 : i32
      %dma_wait3A_245 = tpu.memref_slice %arg2[%dma_wait3A_243, %dma_wait3A_244] : memref<819200x16xf32, #tpu.memory_space<hbm>> -> memref<819200x16xf32, #tpu.memory_space<hbm>>
      tpu.wait_indirect_dma semaphore(%arg8 : memref<!tpu.dma_semaphore, #tpu.memory_space<semaphore_mem>>) src(%dma_wait3A_245 : memref<819200x16xf32, #tpu.memory_space<hbm>>) dst(%dma_wait3A_239 : memref<128x16xf32, #tpu.memory_space<vmem>>)
      %dma_wait3A_246 = arith.constant 128 : i32
      %dma_wait3A_247 = arith.constant 0 : i32
      %dma_wait3A_248 = tpu.memref_slice %arg6[%dma_wait3A_246, %dma_wait3A_247] : memref<2048x16xf32, #tpu.memory_space<vmem>> -> memref<128x16xf32, #tpu.memory_space<vmem>>
      %dma_wait3A_249 = arith.constant 0 : i32
      %dma_wait3A_250 = tpu.memref_slice %arg5[%add3A_37, %dma_wait3A_249] : memref<64x128xi32, #tpu.memory_space<vmem>> -> memref<1x128xi32, #tpu.memory_space<vmem>>
      %dma_wait3A_251 = tpu.memref_squeeze %dma_wait3A_250 : memref<1x128xi32, #tpu.memory_space<vmem>> -> memref<128xi32, #tpu.memory_space<vmem>>
      %dma_wait3A_252 = arith.constant 0 : i32
      %dma_wait3A_253 = arith.constant 0 : i32
      %dma_wait3A_254 = tpu.memref_slice %arg2[%dma_wait3A_252, %dma_wait3A_253] : memref<819200x16xf32, #tpu.memory_space<hbm>> -> memref<819200x16xf32, #tpu.memory_space<hbm>>
      tpu.wait_indirect_dma semaphore(%arg8 : memref<!tpu.dma_semaphore, #tpu.memory_space<semaphore_mem>>) src(%dma_wait3A_254 : memref<819200x16xf32, #tpu.memory_space<hbm>>) dst(%dma_wait3A_248 : memref<128x16xf32, #tpu.memory_space<vmem>>)
      %dma_wait3A_255 = arith.constant 256 : i32
      %dma_wait3A_256 = arith.constant 0 : i32
      %dma_wait3A_257 = tpu.memref_slice %arg6[%dma_wait3A_255, %dma_wait3A_256] : memref<2048x16xf32, #tpu.memory_space<vmem>> -> memref<128x16xf32, #tpu.memory_space<vmem>>
      %dma_wait3A_258 = arith.constant 0 : i32
      %dma_wait3A_259 = tpu.memref_slice %arg5[%add3A_41, %dma_wait3A_258] : memref<64x128xi32, #tpu.memory_space<vmem>> -> memref<1x128xi32, #tpu.memory_space<vmem>>
      %dma_wait3A_260 = tpu.memref_squeeze %dma_wait3A_259 : memref<1x128xi32, #tpu.memory_space<vmem>> -> memref<128xi32, #tpu.memory_space<vmem>>
      %dma_wait3A_261 = arith.constant 0 : i32
      %dma_wait3A_262 = arith.constant 0 : i32
      %dma_wait3A_263 = tpu.memref_slice %arg2[%dma_wait3A_261, %dma_wait3A_262] : memref<819200x16xf32, #tpu.memory_space<hbm>> -> memref<819200x16xf32, #tpu.memory_space<hbm>>
      tpu.wait_indirect_dma semaphore(%arg8 : memref<!tpu.dma_semaphore, #tpu.memory_space<semaphore_mem>>) src(%dma_wait3A_263 : memref<819200x16xf32, #tpu.memory_space<hbm>>) dst(%dma_wait3A_257 : memref<128x16xf32, #tpu.memory_space<vmem>>)
      %dma_wait3A_264 = arith.constant 384 : i32
      %dma_wait3A_265 = arith.constant 0 : i32
      %dma_wait3A_266 = tpu.memref_slice %arg6[%dma_wait3A_264, %dma_wait3A_265] : memref<2048x16xf32, #tpu.memory_space<vmem>> -> memref<128x16xf32, #tpu.memory_space<vmem>>
      %dma_wait3A_267 = arith.constant 0 : i32
      %dma_wait3A_268 = tpu.memref_slice %arg5[%add3A_45, %dma_wait3A_267] : memref<64x128xi32, #tpu.memory_space<vmem>> -> memref<1x128xi32, #tpu.memory_space<vmem>>
      %dma_wait3A_269 = tpu.memref_squeeze %dma_wait3A_268 : memref<1x128xi32, #tpu.memory_space<vmem>> -> memref<128xi32, #tpu.memory_space<vmem>>
      %dma_wait3A_270 = arith.constant 0 : i32
      %dma_wait3A_271 = arith.constant 0 : i32
      %dma_wait3A_272 = tpu.memref_slice %arg2[%dma_wait3A_270, %dma_wait3A_271] : memref<819200x16xf32, #tpu.memory_space<hbm>> -> memref<819200x16xf32, #tpu.memory_space<hbm>>
      tpu.wait_indirect_dma semaphore(%arg8 : memref<!tpu.dma_semaphore, #tpu.memory_space<semaphore_mem>>) src(%dma_wait3A_272 : memref<819200x16xf32, #tpu.memory_space<hbm>>) dst(%dma_wait3A_266 : memref<128x16xf32, #tpu.memory_space<vmem>>)
      %dma_wait3A_273 = arith.constant 512 : i32
      %dma_wait3A_274 = arith.constant 0 : i32
      %dma_wait3A_275 = tpu.memref_slice %arg6[%dma_wait3A_273, %dma_wait3A_274] : memref<2048x16xf32, #tpu.memory_space<vmem>> -> memref<128x16xf32, #tpu.memory_space<vmem>>
      %dma_wait3A_276 = arith.constant 0 : i32
      %dma_wait3A_277 = tpu.memref_slice %arg5[%add3A_49, %dma_wait3A_276] : memref<64x128xi32, #tpu.memory_space<vmem>> -> memref<1x128xi32, #tpu.memory_space<vmem>>
      %dma_wait3A_278 = tpu.memref_squeeze %dma_wait3A_277 : memref<1x128xi32, #tpu.memory_space<vmem>> -> memref<128xi32, #tpu.memory_space<vmem>>
      %dma_wait3A_279 = arith.constant 0 : i32
      %dma_wait3A_280 = arith.constant 0 : i32
      %dma_wait3A_281 = tpu.memref_slice %arg2[%dma_wait3A_279, %dma_wait3A_280] : memref<819200x16xf32, #tpu.memory_space<hbm>> -> memref<819200x16xf32, #tpu.memory_space<hbm>>
      tpu.wait_indirect_dma semaphore(%arg8 : memref<!tpu.dma_semaphore, #tpu.memory_space<semaphore_mem>>) src(%dma_wait3A_281 : memref<819200x16xf32, #tpu.memory_space<hbm>>) dst(%dma_wait3A_275 : memref<128x16xf32, #tpu.memory_space<vmem>>)
      %dma_wait3A_282 = arith.constant 640 : i32
      %dma_wait3A_283 = arith.constant 0 : i32
      %dma_wait3A_284 = tpu.memref_slice %arg6[%dma_wait3A_282, %dma_wait3A_283] : memref<2048x16xf32, #tpu.memory_space<vmem>> -> memref<128x16xf32, #tpu.memory_space<vmem>>
      %dma_wait3A_285 = arith.constant 0 : i32
      %dma_wait3A_286 = tpu.memref_slice %arg5[%add3A_53, %dma_wait3A_285] : memref<64x128xi32, #tpu.memory_space<vmem>> -> memref<1x128xi32, #tpu.memory_space<vmem>>
      %dma_wait3A_287 = tpu.memref_squeeze %dma_wait3A_286 : memref<1x128xi32, #tpu.memory_space<vmem>> -> memref<128xi32, #tpu.memory_space<vmem>>
      %dma_wait3A_288 = arith.constant 0 : i32
      %dma_wait3A_289 = arith.constant 0 : i32
      %dma_wait3A_290 = tpu.memref_slice %arg2[%dma_wait3A_288, %dma_wait3A_289] : memref<819200x16xf32, #tpu.memory_space<hbm>> -> memref<819200x16xf32, #tpu.memory_space<hbm>>
      tpu.wait_indirect_dma semaphore(%arg8 : memref<!tpu.dma_semaphore, #tpu.memory_space<semaphore_mem>>) src(%dma_wait3A_290 : memref<819200x16xf32, #tpu.memory_space<hbm>>) dst(%dma_wait3A_284 : memref<128x16xf32, #tpu.memory_space<vmem>>)
      %dma_wait3A_291 = arith.constant 768 : i32
      %dma_wait3A_292 = arith.constant 0 : i32
      %dma_wait3A_293 = tpu.memref_slice %arg6[%dma_wait3A_291, %dma_wait3A_292] : memref<2048x16xf32, #tpu.memory_space<vmem>> -> memref<128x16xf32, #tpu.memory_space<vmem>>
      %dma_wait3A_294 = arith.constant 0 : i32
      %dma_wait3A_295 = tpu.memref_slice %arg5[%add3A_57, %dma_wait3A_294] : memref<64x128xi32, #tpu.memory_space<vmem>> -> memref<1x128xi32, #tpu.memory_space<vmem>>
      %dma_wait3A_296 = tpu.memref_squeeze %dma_wait3A_295 : memref<1x128xi32, #tpu.memory_space<vmem>> -> memref<128xi32, #tpu.memory_space<vmem>>
      %dma_wait3A_297 = arith.constant 0 : i32
      %dma_wait3A_298 = arith.constant 0 : i32
      %dma_wait3A_299 = tpu.memref_slice %arg2[%dma_wait3A_297, %dma_wait3A_298] : memref<819200x16xf32, #tpu.memory_space<hbm>> -> memref<819200x16xf32, #tpu.memory_space<hbm>>
      tpu.wait_indirect_dma semaphore(%arg8 : memref<!tpu.dma_semaphore, #tpu.memory_space<semaphore_mem>>) src(%dma_wait3A_299 : memref<819200x16xf32, #tpu.memory_space<hbm>>) dst(%dma_wait3A_293 : memref<128x16xf32, #tpu.memory_space<vmem>>)
      %dma_wait3A_300 = arith.constant 896 : i32
      %dma_wait3A_301 = arith.constant 0 : i32
      %dma_wait3A_302 = tpu.memref_slice %arg6[%dma_wait3A_300, %dma_wait3A_301] : memref<2048x16xf32, #tpu.memory_space<vmem>> -> memref<128x16xf32, #tpu.memory_space<vmem>>
      %dma_wait3A_303 = arith.constant 0 : i32
      %dma_wait3A_304 = tpu.memref_slice %arg5[%add3A_61, %dma_wait3A_303] : memref<64x128xi32, #tpu.memory_space<vmem>> -> memref<1x128xi32, #tpu.memory_space<vmem>>
      %dma_wait3A_305 = tpu.memref_squeeze %dma_wait3A_304 : memref<1x128xi32, #tpu.memory_space<vmem>> -> memref<128xi32, #tpu.memory_space<vmem>>
      %dma_wait3A_306 = arith.constant 0 : i32
      %dma_wait3A_307 = arith.constant 0 : i32
      %dma_wait3A_308 = tpu.memref_slice %arg2[%dma_wait3A_306, %dma_wait3A_307] : memref<819200x16xf32, #tpu.memory_space<hbm>> -> memref<819200x16xf32, #tpu.memory_space<hbm>>
      tpu.wait_indirect_dma semaphore(%arg8 : memref<!tpu.dma_semaphore, #tpu.memory_space<semaphore_mem>>) src(%dma_wait3A_308 : memref<819200x16xf32, #tpu.memory_space<hbm>>) dst(%dma_wait3A_302 : memref<128x16xf32, #tpu.memory_space<vmem>>)
      %dma_wait3A_309 = arith.constant 1024 : i32
      %dma_wait3A_310 = arith.constant 0 : i32
      %dma_wait3A_311 = tpu.memref_slice %arg6[%dma_wait3A_309, %dma_wait3A_310] : memref<2048x16xf32, #tpu.memory_space<vmem>> -> memref<128x16xf32, #tpu.memory_space<vmem>>
      %dma_wait3A_312 = arith.constant 0 : i32
      %dma_wait3A_313 = tpu.memref_slice %arg5[%add3A_65, %dma_wait3A_312] : memref<64x128xi32, #tpu.memory_space<vmem>> -> memref<1x128xi32, #tpu.memory_space<vmem>>
      %dma_wait3A_314 = tpu.memref_squeeze %dma_wait3A_313 : memref<1x128xi32, #tpu.memory_space<vmem>> -> memref<128xi32, #tpu.memory_space<vmem>>
      %dma_wait3A_315 = arith.constant 0 : i32
      %dma_wait3A_316 = arith.constant 0 : i32
      %dma_wait3A_317 = tpu.memref_slice %arg2[%dma_wait3A_315, %dma_wait3A_316] : memref<819200x16xf32, #tpu.memory_space<hbm>> -> memref<819200x16xf32, #tpu.memory_space<hbm>>
      tpu.wait_indirect_dma semaphore(%arg8 : memref<!tpu.dma_semaphore, #tpu.memory_space<semaphore_mem>>) src(%dma_wait3A_317 : memref<819200x16xf32, #tpu.memory_space<hbm>>) dst(%dma_wait3A_311 : memref<128x16xf32, #tpu.memory_space<vmem>>)
      %dma_wait3A_318 = arith.constant 1152 : i32
      %dma_wait3A_319 = arith.constant 0 : i32
      %dma_wait3A_320 = tpu.memref_slice %arg6[%dma_wait3A_318, %dma_wait3A_319] : memref<2048x16xf32, #tpu.memory_space<vmem>> -> memref<128x16xf32, #tpu.memory_space<vmem>>
      %dma_wait3A_321 = arith.constant 0 : i32
      %dma_wait3A_322 = tpu.memref_slice %arg5[%add3A_69, %dma_wait3A_321] : memref<64x128xi32, #tpu.memory_space<vmem>> -> memref<1x128xi32, #tpu.memory_space<vmem>>
      %dma_wait3A_323 = tpu.memref_squeeze %dma_wait3A_322 : memref<1x128xi32, #tpu.memory_space<vmem>> -> memref<128xi32, #tpu.memory_space<vmem>>
      %dma_wait3A_324 = arith.constant 0 : i32
      %dma_wait3A_325 = arith.constant 0 : i32
      %dma_wait3A_326 = tpu.memref_slice %arg2[%dma_wait3A_324, %dma_wait3A_325] : memref<819200x16xf32, #tpu.memory_space<hbm>> -> memref<819200x16xf32, #tpu.memory_space<hbm>>
      tpu.wait_indirect_dma semaphore(%arg8 : memref<!tpu.dma_semaphore, #tpu.memory_space<semaphore_mem>>) src(%dma_wait3A_326 : memref<819200x16xf32, #tpu.memory_space<hbm>>) dst(%dma_wait3A_320 : memref<128x16xf32, #tpu.memory_space<vmem>>)
      %dma_wait3A_327 = arith.constant 1280 : i32
      %dma_wait3A_328 = arith.constant 0 : i32
      %dma_wait3A_329 = tpu.memref_slice %arg6[%dma_wait3A_327, %dma_wait3A_328] : memref<2048x16xf32, #tpu.memory_space<vmem>> -> memref<128x16xf32, #tpu.memory_space<vmem>>
      %dma_wait3A_330 = arith.constant 0 : i32
      %dma_wait3A_331 = tpu.memref_slice %arg5[%add3A_73, %dma_wait3A_330] : memref<64x128xi32, #tpu.memory_space<vmem>> -> memref<1x128xi32, #tpu.memory_space<vmem>>
      %dma_wait3A_332 = tpu.memref_squeeze %dma_wait3A_331 : memref<1x128xi32, #tpu.memory_space<vmem>> -> memref<128xi32, #tpu.memory_space<vmem>>
      %dma_wait3A_333 = arith.constant 0 : i32
      %dma_wait3A_334 = arith.constant 0 : i32
      %dma_wait3A_335 = tpu.memref_slice %arg2[%dma_wait3A_333, %dma_wait3A_334] : memref<819200x16xf32, #tpu.memory_space<hbm>> -> memref<819200x16xf32, #tpu.memory_space<hbm>>
      tpu.wait_indirect_dma semaphore(%arg8 : memref<!tpu.dma_semaphore, #tpu.memory_space<semaphore_mem>>) src(%dma_wait3A_335 : memref<819200x16xf32, #tpu.memory_space<hbm>>) dst(%dma_wait3A_329 : memref<128x16xf32, #tpu.memory_space<vmem>>)
      %dma_wait3A_336 = arith.constant 1408 : i32
      %dma_wait3A_337 = arith.constant 0 : i32
      %dma_wait3A_338 = tpu.memref_slice %arg6[%dma_wait3A_336, %dma_wait3A_337] : memref<2048x16xf32, #tpu.memory_space<vmem>> -> memref<128x16xf32, #tpu.memory_space<vmem>>
      %dma_wait3A_339 = arith.constant 0 : i32
      %dma_wait3A_340 = tpu.memref_slice %arg5[%add3A_77, %dma_wait3A_339] : memref<64x128xi32, #tpu.memory_space<vmem>> -> memref<1x128xi32, #tpu.memory_space<vmem>>
      %dma_wait3A_341 = tpu.memref_squeeze %dma_wait3A_340 : memref<1x128xi32, #tpu.memory_space<vmem>> -> memref<128xi32, #tpu.memory_space<vmem>>
      %dma_wait3A_342 = arith.constant 0 : i32
      %dma_wait3A_343 = arith.constant 0 : i32
      %dma_wait3A_344 = tpu.memref_slice %arg2[%dma_wait3A_342, %dma_wait3A_343] : memref<819200x16xf32, #tpu.memory_space<hbm>> -> memref<819200x16xf32, #tpu.memory_space<hbm>>
      tpu.wait_indirect_dma semaphore(%arg8 : memref<!tpu.dma_semaphore, #tpu.memory_space<semaphore_mem>>) src(%dma_wait3A_344 : memref<819200x16xf32, #tpu.memory_space<hbm>>) dst(%dma_wait3A_338 : memref<128x16xf32, #tpu.memory_space<vmem>>)
      %dma_wait3A_345 = arith.constant 1536 : i32
      %dma_wait3A_346 = arith.constant 0 : i32
      %dma_wait3A_347 = tpu.memref_slice %arg6[%dma_wait3A_345, %dma_wait3A_346] : memref<2048x16xf32, #tpu.memory_space<vmem>> -> memref<128x16xf32, #tpu.memory_space<vmem>>
      %dma_wait3A_348 = arith.constant 0 : i32
      %dma_wait3A_349 = tpu.memref_slice %arg5[%add3A_81, %dma_wait3A_348] : memref<64x128xi32, #tpu.memory_space<vmem>> -> memref<1x128xi32, #tpu.memory_space<vmem>>
      %dma_wait3A_350 = tpu.memref_squeeze %dma_wait3A_349 : memref<1x128xi32, #tpu.memory_space<vmem>> -> memref<128xi32, #tpu.memory_space<vmem>>
      %dma_wait3A_351 = arith.constant 0 : i32
      %dma_wait3A_352 = arith.constant 0 : i32
      %dma_wait3A_353 = tpu.memref_slice %arg2[%dma_wait3A_351, %dma_wait3A_352] : memref<819200x16xf32, #tpu.memory_space<hbm>> -> memref<819200x16xf32, #tpu.memory_space<hbm>>
      tpu.wait_indirect_dma semaphore(%arg8 : memref<!tpu.dma_semaphore, #tpu.memory_space<semaphore_mem>>) src(%dma_wait3A_353 : memref<819200x16xf32, #tpu.memory_space<hbm>>) dst(%dma_wait3A_347 : memref<128x16xf32, #tpu.memory_space<vmem>>)
      %dma_wait3A_354 = arith.constant 1664 : i32
      %dma_wait3A_355 = arith.constant 0 : i32
      %dma_wait3A_356 = tpu.memref_slice %arg6[%dma_wait3A_354, %dma_wait3A_355] : memref<2048x16xf32, #tpu.memory_space<vmem>> -> memref<128x16xf32, #tpu.memory_space<vmem>>
      %dma_wait3A_357 = arith.constant 0 : i32
      %dma_wait3A_358 = tpu.memref_slice %arg5[%add3A_85, %dma_wait3A_357] : memref<64x128xi32, #tpu.memory_space<vmem>> -> memref<1x128xi32, #tpu.memory_space<vmem>>
      %dma_wait3A_359 = tpu.memref_squeeze %dma_wait3A_358 : memref<1x128xi32, #tpu.memory_space<vmem>> -> memref<128xi32, #tpu.memory_space<vmem>>
      %dma_wait3A_360 = arith.constant 0 : i32
      %dma_wait3A_361 = arith.constant 0 : i32
      %dma_wait3A_362 = tpu.memref_slice %arg2[%dma_wait3A_360, %dma_wait3A_361] : memref<819200x16xf32, #tpu.memory_space<hbm>> -> memref<819200x16xf32, #tpu.memory_space<hbm>>
      tpu.wait_indirect_dma semaphore(%arg8 : memref<!tpu.dma_semaphore, #tpu.memory_space<semaphore_mem>>) src(%dma_wait3A_362 : memref<819200x16xf32, #tpu.memory_space<hbm>>) dst(%dma_wait3A_356 : memref<128x16xf32, #tpu.memory_space<vmem>>)
      %dma_wait3A_363 = arith.constant 1792 : i32
      %dma_wait3A_364 = arith.constant 0 : i32
      %dma_wait3A_365 = tpu.memref_slice %arg6[%dma_wait3A_363, %dma_wait3A_364] : memref<2048x16xf32, #tpu.memory_space<vmem>> -> memref<128x16xf32, #tpu.memory_space<vmem>>
      %dma_wait3A_366 = arith.constant 0 : i32
      %dma_wait3A_367 = tpu.memref_slice %arg5[%add3A_89, %dma_wait3A_366] : memref<64x128xi32, #tpu.memory_space<vmem>> -> memref<1x128xi32, #tpu.memory_space<vmem>>
      %dma_wait3A_368 = tpu.memref_squeeze %dma_wait3A_367 : memref<1x128xi32, #tpu.memory_space<vmem>> -> memref<128xi32, #tpu.memory_space<vmem>>
      %dma_wait3A_369 = arith.constant 0 : i32
      %dma_wait3A_370 = arith.constant 0 : i32
      %dma_wait3A_371 = tpu.memref_slice %arg2[%dma_wait3A_369, %dma_wait3A_370] : memref<819200x16xf32, #tpu.memory_space<hbm>> -> memref<819200x16xf32, #tpu.memory_space<hbm>>
      tpu.wait_indirect_dma semaphore(%arg8 : memref<!tpu.dma_semaphore, #tpu.memory_space<semaphore_mem>>) src(%dma_wait3A_371 : memref<819200x16xf32, #tpu.memory_space<hbm>>) dst(%dma_wait3A_365 : memref<128x16xf32, #tpu.memory_space<vmem>>)
      %dma_wait3A_372 = arith.constant 1920 : i32
      %dma_wait3A_373 = arith.constant 0 : i32
      %dma_wait3A_374 = tpu.memref_slice %arg6[%dma_wait3A_372, %dma_wait3A_373] : memref<2048x16xf32, #tpu.memory_space<vmem>> -> memref<128x16xf32, #tpu.memory_space<vmem>>
      %dma_wait3A_375 = arith.constant 0 : i32
      %dma_wait3A_376 = tpu.memref_slice %arg5[%add3A_93, %dma_wait3A_375] : memref<64x128xi32, #tpu.memory_space<vmem>> -> memref<1x128xi32, #tpu.memory_space<vmem>>
      %dma_wait3A_377 = tpu.memref_squeeze %dma_wait3A_376 : memref<1x128xi32, #tpu.memory_space<vmem>> -> memref<128xi32, #tpu.memory_space<vmem>>
      %dma_wait3A_378 = arith.constant 0 : i32
      %dma_wait3A_379 = arith.constant 0 : i32
      %dma_wait3A_380 = tpu.memref_slice %arg2[%dma_wait3A_378, %dma_wait3A_379] : memref<819200x16xf32, #tpu.memory_space<hbm>> -> memref<819200x16xf32, #tpu.memory_space<hbm>>
      tpu.wait_indirect_dma semaphore(%arg8 : memref<!tpu.dma_semaphore, #tpu.memory_space<semaphore_mem>>) src(%dma_wait3A_380 : memref<819200x16xf32, #tpu.memory_space<hbm>>) dst(%dma_wait3A_374 : memref<128x16xf32, #tpu.memory_space<vmem>>)
      %dma_start3A_381 = arith.constant 0 : i32
      %dma_start3A_382 = tpu.memref_slice %arg4[%add3A_27, %dma_start3A_381] : memref<262144x16xf32, #tpu.memory_space<hbm>> -> memref<2048x16xf32, #tpu.memory_space<hbm>>
      %dma_start3A_383 = arith.constant 0 : i32
      %dma_start3A_384 = tpu.memref_slice %arg4[%add3A_27, %dma_start3A_383] : memref<262144x16xf32, #tpu.memory_space<hbm>> -> memref<2048x16xf32, #tpu.memory_space<hbm>>
      tpu.enqueue_dma source(%arg6 : memref<2048x16xf32, #tpu.memory_space<vmem>>) target(%dma_start3A_384 : memref<2048x16xf32, #tpu.memory_space<hbm>>) target_semaphore(%arg10 : memref<!tpu.dma_semaphore, #tpu.memory_space<semaphore_mem>>)
      %add3A_385 = arith.constant 1 : i32
      %add3A_386 = arith.addi %add3A_20, %add3A_385 : i32
      %mul3A_387 = arith.constant 8192 : i32
      %mul3A_388 = arith.muli %add3A, %mul3A_387 : i32
      %mul3A_389 = arith.constant 2048 : i32
      %mul3A_390 = arith.muli %add3A_386, %mul3A_389 : i32
      %add3A_391 = arith.addi %mul3A_388, %mul3A_390 : i32
      %gt3A_392 = arith.constant 0 : i32
      %gt3A_393 = arith.cmpi sgt, %add3A_20, %gt3A_392 : i32
      %convert_element_type3A_394 = arith.extui %gt3A_393 : i1 to i32
      %cond3A_395 = arith.constant 0 : i32
      %cond3A_396 = arith.cmpi ne, %convert_element_type3A_394, %cond3A_395 : i32
      scf.if %cond3A_396 {
        %dma_wait3A_753 = arith.constant 0 : i32
        %dma_wait3A_754 = arith.constant 0 : i32
        %dma_wait3A_755 = tpu.memref_slice %arg4[%dma_wait3A_753, %dma_wait3A_754] : memref<262144x16xf32, #tpu.memory_space<hbm>> -> memref<2048x16xf32, #tpu.memory_space<hbm>>
        %dma_wait3A_756 = arith.constant 0 : i32
        %dma_wait3A_757 = arith.constant 0 : i32
        %dma_wait3A_758 = tpu.memref_slice %arg4[%dma_wait3A_756, %dma_wait3A_757] : memref<262144x16xf32, #tpu.memory_space<hbm>> -> memref<2048x16xf32, #tpu.memory_space<hbm>>
        tpu.wait_dma2 semaphore(%arg11 : memref<!tpu.dma_semaphore, #tpu.memory_space<semaphore_mem>>) src(%arg7 : memref<2048x16xf32, #tpu.memory_space<vmem>>) dst(%dma_wait3A_758 : memref<2048x16xf32, #tpu.memory_space<hbm>>)
      } else {
      }
      %mul3A_397 = arith.constant 16 : i32
      %mul3A_398 = arith.muli %add3A_386, %mul3A_397 : i32
      %add3A_399 = arith.constant 0 : i32
      %add3A_400 = arith.addi %mul3A_398, %add3A_399 : i32
      %mul3A_401 = arith.constant 16 : i32
      %mul3A_402 = arith.muli %add3A_386, %mul3A_401 : i32
      %add3A_403 = arith.constant 1 : i32
      %add3A_404 = arith.addi %mul3A_402, %add3A_403 : i32
      %mul3A_405 = arith.constant 16 : i32
      %mul3A_406 = arith.muli %add3A_386, %mul3A_405 : i32
      %add3A_407 = arith.constant 2 : i32
      %add3A_408 = arith.addi %mul3A_406, %add3A_407 : i32
      %mul3A_409 = arith.constant 16 : i32
      %mul3A_410 = arith.muli %add3A_386, %mul3A_409 : i32
      %add3A_411 = arith.constant 3 : i32
      %add3A_412 = arith.addi %mul3A_410, %add3A_411 : i32
      %mul3A_413 = arith.constant 16 : i32
      %mul3A_414 = arith.muli %add3A_386, %mul3A_413 : i32
      %add3A_415 = arith.constant 4 : i32
      %add3A_416 = arith.addi %mul3A_414, %add3A_415 : i32
      %mul3A_417 = arith.constant 16 : i32
      %mul3A_418 = arith.muli %add3A_386, %mul3A_417 : i32
      %add3A_419 = arith.constant 5 : i32
      %add3A_420 = arith.addi %mul3A_418, %add3A_419 : i32
      %mul3A_421 = arith.constant 16 : i32
      %mul3A_422 = arith.muli %add3A_386, %mul3A_421 : i32
      %add3A_423 = arith.constant 6 : i32
      %add3A_424 = arith.addi %mul3A_422, %add3A_423 : i32
      %mul3A_425 = arith.constant 16 : i32
      %mul3A_426 = arith.muli %add3A_386, %mul3A_425 : i32
      %add3A_427 = arith.constant 7 : i32
      %add3A_428 = arith.addi %mul3A_426, %add3A_427 : i32
      %mul3A_429 = arith.constant 16 : i32
      %mul3A_430 = arith.muli %add3A_386, %mul3A_429 : i32
      %add3A_431 = arith.constant 8 : i32
      %add3A_432 = arith.addi %mul3A_430, %add3A_431 : i32
      %mul3A_433 = arith.constant 16 : i32
      %mul3A_434 = arith.muli %add3A_386, %mul3A_433 : i32
      %add3A_435 = arith.constant 9 : i32
      %add3A_436 = arith.addi %mul3A_434, %add3A_435 : i32
      %mul3A_437 = arith.constant 16 : i32
      %mul3A_438 = arith.muli %add3A_386, %mul3A_437 : i32
      %add3A_439 = arith.constant 10 : i32
      %add3A_440 = arith.addi %mul3A_438, %add3A_439 : i32
      %mul3A_441 = arith.constant 16 : i32
      %mul3A_442 = arith.muli %add3A_386, %mul3A_441 : i32
      %add3A_443 = arith.constant 11 : i32
      %add3A_444 = arith.addi %mul3A_442, %add3A_443 : i32
      %mul3A_445 = arith.constant 16 : i32
      %mul3A_446 = arith.muli %add3A_386, %mul3A_445 : i32
      %add3A_447 = arith.constant 12 : i32
      %add3A_448 = arith.addi %mul3A_446, %add3A_447 : i32
      %mul3A_449 = arith.constant 16 : i32
      %mul3A_450 = arith.muli %add3A_386, %mul3A_449 : i32
      %add3A_451 = arith.constant 13 : i32
      %add3A_452 = arith.addi %mul3A_450, %add3A_451 : i32
      %mul3A_453 = arith.constant 16 : i32
      %mul3A_454 = arith.muli %add3A_386, %mul3A_453 : i32
      %add3A_455 = arith.constant 14 : i32
      %add3A_456 = arith.addi %mul3A_454, %add3A_455 : i32
      %mul3A_457 = arith.constant 16 : i32
      %mul3A_458 = arith.muli %add3A_386, %mul3A_457 : i32
      %add3A_459 = arith.constant 15 : i32
      %add3A_460 = arith.addi %mul3A_458, %add3A_459 : i32
      %dma_start3A_461 = arith.constant 0 : i32
      %dma_start3A_462 = arith.constant 0 : i32
      %dma_start3A_463 = tpu.memref_slice %arg7[%dma_start3A_461, %dma_start3A_462] : memref<2048x16xf32, #tpu.memory_space<vmem>> -> memref<128x16xf32, #tpu.memory_space<vmem>>
      %dma_start3A_464 = arith.constant 0 : i32
      %dma_start3A_465 = tpu.memref_slice %arg5[%add3A_400, %dma_start3A_464] : memref<64x128xi32, #tpu.memory_space<vmem>> -> memref<1x128xi32, #tpu.memory_space<vmem>>
      %dma_start3A_466 = tpu.memref_squeeze %dma_start3A_465 : memref<1x128xi32, #tpu.memory_space<vmem>> -> memref<128xi32, #tpu.memory_space<vmem>>
      %dma_start3A_467 = arith.constant 0 : i32
      %dma_start3A_468 = arith.constant 0 : i32
      %dma_start3A_469 = tpu.memref_slice %arg2[%dma_start3A_467, %dma_start3A_468] : memref<819200x16xf32, #tpu.memory_space<hbm>> -> memref<819200x16xf32, #tpu.memory_space<hbm>>
      tpu.enqueue_indirect_dma source(%dma_start3A_469 : memref<819200x16xf32, #tpu.memory_space<hbm>>) target(%dma_start3A_463 : memref<128x16xf32, #tpu.memory_space<vmem>>) offsets(%dma_start3A_466 : memref<128xi32, #tpu.memory_space<vmem>>) semaphore(%arg9 : memref<!tpu.dma_semaphore, #tpu.memory_space<semaphore_mem>>)
      %dma_start3A_470 = arith.constant 128 : i32
      %dma_start3A_471 = arith.constant 0 : i32
      %dma_start3A_472 = tpu.memref_slice %arg7[%dma_start3A_470, %dma_start3A_471] : memref<2048x16xf32, #tpu.memory_space<vmem>> -> memref<128x16xf32, #tpu.memory_space<vmem>>
      %dma_start3A_473 = arith.constant 0 : i32
      %dma_start3A_474 = tpu.memref_slice %arg5[%add3A_404, %dma_start3A_473] : memref<64x128xi32, #tpu.memory_space<vmem>> -> memref<1x128xi32, #tpu.memory_space<vmem>>
      %dma_start3A_475 = tpu.memref_squeeze %dma_start3A_474 : memref<1x128xi32, #tpu.memory_space<vmem>> -> memref<128xi32, #tpu.memory_space<vmem>>
      %dma_start3A_476 = arith.constant 0 : i32
      %dma_start3A_477 = arith.constant 0 : i32
      %dma_start3A_478 = tpu.memref_slice %arg2[%dma_start3A_476, %dma_start3A_477] : memref<819200x16xf32, #tpu.memory_space<hbm>> -> memref<819200x16xf32, #tpu.memory_space<hbm>>
      tpu.enqueue_indirect_dma source(%dma_start3A_478 : memref<819200x16xf32, #tpu.memory_space<hbm>>) target(%dma_start3A_472 : memref<128x16xf32, #tpu.memory_space<vmem>>) offsets(%dma_start3A_475 : memref<128xi32, #tpu.memory_space<vmem>>) semaphore(%arg9 : memref<!tpu.dma_semaphore, #tpu.memory_space<semaphore_mem>>)
      %dma_start3A_479 = arith.constant 256 : i32
      %dma_start3A_480 = arith.constant 0 : i32
      %dma_start3A_481 = tpu.memref_slice %arg7[%dma_start3A_479, %dma_start3A_480] : memref<2048x16xf32, #tpu.memory_space<vmem>> -> memref<128x16xf32, #tpu.memory_space<vmem>>
      %dma_start3A_482 = arith.constant 0 : i32
      %dma_start3A_483 = tpu.memref_slice %arg5[%add3A_408, %dma_start3A_482] : memref<64x128xi32, #tpu.memory_space<vmem>> -> memref<1x128xi32, #tpu.memory_space<vmem>>
      %dma_start3A_484 = tpu.memref_squeeze %dma_start3A_483 : memref<1x128xi32, #tpu.memory_space<vmem>> -> memref<128xi32, #tpu.memory_space<vmem>>
      %dma_start3A_485 = arith.constant 0 : i32
      %dma_start3A_486 = arith.constant 0 : i32
      %dma_start3A_487 = tpu.memref_slice %arg2[%dma_start3A_485, %dma_start3A_486] : memref<819200x16xf32, #tpu.memory_space<hbm>> -> memref<819200x16xf32, #tpu.memory_space<hbm>>
      tpu.enqueue_indirect_dma source(%dma_start3A_487 : memref<819200x16xf32, #tpu.memory_space<hbm>>) target(%dma_start3A_481 : memref<128x16xf32, #tpu.memory_space<vmem>>) offsets(%dma_start3A_484 : memref<128xi32, #tpu.memory_space<vmem>>) semaphore(%arg9 : memref<!tpu.dma_semaphore, #tpu.memory_space<semaphore_mem>>)
      %dma_start3A_488 = arith.constant 384 : i32
      %dma_start3A_489 = arith.constant 0 : i32
      %dma_start3A_490 = tpu.memref_slice %arg7[%dma_start3A_488, %dma_start3A_489] : memref<2048x16xf32, #tpu.memory_space<vmem>> -> memref<128x16xf32, #tpu.memory_space<vmem>>
      %dma_start3A_491 = arith.constant 0 : i32
      %dma_start3A_492 = tpu.memref_slice %arg5[%add3A_412, %dma_start3A_491] : memref<64x128xi32, #tpu.memory_space<vmem>> -> memref<1x128xi32, #tpu.memory_space<vmem>>
      %dma_start3A_493 = tpu.memref_squeeze %dma_start3A_492 : memref<1x128xi32, #tpu.memory_space<vmem>> -> memref<128xi32, #tpu.memory_space<vmem>>
      %dma_start3A_494 = arith.constant 0 : i32
      %dma_start3A_495 = arith.constant 0 : i32
      %dma_start3A_496 = tpu.memref_slice %arg2[%dma_start3A_494, %dma_start3A_495] : memref<819200x16xf32, #tpu.memory_space<hbm>> -> memref<819200x16xf32, #tpu.memory_space<hbm>>
      tpu.enqueue_indirect_dma source(%dma_start3A_496 : memref<819200x16xf32, #tpu.memory_space<hbm>>) target(%dma_start3A_490 : memref<128x16xf32, #tpu.memory_space<vmem>>) offsets(%dma_start3A_493 : memref<128xi32, #tpu.memory_space<vmem>>) semaphore(%arg9 : memref<!tpu.dma_semaphore, #tpu.memory_space<semaphore_mem>>)
      %dma_start3A_497 = arith.constant 512 : i32
      %dma_start3A_498 = arith.constant 0 : i32
      %dma_start3A_499 = tpu.memref_slice %arg7[%dma_start3A_497, %dma_start3A_498] : memref<2048x16xf32, #tpu.memory_space<vmem>> -> memref<128x16xf32, #tpu.memory_space<vmem>>
      %dma_start3A_500 = arith.constant 0 : i32
      %dma_start3A_501 = tpu.memref_slice %arg5[%add3A_416, %dma_start3A_500] : memref<64x128xi32, #tpu.memory_space<vmem>> -> memref<1x128xi32, #tpu.memory_space<vmem>>
      %dma_start3A_502 = tpu.memref_squeeze %dma_start3A_501 : memref<1x128xi32, #tpu.memory_space<vmem>> -> memref<128xi32, #tpu.memory_space<vmem>>
      %dma_start3A_503 = arith.constant 0 : i32
      %dma_start3A_504 = arith.constant 0 : i32
      %dma_start3A_505 = tpu.memref_slice %arg2[%dma_start3A_503, %dma_start3A_504] : memref<819200x16xf32, #tpu.memory_space<hbm>> -> memref<819200x16xf32, #tpu.memory_space<hbm>>
      tpu.enqueue_indirect_dma source(%dma_start3A_505 : memref<819200x16xf32, #tpu.memory_space<hbm>>) target(%dma_start3A_499 : memref<128x16xf32, #tpu.memory_space<vmem>>) offsets(%dma_start3A_502 : memref<128xi32, #tpu.memory_space<vmem>>) semaphore(%arg9 : memref<!tpu.dma_semaphore, #tpu.memory_space<semaphore_mem>>)
      %dma_start3A_506 = arith.constant 640 : i32
      %dma_start3A_507 = arith.constant 0 : i32
      %dma_start3A_508 = tpu.memref_slice %arg7[%dma_start3A_506, %dma_start3A_507] : memref<2048x16xf32, #tpu.memory_space<vmem>> -> memref<128x16xf32, #tpu.memory_space<vmem>>
      %dma_start3A_509 = arith.constant 0 : i32
      %dma_start3A_510 = tpu.memref_slice %arg5[%add3A_420, %dma_start3A_509] : memref<64x128xi32, #tpu.memory_space<vmem>> -> memref<1x128xi32, #tpu.memory_space<vmem>>
      %dma_start3A_511 = tpu.memref_squeeze %dma_start3A_510 : memref<1x128xi32, #tpu.memory_space<vmem>> -> memref<128xi32, #tpu.memory_space<vmem>>
      %dma_start3A_512 = arith.constant 0 : i32
      %dma_start3A_513 = arith.constant 0 : i32
      %dma_start3A_514 = tpu.memref_slice %arg2[%dma_start3A_512, %dma_start3A_513] : memref<819200x16xf32, #tpu.memory_space<hbm>> -> memref<819200x16xf32, #tpu.memory_space<hbm>>
      tpu.enqueue_indirect_dma source(%dma_start3A_514 : memref<819200x16xf32, #tpu.memory_space<hbm>>) target(%dma_start3A_508 : memref<128x16xf32, #tpu.memory_space<vmem>>) offsets(%dma_start3A_511 : memref<128xi32, #tpu.memory_space<vmem>>) semaphore(%arg9 : memref<!tpu.dma_semaphore, #tpu.memory_space<semaphore_mem>>)
      %dma_start3A_515 = arith.constant 768 : i32
      %dma_start3A_516 = arith.constant 0 : i32
      %dma_start3A_517 = tpu.memref_slice %arg7[%dma_start3A_515, %dma_start3A_516] : memref<2048x16xf32, #tpu.memory_space<vmem>> -> memref<128x16xf32, #tpu.memory_space<vmem>>
      %dma_start3A_518 = arith.constant 0 : i32
      %dma_start3A_519 = tpu.memref_slice %arg5[%add3A_424, %dma_start3A_518] : memref<64x128xi32, #tpu.memory_space<vmem>> -> memref<1x128xi32, #tpu.memory_space<vmem>>
      %dma_start3A_520 = tpu.memref_squeeze %dma_start3A_519 : memref<1x128xi32, #tpu.memory_space<vmem>> -> memref<128xi32, #tpu.memory_space<vmem>>
      %dma_start3A_521 = arith.constant 0 : i32
      %dma_start3A_522 = arith.constant 0 : i32
      %dma_start3A_523 = tpu.memref_slice %arg2[%dma_start3A_521, %dma_start3A_522] : memref<819200x16xf32, #tpu.memory_space<hbm>> -> memref<819200x16xf32, #tpu.memory_space<hbm>>
      tpu.enqueue_indirect_dma source(%dma_start3A_523 : memref<819200x16xf32, #tpu.memory_space<hbm>>) target(%dma_start3A_517 : memref<128x16xf32, #tpu.memory_space<vmem>>) offsets(%dma_start3A_520 : memref<128xi32, #tpu.memory_space<vmem>>) semaphore(%arg9 : memref<!tpu.dma_semaphore, #tpu.memory_space<semaphore_mem>>)
      %dma_start3A_524 = arith.constant 896 : i32
      %dma_start3A_525 = arith.constant 0 : i32
      %dma_start3A_526 = tpu.memref_slice %arg7[%dma_start3A_524, %dma_start3A_525] : memref<2048x16xf32, #tpu.memory_space<vmem>> -> memref<128x16xf32, #tpu.memory_space<vmem>>
      %dma_start3A_527 = arith.constant 0 : i32
      %dma_start3A_528 = tpu.memref_slice %arg5[%add3A_428, %dma_start3A_527] : memref<64x128xi32, #tpu.memory_space<vmem>> -> memref<1x128xi32, #tpu.memory_space<vmem>>
      %dma_start3A_529 = tpu.memref_squeeze %dma_start3A_528 : memref<1x128xi32, #tpu.memory_space<vmem>> -> memref<128xi32, #tpu.memory_space<vmem>>
      %dma_start3A_530 = arith.constant 0 : i32
      %dma_start3A_531 = arith.constant 0 : i32
      %dma_start3A_532 = tpu.memref_slice %arg2[%dma_start3A_530, %dma_start3A_531] : memref<819200x16xf32, #tpu.memory_space<hbm>> -> memref<819200x16xf32, #tpu.memory_space<hbm>>
      tpu.enqueue_indirect_dma source(%dma_start3A_532 : memref<819200x16xf32, #tpu.memory_space<hbm>>) target(%dma_start3A_526 : memref<128x16xf32, #tpu.memory_space<vmem>>) offsets(%dma_start3A_529 : memref<128xi32, #tpu.memory_space<vmem>>) semaphore(%arg9 : memref<!tpu.dma_semaphore, #tpu.memory_space<semaphore_mem>>)
      %dma_start3A_533 = arith.constant 1024 : i32
      %dma_start3A_534 = arith.constant 0 : i32
      %dma_start3A_535 = tpu.memref_slice %arg7[%dma_start3A_533, %dma_start3A_534] : memref<2048x16xf32, #tpu.memory_space<vmem>> -> memref<128x16xf32, #tpu.memory_space<vmem>>
      %dma_start3A_536 = arith.constant 0 : i32
      %dma_start3A_537 = tpu.memref_slice %arg5[%add3A_432, %dma_start3A_536] : memref<64x128xi32, #tpu.memory_space<vmem>> -> memref<1x128xi32, #tpu.memory_space<vmem>>
      %dma_start3A_538 = tpu.memref_squeeze %dma_start3A_537 : memref<1x128xi32, #tpu.memory_space<vmem>> -> memref<128xi32, #tpu.memory_space<vmem>>
      %dma_start3A_539 = arith.constant 0 : i32
      %dma_start3A_540 = arith.constant 0 : i32
      %dma_start3A_541 = tpu.memref_slice %arg2[%dma_start3A_539, %dma_start3A_540] : memref<819200x16xf32, #tpu.memory_space<hbm>> -> memref<819200x16xf32, #tpu.memory_space<hbm>>
      tpu.enqueue_indirect_dma source(%dma_start3A_541 : memref<819200x16xf32, #tpu.memory_space<hbm>>) target(%dma_start3A_535 : memref<128x16xf32, #tpu.memory_space<vmem>>) offsets(%dma_start3A_538 : memref<128xi32, #tpu.memory_space<vmem>>) semaphore(%arg9 : memref<!tpu.dma_semaphore, #tpu.memory_space<semaphore_mem>>)
      %dma_start3A_542 = arith.constant 1152 : i32
      %dma_start3A_543 = arith.constant 0 : i32
      %dma_start3A_544 = tpu.memref_slice %arg7[%dma_start3A_542, %dma_start3A_543] : memref<2048x16xf32, #tpu.memory_space<vmem>> -> memref<128x16xf32, #tpu.memory_space<vmem>>
      %dma_start3A_545 = arith.constant 0 : i32
      %dma_start3A_546 = tpu.memref_slice %arg5[%add3A_436, %dma_start3A_545] : memref<64x128xi32, #tpu.memory_space<vmem>> -> memref<1x128xi32, #tpu.memory_space<vmem>>
      %dma_start3A_547 = tpu.memref_squeeze %dma_start3A_546 : memref<1x128xi32, #tpu.memory_space<vmem>> -> memref<128xi32, #tpu.memory_space<vmem>>
      %dma_start3A_548 = arith.constant 0 : i32
      %dma_start3A_549 = arith.constant 0 : i32
      %dma_start3A_550 = tpu.memref_slice %arg2[%dma_start3A_548, %dma_start3A_549] : memref<819200x16xf32, #tpu.memory_space<hbm>> -> memref<819200x16xf32, #tpu.memory_space<hbm>>
      tpu.enqueue_indirect_dma source(%dma_start3A_550 : memref<819200x16xf32, #tpu.memory_space<hbm>>) target(%dma_start3A_544 : memref<128x16xf32, #tpu.memory_space<vmem>>) offsets(%dma_start3A_547 : memref<128xi32, #tpu.memory_space<vmem>>) semaphore(%arg9 : memref<!tpu.dma_semaphore, #tpu.memory_space<semaphore_mem>>)
      %dma_start3A_551 = arith.constant 1280 : i32
      %dma_start3A_552 = arith.constant 0 : i32
      %dma_start3A_553 = tpu.memref_slice %arg7[%dma_start3A_551, %dma_start3A_552] : memref<2048x16xf32, #tpu.memory_space<vmem>> -> memref<128x16xf32, #tpu.memory_space<vmem>>
      %dma_start3A_554 = arith.constant 0 : i32
      %dma_start3A_555 = tpu.memref_slice %arg5[%add3A_440, %dma_start3A_554] : memref<64x128xi32, #tpu.memory_space<vmem>> -> memref<1x128xi32, #tpu.memory_space<vmem>>
      %dma_start3A_556 = tpu.memref_squeeze %dma_start3A_555 : memref<1x128xi32, #tpu.memory_space<vmem>> -> memref<128xi32, #tpu.memory_space<vmem>>
      %dma_start3A_557 = arith.constant 0 : i32
      %dma_start3A_558 = arith.constant 0 : i32
      %dma_start3A_559 = tpu.memref_slice %arg2[%dma_start3A_557, %dma_start3A_558] : memref<819200x16xf32, #tpu.memory_space<hbm>> -> memref<819200x16xf32, #tpu.memory_space<hbm>>
      tpu.enqueue_indirect_dma source(%dma_start3A_559 : memref<819200x16xf32, #tpu.memory_space<hbm>>) target(%dma_start3A_553 : memref<128x16xf32, #tpu.memory_space<vmem>>) offsets(%dma_start3A_556 : memref<128xi32, #tpu.memory_space<vmem>>) semaphore(%arg9 : memref<!tpu.dma_semaphore, #tpu.memory_space<semaphore_mem>>)
      %dma_start3A_560 = arith.constant 1408 : i32
      %dma_start3A_561 = arith.constant 0 : i32
      %dma_start3A_562 = tpu.memref_slice %arg7[%dma_start3A_560, %dma_start3A_561] : memref<2048x16xf32, #tpu.memory_space<vmem>> -> memref<128x16xf32, #tpu.memory_space<vmem>>
      %dma_start3A_563 = arith.constant 0 : i32
      %dma_start3A_564 = tpu.memref_slice %arg5[%add3A_444, %dma_start3A_563] : memref<64x128xi32, #tpu.memory_space<vmem>> -> memref<1x128xi32, #tpu.memory_space<vmem>>
      %dma_start3A_565 = tpu.memref_squeeze %dma_start3A_564 : memref<1x128xi32, #tpu.memory_space<vmem>> -> memref<128xi32, #tpu.memory_space<vmem>>
      %dma_start3A_566 = arith.constant 0 : i32
      %dma_start3A_567 = arith.constant 0 : i32
      %dma_start3A_568 = tpu.memref_slice %arg2[%dma_start3A_566, %dma_start3A_567] : memref<819200x16xf32, #tpu.memory_space<hbm>> -> memref<819200x16xf32, #tpu.memory_space<hbm>>
      tpu.enqueue_indirect_dma source(%dma_start3A_568 : memref<819200x16xf32, #tpu.memory_space<hbm>>) target(%dma_start3A_562 : memref<128x16xf32, #tpu.memory_space<vmem>>) offsets(%dma_start3A_565 : memref<128xi32, #tpu.memory_space<vmem>>) semaphore(%arg9 : memref<!tpu.dma_semaphore, #tpu.memory_space<semaphore_mem>>)
      %dma_start3A_569 = arith.constant 1536 : i32
      %dma_start3A_570 = arith.constant 0 : i32
      %dma_start3A_571 = tpu.memref_slice %arg7[%dma_start3A_569, %dma_start3A_570] : memref<2048x16xf32, #tpu.memory_space<vmem>> -> memref<128x16xf32, #tpu.memory_space<vmem>>
      %dma_start3A_572 = arith.constant 0 : i32
      %dma_start3A_573 = tpu.memref_slice %arg5[%add3A_448, %dma_start3A_572] : memref<64x128xi32, #tpu.memory_space<vmem>> -> memref<1x128xi32, #tpu.memory_space<vmem>>
      %dma_start3A_574 = tpu.memref_squeeze %dma_start3A_573 : memref<1x128xi32, #tpu.memory_space<vmem>> -> memref<128xi32, #tpu.memory_space<vmem>>
      %dma_start3A_575 = arith.constant 0 : i32
      %dma_start3A_576 = arith.constant 0 : i32
      %dma_start3A_577 = tpu.memref_slice %arg2[%dma_start3A_575, %dma_start3A_576] : memref<819200x16xf32, #tpu.memory_space<hbm>> -> memref<819200x16xf32, #tpu.memory_space<hbm>>
      tpu.enqueue_indirect_dma source(%dma_start3A_577 : memref<819200x16xf32, #tpu.memory_space<hbm>>) target(%dma_start3A_571 : memref<128x16xf32, #tpu.memory_space<vmem>>) offsets(%dma_start3A_574 : memref<128xi32, #tpu.memory_space<vmem>>) semaphore(%arg9 : memref<!tpu.dma_semaphore, #tpu.memory_space<semaphore_mem>>)
      %dma_start3A_578 = arith.constant 1664 : i32
      %dma_start3A_579 = arith.constant 0 : i32
      %dma_start3A_580 = tpu.memref_slice %arg7[%dma_start3A_578, %dma_start3A_579] : memref<2048x16xf32, #tpu.memory_space<vmem>> -> memref<128x16xf32, #tpu.memory_space<vmem>>
      %dma_start3A_581 = arith.constant 0 : i32
      %dma_start3A_582 = tpu.memref_slice %arg5[%add3A_452, %dma_start3A_581] : memref<64x128xi32, #tpu.memory_space<vmem>> -> memref<1x128xi32, #tpu.memory_space<vmem>>
      %dma_start3A_583 = tpu.memref_squeeze %dma_start3A_582 : memref<1x128xi32, #tpu.memory_space<vmem>> -> memref<128xi32, #tpu.memory_space<vmem>>
      %dma_start3A_584 = arith.constant 0 : i32
      %dma_start3A_585 = arith.constant 0 : i32
      %dma_start3A_586 = tpu.memref_slice %arg2[%dma_start3A_584, %dma_start3A_585] : memref<819200x16xf32, #tpu.memory_space<hbm>> -> memref<819200x16xf32, #tpu.memory_space<hbm>>
      tpu.enqueue_indirect_dma source(%dma_start3A_586 : memref<819200x16xf32, #tpu.memory_space<hbm>>) target(%dma_start3A_580 : memref<128x16xf32, #tpu.memory_space<vmem>>) offsets(%dma_start3A_583 : memref<128xi32, #tpu.memory_space<vmem>>) semaphore(%arg9 : memref<!tpu.dma_semaphore, #tpu.memory_space<semaphore_mem>>)
      %dma_start3A_587 = arith.constant 1792 : i32
      %dma_start3A_588 = arith.constant 0 : i32
      %dma_start3A_589 = tpu.memref_slice %arg7[%dma_start3A_587, %dma_start3A_588] : memref<2048x16xf32, #tpu.memory_space<vmem>> -> memref<128x16xf32, #tpu.memory_space<vmem>>
      %dma_start3A_590 = arith.constant 0 : i32
      %dma_start3A_591 = tpu.memref_slice %arg5[%add3A_456, %dma_start3A_590] : memref<64x128xi32, #tpu.memory_space<vmem>> -> memref<1x128xi32, #tpu.memory_space<vmem>>
      %dma_start3A_592 = tpu.memref_squeeze %dma_start3A_591 : memref<1x128xi32, #tpu.memory_space<vmem>> -> memref<128xi32, #tpu.memory_space<vmem>>
      %dma_start3A_593 = arith.constant 0 : i32
      %dma_start3A_594 = arith.constant 0 : i32
      %dma_start3A_595 = tpu.memref_slice %arg2[%dma_start3A_593, %dma_start3A_594] : memref<819200x16xf32, #tpu.memory_space<hbm>> -> memref<819200x16xf32, #tpu.memory_space<hbm>>
      tpu.enqueue_indirect_dma source(%dma_start3A_595 : memref<819200x16xf32, #tpu.memory_space<hbm>>) target(%dma_start3A_589 : memref<128x16xf32, #tpu.memory_space<vmem>>) offsets(%dma_start3A_592 : memref<128xi32, #tpu.memory_space<vmem>>) semaphore(%arg9 : memref<!tpu.dma_semaphore, #tpu.memory_space<semaphore_mem>>)
      %dma_start3A_596 = arith.constant 1920 : i32
      %dma_start3A_597 = arith.constant 0 : i32
      %dma_start3A_598 = tpu.memref_slice %arg7[%dma_start3A_596, %dma_start3A_597] : memref<2048x16xf32, #tpu.memory_space<vmem>> -> memref<128x16xf32, #tpu.memory_space<vmem>>
      %dma_start3A_599 = arith.constant 0 : i32
      %dma_start3A_600 = tpu.memref_slice %arg5[%add3A_460, %dma_start3A_599] : memref<64x128xi32, #tpu.memory_space<vmem>> -> memref<1x128xi32, #tpu.memory_space<vmem>>
      %dma_start3A_601 = tpu.memref_squeeze %dma_start3A_600 : memref<1x128xi32, #tpu.memory_space<vmem>> -> memref<128xi32, #tpu.memory_space<vmem>>
      %dma_start3A_602 = arith.constant 0 : i32
      %dma_start3A_603 = arith.constant 0 : i32
      %dma_start3A_604 = tpu.memref_slice %arg2[%dma_start3A_602, %dma_start3A_603] : memref<819200x16xf32, #tpu.memory_space<hbm>> -> memref<819200x16xf32, #tpu.memory_space<hbm>>
      tpu.enqueue_indirect_dma source(%dma_start3A_604 : memref<819200x16xf32, #tpu.memory_space<hbm>>) target(%dma_start3A_598 : memref<128x16xf32, #tpu.memory_space<vmem>>) offsets(%dma_start3A_601 : memref<128xi32, #tpu.memory_space<vmem>>) semaphore(%arg9 : memref<!tpu.dma_semaphore, #tpu.memory_space<semaphore_mem>>)
      %dma_wait3A_605 = arith.constant 0 : i32
      %dma_wait3A_606 = arith.constant 0 : i32
      %dma_wait3A_607 = tpu.memref_slice %arg7[%dma_wait3A_605, %dma_wait3A_606] : memref<2048x16xf32, #tpu.memory_space<vmem>> -> memref<128x16xf32, #tpu.memory_space<vmem>>
      %dma_wait3A_608 = arith.constant 0 : i32
      %dma_wait3A_609 = tpu.memref_slice %arg5[%add3A_400, %dma_wait3A_608] : memref<64x128xi32, #tpu.memory_space<vmem>> -> memref<1x128xi32, #tpu.memory_space<vmem>>
      %dma_wait3A_610 = tpu.memref_squeeze %dma_wait3A_609 : memref<1x128xi32, #tpu.memory_space<vmem>> -> memref<128xi32, #tpu.memory_space<vmem>>
      %dma_wait3A_611 = arith.constant 0 : i32
      %dma_wait3A_612 = arith.constant 0 : i32
      %dma_wait3A_613 = tpu.memref_slice %arg2[%dma_wait3A_611, %dma_wait3A_612] : memref<819200x16xf32, #tpu.memory_space<hbm>> -> memref<819200x16xf32, #tpu.memory_space<hbm>>
      tpu.wait_indirect_dma semaphore(%arg9 : memref<!tpu.dma_semaphore, #tpu.memory_space<semaphore_mem>>) src(%dma_wait3A_613 : memref<819200x16xf32, #tpu.memory_space<hbm>>) dst(%dma_wait3A_607 : memref<128x16xf32, #tpu.memory_space<vmem>>)
      %dma_wait3A_614 = arith.constant 128 : i32
      %dma_wait3A_615 = arith.constant 0 : i32
      %dma_wait3A_616 = tpu.memref_slice %arg7[%dma_wait3A_614, %dma_wait3A_615] : memref<2048x16xf32, #tpu.memory_space<vmem>> -> memref<128x16xf32, #tpu.memory_space<vmem>>
      %dma_wait3A_617 = arith.constant 0 : i32
      %dma_wait3A_618 = tpu.memref_slice %arg5[%add3A_404, %dma_wait3A_617] : memref<64x128xi32, #tpu.memory_space<vmem>> -> memref<1x128xi32, #tpu.memory_space<vmem>>
      %dma_wait3A_619 = tpu.memref_squeeze %dma_wait3A_618 : memref<1x128xi32, #tpu.memory_space<vmem>> -> memref<128xi32, #tpu.memory_space<vmem>>
      %dma_wait3A_620 = arith.constant 0 : i32
      %dma_wait3A_621 = arith.constant 0 : i32
      %dma_wait3A_622 = tpu.memref_slice %arg2[%dma_wait3A_620, %dma_wait3A_621] : memref<819200x16xf32, #tpu.memory_space<hbm>> -> memref<819200x16xf32, #tpu.memory_space<hbm>>
      tpu.wait_indirect_dma semaphore(%arg9 : memref<!tpu.dma_semaphore, #tpu.memory_space<semaphore_mem>>) src(%dma_wait3A_622 : memref<819200x16xf32, #tpu.memory_space<hbm>>) dst(%dma_wait3A_616 : memref<128x16xf32, #tpu.memory_space<vmem>>)
      %dma_wait3A_623 = arith.constant 256 : i32
      %dma_wait3A_624 = arith.constant 0 : i32
      %dma_wait3A_625 = tpu.memref_slice %arg7[%dma_wait3A_623, %dma_wait3A_624] : memref<2048x16xf32, #tpu.memory_space<vmem>> -> memref<128x16xf32, #tpu.memory_space<vmem>>
      %dma_wait3A_626 = arith.constant 0 : i32
      %dma_wait3A_627 = tpu.memref_slice %arg5[%add3A_408, %dma_wait3A_626] : memref<64x128xi32, #tpu.memory_space<vmem>> -> memref<1x128xi32, #tpu.memory_space<vmem>>
      %dma_wait3A_628 = tpu.memref_squeeze %dma_wait3A_627 : memref<1x128xi32, #tpu.memory_space<vmem>> -> memref<128xi32, #tpu.memory_space<vmem>>
      %dma_wait3A_629 = arith.constant 0 : i32
      %dma_wait3A_630 = arith.constant 0 : i32
      %dma_wait3A_631 = tpu.memref_slice %arg2[%dma_wait3A_629, %dma_wait3A_630] : memref<819200x16xf32, #tpu.memory_space<hbm>> -> memref<819200x16xf32, #tpu.memory_space<hbm>>
      tpu.wait_indirect_dma semaphore(%arg9 : memref<!tpu.dma_semaphore, #tpu.memory_space<semaphore_mem>>) src(%dma_wait3A_631 : memref<819200x16xf32, #tpu.memory_space<hbm>>) dst(%dma_wait3A_625 : memref<128x16xf32, #tpu.memory_space<vmem>>)
      %dma_wait3A_632 = arith.constant 384 : i32
      %dma_wait3A_633 = arith.constant 0 : i32
      %dma_wait3A_634 = tpu.memref_slice %arg7[%dma_wait3A_632, %dma_wait3A_633] : memref<2048x16xf32, #tpu.memory_space<vmem>> -> memref<128x16xf32, #tpu.memory_space<vmem>>
      %dma_wait3A_635 = arith.constant 0 : i32
      %dma_wait3A_636 = tpu.memref_slice %arg5[%add3A_412, %dma_wait3A_635] : memref<64x128xi32, #tpu.memory_space<vmem>> -> memref<1x128xi32, #tpu.memory_space<vmem>>
      %dma_wait3A_637 = tpu.memref_squeeze %dma_wait3A_636 : memref<1x128xi32, #tpu.memory_space<vmem>> -> memref<128xi32, #tpu.memory_space<vmem>>
      %dma_wait3A_638 = arith.constant 0 : i32
      %dma_wait3A_639 = arith.constant 0 : i32
      %dma_wait3A_640 = tpu.memref_slice %arg2[%dma_wait3A_638, %dma_wait3A_639] : memref<819200x16xf32, #tpu.memory_space<hbm>> -> memref<819200x16xf32, #tpu.memory_space<hbm>>
      tpu.wait_indirect_dma semaphore(%arg9 : memref<!tpu.dma_semaphore, #tpu.memory_space<semaphore_mem>>) src(%dma_wait3A_640 : memref<819200x16xf32, #tpu.memory_space<hbm>>) dst(%dma_wait3A_634 : memref<128x16xf32, #tpu.memory_space<vmem>>)
      %dma_wait3A_641 = arith.constant 512 : i32
      %dma_wait3A_642 = arith.constant 0 : i32
      %dma_wait3A_643 = tpu.memref_slice %arg7[%dma_wait3A_641, %dma_wait3A_642] : memref<2048x16xf32, #tpu.memory_space<vmem>> -> memref<128x16xf32, #tpu.memory_space<vmem>>
      %dma_wait3A_644 = arith.constant 0 : i32
      %dma_wait3A_645 = tpu.memref_slice %arg5[%add3A_416, %dma_wait3A_644] : memref<64x128xi32, #tpu.memory_space<vmem>> -> memref<1x128xi32, #tpu.memory_space<vmem>>
      %dma_wait3A_646 = tpu.memref_squeeze %dma_wait3A_645 : memref<1x128xi32, #tpu.memory_space<vmem>> -> memref<128xi32, #tpu.memory_space<vmem>>
      %dma_wait3A_647 = arith.constant 0 : i32
      %dma_wait3A_648 = arith.constant 0 : i32
      %dma_wait3A_649 = tpu.memref_slice %arg2[%dma_wait3A_647, %dma_wait3A_648] : memref<819200x16xf32, #tpu.memory_space<hbm>> -> memref<819200x16xf32, #tpu.memory_space<hbm>>
      tpu.wait_indirect_dma semaphore(%arg9 : memref<!tpu.dma_semaphore, #tpu.memory_space<semaphore_mem>>) src(%dma_wait3A_649 : memref<819200x16xf32, #tpu.memory_space<hbm>>) dst(%dma_wait3A_643 : memref<128x16xf32, #tpu.memory_space<vmem>>)
      %dma_wait3A_650 = arith.constant 640 : i32
      %dma_wait3A_651 = arith.constant 0 : i32
      %dma_wait3A_652 = tpu.memref_slice %arg7[%dma_wait3A_650, %dma_wait3A_651] : memref<2048x16xf32, #tpu.memory_space<vmem>> -> memref<128x16xf32, #tpu.memory_space<vmem>>
      %dma_wait3A_653 = arith.constant 0 : i32
      %dma_wait3A_654 = tpu.memref_slice %arg5[%add3A_420, %dma_wait3A_653] : memref<64x128xi32, #tpu.memory_space<vmem>> -> memref<1x128xi32, #tpu.memory_space<vmem>>
      %dma_wait3A_655 = tpu.memref_squeeze %dma_wait3A_654 : memref<1x128xi32, #tpu.memory_space<vmem>> -> memref<128xi32, #tpu.memory_space<vmem>>
      %dma_wait3A_656 = arith.constant 0 : i32
      %dma_wait3A_657 = arith.constant 0 : i32
      %dma_wait3A_658 = tpu.memref_slice %arg2[%dma_wait3A_656, %dma_wait3A_657] : memref<819200x16xf32, #tpu.memory_space<hbm>> -> memref<819200x16xf32, #tpu.memory_space<hbm>>
      tpu.wait_indirect_dma semaphore(%arg9 : memref<!tpu.dma_semaphore, #tpu.memory_space<semaphore_mem>>) src(%dma_wait3A_658 : memref<819200x16xf32, #tpu.memory_space<hbm>>) dst(%dma_wait3A_652 : memref<128x16xf32, #tpu.memory_space<vmem>>)
      %dma_wait3A_659 = arith.constant 768 : i32
      %dma_wait3A_660 = arith.constant 0 : i32
      %dma_wait3A_661 = tpu.memref_slice %arg7[%dma_wait3A_659, %dma_wait3A_660] : memref<2048x16xf32, #tpu.memory_space<vmem>> -> memref<128x16xf32, #tpu.memory_space<vmem>>
      %dma_wait3A_662 = arith.constant 0 : i32
      %dma_wait3A_663 = tpu.memref_slice %arg5[%add3A_424, %dma_wait3A_662] : memref<64x128xi32, #tpu.memory_space<vmem>> -> memref<1x128xi32, #tpu.memory_space<vmem>>
      %dma_wait3A_664 = tpu.memref_squeeze %dma_wait3A_663 : memref<1x128xi32, #tpu.memory_space<vmem>> -> memref<128xi32, #tpu.memory_space<vmem>>
      %dma_wait3A_665 = arith.constant 0 : i32
      %dma_wait3A_666 = arith.constant 0 : i32
      %dma_wait3A_667 = tpu.memref_slice %arg2[%dma_wait3A_665, %dma_wait3A_666] : memref<819200x16xf32, #tpu.memory_space<hbm>> -> memref<819200x16xf32, #tpu.memory_space<hbm>>
      tpu.wait_indirect_dma semaphore(%arg9 : memref<!tpu.dma_semaphore, #tpu.memory_space<semaphore_mem>>) src(%dma_wait3A_667 : memref<819200x16xf32, #tpu.memory_space<hbm>>) dst(%dma_wait3A_661 : memref<128x16xf32, #tpu.memory_space<vmem>>)
      %dma_wait3A_668 = arith.constant 896 : i32
      %dma_wait3A_669 = arith.constant 0 : i32
      %dma_wait3A_670 = tpu.memref_slice %arg7[%dma_wait3A_668, %dma_wait3A_669] : memref<2048x16xf32, #tpu.memory_space<vmem>> -> memref<128x16xf32, #tpu.memory_space<vmem>>
      %dma_wait3A_671 = arith.constant 0 : i32
      %dma_wait3A_672 = tpu.memref_slice %arg5[%add3A_428, %dma_wait3A_671] : memref<64x128xi32, #tpu.memory_space<vmem>> -> memref<1x128xi32, #tpu.memory_space<vmem>>
      %dma_wait3A_673 = tpu.memref_squeeze %dma_wait3A_672 : memref<1x128xi32, #tpu.memory_space<vmem>> -> memref<128xi32, #tpu.memory_space<vmem>>
      %dma_wait3A_674 = arith.constant 0 : i32
      %dma_wait3A_675 = arith.constant 0 : i32
      %dma_wait3A_676 = tpu.memref_slice %arg2[%dma_wait3A_674, %dma_wait3A_675] : memref<819200x16xf32, #tpu.memory_space<hbm>> -> memref<819200x16xf32, #tpu.memory_space<hbm>>
      tpu.wait_indirect_dma semaphore(%arg9 : memref<!tpu.dma_semaphore, #tpu.memory_space<semaphore_mem>>) src(%dma_wait3A_676 : memref<819200x16xf32, #tpu.memory_space<hbm>>) dst(%dma_wait3A_670 : memref<128x16xf32, #tpu.memory_space<vmem>>)
      %dma_wait3A_677 = arith.constant 1024 : i32
      %dma_wait3A_678 = arith.constant 0 : i32
      %dma_wait3A_679 = tpu.memref_slice %arg7[%dma_wait3A_677, %dma_wait3A_678] : memref<2048x16xf32, #tpu.memory_space<vmem>> -> memref<128x16xf32, #tpu.memory_space<vmem>>
      %dma_wait3A_680 = arith.constant 0 : i32
      %dma_wait3A_681 = tpu.memref_slice %arg5[%add3A_432, %dma_wait3A_680] : memref<64x128xi32, #tpu.memory_space<vmem>> -> memref<1x128xi32, #tpu.memory_space<vmem>>
      %dma_wait3A_682 = tpu.memref_squeeze %dma_wait3A_681 : memref<1x128xi32, #tpu.memory_space<vmem>> -> memref<128xi32, #tpu.memory_space<vmem>>
      %dma_wait3A_683 = arith.constant 0 : i32
      %dma_wait3A_684 = arith.constant 0 : i32
      %dma_wait3A_685 = tpu.memref_slice %arg2[%dma_wait3A_683, %dma_wait3A_684] : memref<819200x16xf32, #tpu.memory_space<hbm>> -> memref<819200x16xf32, #tpu.memory_space<hbm>>
      tpu.wait_indirect_dma semaphore(%arg9 : memref<!tpu.dma_semaphore, #tpu.memory_space<semaphore_mem>>) src(%dma_wait3A_685 : memref<819200x16xf32, #tpu.memory_space<hbm>>) dst(%dma_wait3A_679 : memref<128x16xf32, #tpu.memory_space<vmem>>)
      %dma_wait3A_686 = arith.constant 1152 : i32
      %dma_wait3A_687 = arith.constant 0 : i32
      %dma_wait3A_688 = tpu.memref_slice %arg7[%dma_wait3A_686, %dma_wait3A_687] : memref<2048x16xf32, #tpu.memory_space<vmem>> -> memref<128x16xf32, #tpu.memory_space<vmem>>
      %dma_wait3A_689 = arith.constant 0 : i32
      %dma_wait3A_690 = tpu.memref_slice %arg5[%add3A_436, %dma_wait3A_689] : memref<64x128xi32, #tpu.memory_space<vmem>> -> memref<1x128xi32, #tpu.memory_space<vmem>>
      %dma_wait3A_691 = tpu.memref_squeeze %dma_wait3A_690 : memref<1x128xi32, #tpu.memory_space<vmem>> -> memref<128xi32, #tpu.memory_space<vmem>>
      %dma_wait3A_692 = arith.constant 0 : i32
      %dma_wait3A_693 = arith.constant 0 : i32
      %dma_wait3A_694 = tpu.memref_slice %arg2[%dma_wait3A_692, %dma_wait3A_693] : memref<819200x16xf32, #tpu.memory_space<hbm>> -> memref<819200x16xf32, #tpu.memory_space<hbm>>
      tpu.wait_indirect_dma semaphore(%arg9 : memref<!tpu.dma_semaphore, #tpu.memory_space<semaphore_mem>>) src(%dma_wait3A_694 : memref<819200x16xf32, #tpu.memory_space<hbm>>) dst(%dma_wait3A_688 : memref<128x16xf32, #tpu.memory_space<vmem>>)
      %dma_wait3A_695 = arith.constant 1280 : i32
      %dma_wait3A_696 = arith.constant 0 : i32
      %dma_wait3A_697 = tpu.memref_slice %arg7[%dma_wait3A_695, %dma_wait3A_696] : memref<2048x16xf32, #tpu.memory_space<vmem>> -> memref<128x16xf32, #tpu.memory_space<vmem>>
      %dma_wait3A_698 = arith.constant 0 : i32
      %dma_wait3A_699 = tpu.memref_slice %arg5[%add3A_440, %dma_wait3A_698] : memref<64x128xi32, #tpu.memory_space<vmem>> -> memref<1x128xi32, #tpu.memory_space<vmem>>
      %dma_wait3A_700 = tpu.memref_squeeze %dma_wait3A_699 : memref<1x128xi32, #tpu.memory_space<vmem>> -> memref<128xi32, #tpu.memory_space<vmem>>
      %dma_wait3A_701 = arith.constant 0 : i32
      %dma_wait3A_702 = arith.constant 0 : i32
      %dma_wait3A_703 = tpu.memref_slice %arg2[%dma_wait3A_701, %dma_wait3A_702] : memref<819200x16xf32, #tpu.memory_space<hbm>> -> memref<819200x16xf32, #tpu.memory_space<hbm>>
      tpu.wait_indirect_dma semaphore(%arg9 : memref<!tpu.dma_semaphore, #tpu.memory_space<semaphore_mem>>) src(%dma_wait3A_703 : memref<819200x16xf32, #tpu.memory_space<hbm>>) dst(%dma_wait3A_697 : memref<128x16xf32, #tpu.memory_space<vmem>>)
      %dma_wait3A_704 = arith.constant 1408 : i32
      %dma_wait3A_705 = arith.constant 0 : i32
      %dma_wait3A_706 = tpu.memref_slice %arg7[%dma_wait3A_704, %dma_wait3A_705] : memref<2048x16xf32, #tpu.memory_space<vmem>> -> memref<128x16xf32, #tpu.memory_space<vmem>>
      %dma_wait3A_707 = arith.constant 0 : i32
      %dma_wait3A_708 = tpu.memref_slice %arg5[%add3A_444, %dma_wait3A_707] : memref<64x128xi32, #tpu.memory_space<vmem>> -> memref<1x128xi32, #tpu.memory_space<vmem>>
      %dma_wait3A_709 = tpu.memref_squeeze %dma_wait3A_708 : memref<1x128xi32, #tpu.memory_space<vmem>> -> memref<128xi32, #tpu.memory_space<vmem>>
      %dma_wait3A_710 = arith.constant 0 : i32
      %dma_wait3A_711 = arith.constant 0 : i32
      %dma_wait3A_712 = tpu.memref_slice %arg2[%dma_wait3A_710, %dma_wait3A_711] : memref<819200x16xf32, #tpu.memory_space<hbm>> -> memref<819200x16xf32, #tpu.memory_space<hbm>>
      tpu.wait_indirect_dma semaphore(%arg9 : memref<!tpu.dma_semaphore, #tpu.memory_space<semaphore_mem>>) src(%dma_wait3A_712 : memref<819200x16xf32, #tpu.memory_space<hbm>>) dst(%dma_wait3A_706 : memref<128x16xf32, #tpu.memory_space<vmem>>)
      %dma_wait3A_713 = arith.constant 1536 : i32
      %dma_wait3A_714 = arith.constant 0 : i32
      %dma_wait3A_715 = tpu.memref_slice %arg7[%dma_wait3A_713, %dma_wait3A_714] : memref<2048x16xf32, #tpu.memory_space<vmem>> -> memref<128x16xf32, #tpu.memory_space<vmem>>
      %dma_wait3A_716 = arith.constant 0 : i32
      %dma_wait3A_717 = tpu.memref_slice %arg5[%add3A_448, %dma_wait3A_716] : memref<64x128xi32, #tpu.memory_space<vmem>> -> memref<1x128xi32, #tpu.memory_space<vmem>>
      %dma_wait3A_718 = tpu.memref_squeeze %dma_wait3A_717 : memref<1x128xi32, #tpu.memory_space<vmem>> -> memref<128xi32, #tpu.memory_space<vmem>>
      %dma_wait3A_719 = arith.constant 0 : i32
      %dma_wait3A_720 = arith.constant 0 : i32
      %dma_wait3A_721 = tpu.memref_slice %arg2[%dma_wait3A_719, %dma_wait3A_720] : memref<819200x16xf32, #tpu.memory_space<hbm>> -> memref<819200x16xf32, #tpu.memory_space<hbm>>
      tpu.wait_indirect_dma semaphore(%arg9 : memref<!tpu.dma_semaphore, #tpu.memory_space<semaphore_mem>>) src(%dma_wait3A_721 : memref<819200x16xf32, #tpu.memory_space<hbm>>) dst(%dma_wait3A_715 : memref<128x16xf32, #tpu.memory_space<vmem>>)
      %dma_wait3A_722 = arith.constant 1664 : i32
      %dma_wait3A_723 = arith.constant 0 : i32
      %dma_wait3A_724 = tpu.memref_slice %arg7[%dma_wait3A_722, %dma_wait3A_723] : memref<2048x16xf32, #tpu.memory_space<vmem>> -> memref<128x16xf32, #tpu.memory_space<vmem>>
      %dma_wait3A_725 = arith.constant 0 : i32
      %dma_wait3A_726 = tpu.memref_slice %arg5[%add3A_452, %dma_wait3A_725] : memref<64x128xi32, #tpu.memory_space<vmem>> -> memref<1x128xi32, #tpu.memory_space<vmem>>
      %dma_wait3A_727 = tpu.memref_squeeze %dma_wait3A_726 : memref<1x128xi32, #tpu.memory_space<vmem>> -> memref<128xi32, #tpu.memory_space<vmem>>
      %dma_wait3A_728 = arith.constant 0 : i32
      %dma_wait3A_729 = arith.constant 0 : i32
      %dma_wait3A_730 = tpu.memref_slice %arg2[%dma_wait3A_728, %dma_wait3A_729] : memref<819200x16xf32, #tpu.memory_space<hbm>> -> memref<819200x16xf32, #tpu.memory_space<hbm>>
      tpu.wait_indirect_dma semaphore(%arg9 : memref<!tpu.dma_semaphore, #tpu.memory_space<semaphore_mem>>) src(%dma_wait3A_730 : memref<819200x16xf32, #tpu.memory_space<hbm>>) dst(%dma_wait3A_724 : memref<128x16xf32, #tpu.memory_space<vmem>>)
      %dma_wait3A_731 = arith.constant 1792 : i32
      %dma_wait3A_732 = arith.constant 0 : i32
      %dma_wait3A_733 = tpu.memref_slice %arg7[%dma_wait3A_731, %dma_wait3A_732] : memref<2048x16xf32, #tpu.memory_space<vmem>> -> memref<128x16xf32, #tpu.memory_space<vmem>>
      %dma_wait3A_734 = arith.constant 0 : i32
      %dma_wait3A_735 = tpu.memref_slice %arg5[%add3A_456, %dma_wait3A_734] : memref<64x128xi32, #tpu.memory_space<vmem>> -> memref<1x128xi32, #tpu.memory_space<vmem>>
      %dma_wait3A_736 = tpu.memref_squeeze %dma_wait3A_735 : memref<1x128xi32, #tpu.memory_space<vmem>> -> memref<128xi32, #tpu.memory_space<vmem>>
      %dma_wait3A_737 = arith.constant 0 : i32
      %dma_wait3A_738 = arith.constant 0 : i32
      %dma_wait3A_739 = tpu.memref_slice %arg2[%dma_wait3A_737, %dma_wait3A_738] : memref<819200x16xf32, #tpu.memory_space<hbm>> -> memref<819200x16xf32, #tpu.memory_space<hbm>>
      tpu.wait_indirect_dma semaphore(%arg9 : memref<!tpu.dma_semaphore, #tpu.memory_space<semaphore_mem>>) src(%dma_wait3A_739 : memref<819200x16xf32, #tpu.memory_space<hbm>>) dst(%dma_wait3A_733 : memref<128x16xf32, #tpu.memory_space<vmem>>)
      %dma_wait3A_740 = arith.constant 1920 : i32
      %dma_wait3A_741 = arith.constant 0 : i32
      %dma_wait3A_742 = tpu.memref_slice %arg7[%dma_wait3A_740, %dma_wait3A_741] : memref<2048x16xf32, #tpu.memory_space<vmem>> -> memref<128x16xf32, #tpu.memory_space<vmem>>
      %dma_wait3A_743 = arith.constant 0 : i32
      %dma_wait3A_744 = tpu.memref_slice %arg5[%add3A_460, %dma_wait3A_743] : memref<64x128xi32, #tpu.memory_space<vmem>> -> memref<1x128xi32, #tpu.memory_space<vmem>>
      %dma_wait3A_745 = tpu.memref_squeeze %dma_wait3A_744 : memref<1x128xi32, #tpu.memory_space<vmem>> -> memref<128xi32, #tpu.memory_space<vmem>>
      %dma_wait3A_746 = arith.constant 0 : i32
      %dma_wait3A_747 = arith.constant 0 : i32
      %dma_wait3A_748 = tpu.memref_slice %arg2[%dma_wait3A_746, %dma_wait3A_747] : memref<819200x16xf32, #tpu.memory_space<hbm>> -> memref<819200x16xf32, #tpu.memory_space<hbm>>
      tpu.wait_indirect_dma semaphore(%arg9 : memref<!tpu.dma_semaphore, #tpu.memory_space<semaphore_mem>>) src(%dma_wait3A_748 : memref<819200x16xf32, #tpu.memory_space<hbm>>) dst(%dma_wait3A_742 : memref<128x16xf32, #tpu.memory_space<vmem>>)
      %dma_start3A_749 = arith.constant 0 : i32
      %dma_start3A_750 = tpu.memref_slice %arg4[%add3A_391, %dma_start3A_749] : memref<262144x16xf32, #tpu.memory_space<hbm>> -> memref<2048x16xf32, #tpu.memory_space<hbm>>
      %dma_start3A_751 = arith.constant 0 : i32
      %dma_start3A_752 = tpu.memref_slice %arg4[%add3A_391, %dma_start3A_751] : memref<262144x16xf32, #tpu.memory_space<hbm>> -> memref<2048x16xf32, #tpu.memory_space<hbm>>
      tpu.enqueue_dma source(%arg7 : memref<2048x16xf32, #tpu.memory_space<vmem>>) target(%dma_start3A_752 : memref<2048x16xf32, #tpu.memory_space<hbm>>) target_semaphore(%arg11 : memref<!tpu.dma_semaphore, #tpu.memory_space<semaphore_mem>>)
    }
    %scan3A_4 = arith.constant 2 : i32
    %dma_wait3A = arith.constant 0 : i32
    %dma_wait3A_5 = arith.constant 0 : i32
    %dma_wait3A_6 = tpu.memref_slice %arg4[%dma_wait3A, %dma_wait3A_5] : memref<262144x16xf32, #tpu.memory_space<hbm>> -> memref<2048x16xf32, #tpu.memory_space<hbm>>
    %dma_wait3A_7 = arith.constant 0 : i32
    %dma_wait3A_8 = arith.constant 0 : i32
    %dma_wait3A_9 = tpu.memref_slice %arg4[%dma_wait3A_7, %dma_wait3A_8] : memref<262144x16xf32, #tpu.memory_space<hbm>> -> memref<2048x16xf32, #tpu.memory_space<hbm>>
    tpu.wait_dma2 semaphore(%arg10 : memref<!tpu.dma_semaphore, #tpu.memory_space<semaphore_mem>>) src(%arg6 : memref<2048x16xf32, #tpu.memory_space<vmem>>) dst(%dma_wait3A_9 : memref<2048x16xf32, #tpu.memory_space<hbm>>)
    %dma_wait3A_10 = arith.constant 0 : i32
    %dma_wait3A_11 = arith.constant 0 : i32
    %dma_wait3A_12 = tpu.memref_slice %arg4[%dma_wait3A_10, %dma_wait3A_11] : memref<262144x16xf32, #tpu.memory_space<hbm>> -> memref<2048x16xf32, #tpu.memory_space<hbm>>
    %dma_wait3A_13 = arith.constant 0 : i32
    %dma_wait3A_14 = arith.constant 0 : i32
    %dma_wait3A_15 = tpu.memref_slice %arg4[%dma_wait3A_13, %dma_wait3A_14] : memref<262144x16xf32, #tpu.memory_space<hbm>> -> memref<2048x16xf32, #tpu.memory_space<hbm>>
    tpu.wait_dma2 semaphore(%arg11 : memref<!tpu.dma_semaphore, #tpu.memory_space<semaphore_mem>>) src(%arg7 : memref<2048x16xf32, #tpu.memory_space<vmem>>) dst(%dma_wait3A_15 : memref<2048x16xf32, #tpu.memory_space<hbm>>)
    return
  }
}

#map = affine_map<(d0, d1) -> (0, 0)>
#map1 = affine_map<(d0, d1) -> (0, 0, 0)>
module attributes {stable_mosaic.version = 14 : i64} {
  func.func @k(%arg0: i32, %arg1: i32, %arg2: memref<819200x16xf32, #tpu.memory_space<hbm>>, %arg3: memref<32x40x128xi32, #tpu.memory_space<hbm>>, %arg4: memref<163840x16xf32, #tpu.memory_space<hbm>>, %arg5: memref<40x128xi32, #tpu.memory_space<vmem>>, %arg6: memref<2560x16xf32, #tpu.memory_space<vmem>>, %arg7: memref<2560x16xf32, #tpu.memory_space<vmem>>, %arg8: memref<!tpu.dma_semaphore, #tpu.memory_space<semaphore_mem>>, %arg9: memref<!tpu.dma_semaphore, #tpu.memory_space<semaphore_mem>>, %arg10: memref<!tpu.dma_semaphore, #tpu.memory_space<semaphore_mem>>, %arg11: memref<!tpu.dma_semaphore, #tpu.memory_space<semaphore_mem>>) attributes {dimension_semantics = [#tpu.dimension_semantics<core_parallel>, #tpu.dimension_semantics<subcore_parallel>], iteration_bounds = array<i64: 2, 16>, scalar_prefetch = 0 : i64, scratch_operands = 7 : i64, tpu.core_type = #tpu.core_type<sc_vector_subcore>, window_params = [{transform_indices = #map}, {transform_indices = #map1}, {transform_indices = #map}]} {
    %mul3A = arith.constant 2 : i32
    %mul3A_0 = arith.muli %arg1, %mul3A : i32
    %add3A = arith.addi %mul3A_0, %arg0 : i32
    "tpu.region"() ({
      %run_scoped3A = tpu.sem_alloc : memref<!tpu.dma_semaphore, #tpu.memory_space<semaphore_mem>>
      %dma_start3A_925 = arith.constant 0 : i32
      %dma_start3A_926 = arith.constant 0 : i32
      %dma_start3A_927 = tpu.memref_slice %arg3[%add3A, %dma_start3A_925, %dma_start3A_926] : memref<32x40x128xi32, #tpu.memory_space<hbm>> -> memref<1x40x128xi32, #tpu.memory_space<hbm>>
      %dma_start3A_928 = tpu.memref_squeeze %dma_start3A_927 : memref<1x40x128xi32, #tpu.memory_space<hbm>> -> memref<40x128xi32, #tpu.memory_space<hbm>>
      %dma_start3A_929 = arith.constant 0 : i32
      %dma_start3A_930 = arith.constant 0 : i32
      %dma_start3A_931 = tpu.memref_slice %arg3[%add3A, %dma_start3A_929, %dma_start3A_930] : memref<32x40x128xi32, #tpu.memory_space<hbm>> -> memref<1x40x128xi32, #tpu.memory_space<hbm>>
      %dma_start3A_932 = tpu.memref_squeeze %dma_start3A_931 : memref<1x40x128xi32, #tpu.memory_space<hbm>> -> memref<40x128xi32, #tpu.memory_space<hbm>>
      tpu.enqueue_dma source(%dma_start3A_932 : memref<40x128xi32, #tpu.memory_space<hbm>>) target(%arg5 : memref<40x128xi32, #tpu.memory_space<vmem>>) target_semaphore(%run_scoped3A : memref<!tpu.dma_semaphore, #tpu.memory_space<semaphore_mem>>)
      %dma_wait3A_933 = arith.constant 0 : i32
      %dma_wait3A_934 = arith.constant 0 : i32
      %dma_wait3A_935 = tpu.memref_slice %arg3[%add3A, %dma_wait3A_933, %dma_wait3A_934] : memref<32x40x128xi32, #tpu.memory_space<hbm>> -> memref<1x40x128xi32, #tpu.memory_space<hbm>>
      %dma_wait3A_936 = tpu.memref_squeeze %dma_wait3A_935 : memref<1x40x128xi32, #tpu.memory_space<hbm>> -> memref<40x128xi32, #tpu.memory_space<hbm>>
      %dma_wait3A_937 = arith.constant 0 : i32
      %dma_wait3A_938 = arith.constant 0 : i32
      %dma_wait3A_939 = tpu.memref_slice %arg3[%add3A, %dma_wait3A_937, %dma_wait3A_938] : memref<32x40x128xi32, #tpu.memory_space<hbm>> -> memref<1x40x128xi32, #tpu.memory_space<hbm>>
      %dma_wait3A_940 = tpu.memref_squeeze %dma_wait3A_939 : memref<1x40x128xi32, #tpu.memory_space<hbm>> -> memref<40x128xi32, #tpu.memory_space<hbm>>
      tpu.wait_dma2 semaphore(%run_scoped3A : memref<!tpu.dma_semaphore, #tpu.memory_space<semaphore_mem>>) src(%dma_wait3A_940 : memref<40x128xi32, #tpu.memory_space<hbm>>) dst(%arg5 : memref<40x128xi32, #tpu.memory_space<vmem>>)
      tpu.yield
    }) : () -> ()
    %scan3A = arith.constant 0 : i32
    %mul3A_1 = arith.constant 2 : i32
    %mul3A_2 = arith.muli %scan3A, %mul3A_1 : i32
    %add3A_3 = arith.constant 0 : i32
    %add3A_4 = arith.addi %add3A_3, %mul3A_2 : i32
    %add3A_5 = arith.constant 0 : i32
    %add3A_6 = arith.addi %add3A_4, %add3A_5 : i32
    %mul3A_7 = arith.constant 5120 : i32
    %mul3A_8 = arith.muli %add3A, %mul3A_7 : i32
    %mul3A_9 = arith.constant 2560 : i32
    %mul3A_10 = arith.muli %add3A_6, %mul3A_9 : i32
    %add3A_11 = arith.addi %mul3A_8, %mul3A_10 : i32
    %gt3A = arith.constant 0 : i32
    %gt3A_12 = arith.cmpi sgt, %add3A_4, %gt3A : i32
    %convert_element_type3A = arith.extui %gt3A_12 : i1 to i32
    %cond3A = arith.constant 0 : i32
    %cond3A_13 = arith.cmpi ne, %convert_element_type3A, %cond3A : i32
    scf.if %cond3A_13 {
      %dma_wait3A_925 = arith.constant 0 : i32
      %dma_wait3A_926 = arith.constant 0 : i32
      %dma_wait3A_927 = tpu.memref_slice %arg4[%dma_wait3A_925, %dma_wait3A_926] : memref<163840x16xf32, #tpu.memory_space<hbm>> -> memref<2560x16xf32, #tpu.memory_space<hbm>>
      %dma_wait3A_928 = arith.constant 0 : i32
      %dma_wait3A_929 = arith.constant 0 : i32
      %dma_wait3A_930 = tpu.memref_slice %arg4[%dma_wait3A_928, %dma_wait3A_929] : memref<163840x16xf32, #tpu.memory_space<hbm>> -> memref<2560x16xf32, #tpu.memory_space<hbm>>
      tpu.wait_dma2 semaphore(%arg10 : memref<!tpu.dma_semaphore, #tpu.memory_space<semaphore_mem>>) src(%arg6 : memref<2560x16xf32, #tpu.memory_space<vmem>>) dst(%dma_wait3A_930 : memref<2560x16xf32, #tpu.memory_space<hbm>>)
    } else {
    }
    %mul3A_14 = arith.constant 20 : i32
    %mul3A_15 = arith.muli %add3A_6, %mul3A_14 : i32
    %add3A_16 = arith.constant 0 : i32
    %add3A_17 = arith.addi %mul3A_15, %add3A_16 : i32
    %mul3A_18 = arith.constant 20 : i32
    %mul3A_19 = arith.muli %add3A_6, %mul3A_18 : i32
    %add3A_20 = arith.constant 1 : i32
    %add3A_21 = arith.addi %mul3A_19, %add3A_20 : i32
    %mul3A_22 = arith.constant 20 : i32
    %mul3A_23 = arith.muli %add3A_6, %mul3A_22 : i32
    %add3A_24 = arith.constant 2 : i32
    %add3A_25 = arith.addi %mul3A_23, %add3A_24 : i32
    %mul3A_26 = arith.constant 20 : i32
    %mul3A_27 = arith.muli %add3A_6, %mul3A_26 : i32
    %add3A_28 = arith.constant 3 : i32
    %add3A_29 = arith.addi %mul3A_27, %add3A_28 : i32
    %mul3A_30 = arith.constant 20 : i32
    %mul3A_31 = arith.muli %add3A_6, %mul3A_30 : i32
    %add3A_32 = arith.constant 4 : i32
    %add3A_33 = arith.addi %mul3A_31, %add3A_32 : i32
    %mul3A_34 = arith.constant 20 : i32
    %mul3A_35 = arith.muli %add3A_6, %mul3A_34 : i32
    %add3A_36 = arith.constant 5 : i32
    %add3A_37 = arith.addi %mul3A_35, %add3A_36 : i32
    %mul3A_38 = arith.constant 20 : i32
    %mul3A_39 = arith.muli %add3A_6, %mul3A_38 : i32
    %add3A_40 = arith.constant 6 : i32
    %add3A_41 = arith.addi %mul3A_39, %add3A_40 : i32
    %mul3A_42 = arith.constant 20 : i32
    %mul3A_43 = arith.muli %add3A_6, %mul3A_42 : i32
    %add3A_44 = arith.constant 7 : i32
    %add3A_45 = arith.addi %mul3A_43, %add3A_44 : i32
    %mul3A_46 = arith.constant 20 : i32
    %mul3A_47 = arith.muli %add3A_6, %mul3A_46 : i32
    %add3A_48 = arith.constant 8 : i32
    %add3A_49 = arith.addi %mul3A_47, %add3A_48 : i32
    %mul3A_50 = arith.constant 20 : i32
    %mul3A_51 = arith.muli %add3A_6, %mul3A_50 : i32
    %add3A_52 = arith.constant 9 : i32
    %add3A_53 = arith.addi %mul3A_51, %add3A_52 : i32
    %mul3A_54 = arith.constant 20 : i32
    %mul3A_55 = arith.muli %add3A_6, %mul3A_54 : i32
    %add3A_56 = arith.constant 10 : i32
    %add3A_57 = arith.addi %mul3A_55, %add3A_56 : i32
    %mul3A_58 = arith.constant 20 : i32
    %mul3A_59 = arith.muli %add3A_6, %mul3A_58 : i32
    %add3A_60 = arith.constant 11 : i32
    %add3A_61 = arith.addi %mul3A_59, %add3A_60 : i32
    %mul3A_62 = arith.constant 20 : i32
    %mul3A_63 = arith.muli %add3A_6, %mul3A_62 : i32
    %add3A_64 = arith.constant 12 : i32
    %add3A_65 = arith.addi %mul3A_63, %add3A_64 : i32
    %mul3A_66 = arith.constant 20 : i32
    %mul3A_67 = arith.muli %add3A_6, %mul3A_66 : i32
    %add3A_68 = arith.constant 13 : i32
    %add3A_69 = arith.addi %mul3A_67, %add3A_68 : i32
    %mul3A_70 = arith.constant 20 : i32
    %mul3A_71 = arith.muli %add3A_6, %mul3A_70 : i32
    %add3A_72 = arith.constant 14 : i32
    %add3A_73 = arith.addi %mul3A_71, %add3A_72 : i32
    %mul3A_74 = arith.constant 20 : i32
    %mul3A_75 = arith.muli %add3A_6, %mul3A_74 : i32
    %add3A_76 = arith.constant 15 : i32
    %add3A_77 = arith.addi %mul3A_75, %add3A_76 : i32
    %mul3A_78 = arith.constant 20 : i32
    %mul3A_79 = arith.muli %add3A_6, %mul3A_78 : i32
    %add3A_80 = arith.constant 16 : i32
    %add3A_81 = arith.addi %mul3A_79, %add3A_80 : i32
    %mul3A_82 = arith.constant 20 : i32
    %mul3A_83 = arith.muli %add3A_6, %mul3A_82 : i32
    %add3A_84 = arith.constant 17 : i32
    %add3A_85 = arith.addi %mul3A_83, %add3A_84 : i32
    %mul3A_86 = arith.constant 20 : i32
    %mul3A_87 = arith.muli %add3A_6, %mul3A_86 : i32
    %add3A_88 = arith.constant 18 : i32
    %add3A_89 = arith.addi %mul3A_87, %add3A_88 : i32
    %mul3A_90 = arith.constant 20 : i32
    %mul3A_91 = arith.muli %add3A_6, %mul3A_90 : i32
    %add3A_92 = arith.constant 19 : i32
    %add3A_93 = arith.addi %mul3A_91, %add3A_92 : i32
    %dma_start3A = arith.constant 0 : i32
    %dma_start3A_94 = arith.constant 0 : i32
    %dma_start3A_95 = tpu.memref_slice %arg6[%dma_start3A, %dma_start3A_94] : memref<2560x16xf32, #tpu.memory_space<vmem>> -> memref<128x16xf32, #tpu.memory_space<vmem>>
    %dma_start3A_96 = arith.constant 0 : i32
    %dma_start3A_97 = tpu.memref_slice %arg5[%add3A_17, %dma_start3A_96] : memref<40x128xi32, #tpu.memory_space<vmem>> -> memref<1x128xi32, #tpu.memory_space<vmem>>
    %dma_start3A_98 = tpu.memref_squeeze %dma_start3A_97 : memref<1x128xi32, #tpu.memory_space<vmem>> -> memref<128xi32, #tpu.memory_space<vmem>>
    %dma_start3A_99 = arith.constant 0 : i32
    %dma_start3A_100 = arith.constant 0 : i32
    %dma_start3A_101 = tpu.memref_slice %arg2[%dma_start3A_99, %dma_start3A_100] : memref<819200x16xf32, #tpu.memory_space<hbm>> -> memref<819200x16xf32, #tpu.memory_space<hbm>>
    tpu.enqueue_indirect_dma source(%dma_start3A_101 : memref<819200x16xf32, #tpu.memory_space<hbm>>) target(%dma_start3A_95 : memref<128x16xf32, #tpu.memory_space<vmem>>) offsets(%dma_start3A_98 : memref<128xi32, #tpu.memory_space<vmem>>) semaphore(%arg8 : memref<!tpu.dma_semaphore, #tpu.memory_space<semaphore_mem>>)
    %dma_start3A_102 = arith.constant 128 : i32
    %dma_start3A_103 = arith.constant 0 : i32
    %dma_start3A_104 = tpu.memref_slice %arg6[%dma_start3A_102, %dma_start3A_103] : memref<2560x16xf32, #tpu.memory_space<vmem>> -> memref<128x16xf32, #tpu.memory_space<vmem>>
    %dma_start3A_105 = arith.constant 0 : i32
    %dma_start3A_106 = tpu.memref_slice %arg5[%add3A_21, %dma_start3A_105] : memref<40x128xi32, #tpu.memory_space<vmem>> -> memref<1x128xi32, #tpu.memory_space<vmem>>
    %dma_start3A_107 = tpu.memref_squeeze %dma_start3A_106 : memref<1x128xi32, #tpu.memory_space<vmem>> -> memref<128xi32, #tpu.memory_space<vmem>>
    %dma_start3A_108 = arith.constant 0 : i32
    %dma_start3A_109 = arith.constant 0 : i32
    %dma_start3A_110 = tpu.memref_slice %arg2[%dma_start3A_108, %dma_start3A_109] : memref<819200x16xf32, #tpu.memory_space<hbm>> -> memref<819200x16xf32, #tpu.memory_space<hbm>>
    tpu.enqueue_indirect_dma source(%dma_start3A_110 : memref<819200x16xf32, #tpu.memory_space<hbm>>) target(%dma_start3A_104 : memref<128x16xf32, #tpu.memory_space<vmem>>) offsets(%dma_start3A_107 : memref<128xi32, #tpu.memory_space<vmem>>) semaphore(%arg8 : memref<!tpu.dma_semaphore, #tpu.memory_space<semaphore_mem>>)
    %dma_start3A_111 = arith.constant 256 : i32
    %dma_start3A_112 = arith.constant 0 : i32
    %dma_start3A_113 = tpu.memref_slice %arg6[%dma_start3A_111, %dma_start3A_112] : memref<2560x16xf32, #tpu.memory_space<vmem>> -> memref<128x16xf32, #tpu.memory_space<vmem>>
    %dma_start3A_114 = arith.constant 0 : i32
    %dma_start3A_115 = tpu.memref_slice %arg5[%add3A_25, %dma_start3A_114] : memref<40x128xi32, #tpu.memory_space<vmem>> -> memref<1x128xi32, #tpu.memory_space<vmem>>
    %dma_start3A_116 = tpu.memref_squeeze %dma_start3A_115 : memref<1x128xi32, #tpu.memory_space<vmem>> -> memref<128xi32, #tpu.memory_space<vmem>>
    %dma_start3A_117 = arith.constant 0 : i32
    %dma_start3A_118 = arith.constant 0 : i32
    %dma_start3A_119 = tpu.memref_slice %arg2[%dma_start3A_117, %dma_start3A_118] : memref<819200x16xf32, #tpu.memory_space<hbm>> -> memref<819200x16xf32, #tpu.memory_space<hbm>>
    tpu.enqueue_indirect_dma source(%dma_start3A_119 : memref<819200x16xf32, #tpu.memory_space<hbm>>) target(%dma_start3A_113 : memref<128x16xf32, #tpu.memory_space<vmem>>) offsets(%dma_start3A_116 : memref<128xi32, #tpu.memory_space<vmem>>) semaphore(%arg8 : memref<!tpu.dma_semaphore, #tpu.memory_space<semaphore_mem>>)
    %dma_start3A_120 = arith.constant 384 : i32
    %dma_start3A_121 = arith.constant 0 : i32
    %dma_start3A_122 = tpu.memref_slice %arg6[%dma_start3A_120, %dma_start3A_121] : memref<2560x16xf32, #tpu.memory_space<vmem>> -> memref<128x16xf32, #tpu.memory_space<vmem>>
    %dma_start3A_123 = arith.constant 0 : i32
    %dma_start3A_124 = tpu.memref_slice %arg5[%add3A_29, %dma_start3A_123] : memref<40x128xi32, #tpu.memory_space<vmem>> -> memref<1x128xi32, #tpu.memory_space<vmem>>
    %dma_start3A_125 = tpu.memref_squeeze %dma_start3A_124 : memref<1x128xi32, #tpu.memory_space<vmem>> -> memref<128xi32, #tpu.memory_space<vmem>>
    %dma_start3A_126 = arith.constant 0 : i32
    %dma_start3A_127 = arith.constant 0 : i32
    %dma_start3A_128 = tpu.memref_slice %arg2[%dma_start3A_126, %dma_start3A_127] : memref<819200x16xf32, #tpu.memory_space<hbm>> -> memref<819200x16xf32, #tpu.memory_space<hbm>>
    tpu.enqueue_indirect_dma source(%dma_start3A_128 : memref<819200x16xf32, #tpu.memory_space<hbm>>) target(%dma_start3A_122 : memref<128x16xf32, #tpu.memory_space<vmem>>) offsets(%dma_start3A_125 : memref<128xi32, #tpu.memory_space<vmem>>) semaphore(%arg8 : memref<!tpu.dma_semaphore, #tpu.memory_space<semaphore_mem>>)
    %dma_start3A_129 = arith.constant 512 : i32
    %dma_start3A_130 = arith.constant 0 : i32
    %dma_start3A_131 = tpu.memref_slice %arg6[%dma_start3A_129, %dma_start3A_130] : memref<2560x16xf32, #tpu.memory_space<vmem>> -> memref<128x16xf32, #tpu.memory_space<vmem>>
    %dma_start3A_132 = arith.constant 0 : i32
    %dma_start3A_133 = tpu.memref_slice %arg5[%add3A_33, %dma_start3A_132] : memref<40x128xi32, #tpu.memory_space<vmem>> -> memref<1x128xi32, #tpu.memory_space<vmem>>
    %dma_start3A_134 = tpu.memref_squeeze %dma_start3A_133 : memref<1x128xi32, #tpu.memory_space<vmem>> -> memref<128xi32, #tpu.memory_space<vmem>>
    %dma_start3A_135 = arith.constant 0 : i32
    %dma_start3A_136 = arith.constant 0 : i32
    %dma_start3A_137 = tpu.memref_slice %arg2[%dma_start3A_135, %dma_start3A_136] : memref<819200x16xf32, #tpu.memory_space<hbm>> -> memref<819200x16xf32, #tpu.memory_space<hbm>>
    tpu.enqueue_indirect_dma source(%dma_start3A_137 : memref<819200x16xf32, #tpu.memory_space<hbm>>) target(%dma_start3A_131 : memref<128x16xf32, #tpu.memory_space<vmem>>) offsets(%dma_start3A_134 : memref<128xi32, #tpu.memory_space<vmem>>) semaphore(%arg8 : memref<!tpu.dma_semaphore, #tpu.memory_space<semaphore_mem>>)
    %dma_start3A_138 = arith.constant 640 : i32
    %dma_start3A_139 = arith.constant 0 : i32
    %dma_start3A_140 = tpu.memref_slice %arg6[%dma_start3A_138, %dma_start3A_139] : memref<2560x16xf32, #tpu.memory_space<vmem>> -> memref<128x16xf32, #tpu.memory_space<vmem>>
    %dma_start3A_141 = arith.constant 0 : i32
    %dma_start3A_142 = tpu.memref_slice %arg5[%add3A_37, %dma_start3A_141] : memref<40x128xi32, #tpu.memory_space<vmem>> -> memref<1x128xi32, #tpu.memory_space<vmem>>
    %dma_start3A_143 = tpu.memref_squeeze %dma_start3A_142 : memref<1x128xi32, #tpu.memory_space<vmem>> -> memref<128xi32, #tpu.memory_space<vmem>>
    %dma_start3A_144 = arith.constant 0 : i32
    %dma_start3A_145 = arith.constant 0 : i32
    %dma_start3A_146 = tpu.memref_slice %arg2[%dma_start3A_144, %dma_start3A_145] : memref<819200x16xf32, #tpu.memory_space<hbm>> -> memref<819200x16xf32, #tpu.memory_space<hbm>>
    tpu.enqueue_indirect_dma source(%dma_start3A_146 : memref<819200x16xf32, #tpu.memory_space<hbm>>) target(%dma_start3A_140 : memref<128x16xf32, #tpu.memory_space<vmem>>) offsets(%dma_start3A_143 : memref<128xi32, #tpu.memory_space<vmem>>) semaphore(%arg8 : memref<!tpu.dma_semaphore, #tpu.memory_space<semaphore_mem>>)
    %dma_start3A_147 = arith.constant 768 : i32
    %dma_start3A_148 = arith.constant 0 : i32
    %dma_start3A_149 = tpu.memref_slice %arg6[%dma_start3A_147, %dma_start3A_148] : memref<2560x16xf32, #tpu.memory_space<vmem>> -> memref<128x16xf32, #tpu.memory_space<vmem>>
    %dma_start3A_150 = arith.constant 0 : i32
    %dma_start3A_151 = tpu.memref_slice %arg5[%add3A_41, %dma_start3A_150] : memref<40x128xi32, #tpu.memory_space<vmem>> -> memref<1x128xi32, #tpu.memory_space<vmem>>
    %dma_start3A_152 = tpu.memref_squeeze %dma_start3A_151 : memref<1x128xi32, #tpu.memory_space<vmem>> -> memref<128xi32, #tpu.memory_space<vmem>>
    %dma_start3A_153 = arith.constant 0 : i32
    %dma_start3A_154 = arith.constant 0 : i32
    %dma_start3A_155 = tpu.memref_slice %arg2[%dma_start3A_153, %dma_start3A_154] : memref<819200x16xf32, #tpu.memory_space<hbm>> -> memref<819200x16xf32, #tpu.memory_space<hbm>>
    tpu.enqueue_indirect_dma source(%dma_start3A_155 : memref<819200x16xf32, #tpu.memory_space<hbm>>) target(%dma_start3A_149 : memref<128x16xf32, #tpu.memory_space<vmem>>) offsets(%dma_start3A_152 : memref<128xi32, #tpu.memory_space<vmem>>) semaphore(%arg8 : memref<!tpu.dma_semaphore, #tpu.memory_space<semaphore_mem>>)
    %dma_start3A_156 = arith.constant 896 : i32
    %dma_start3A_157 = arith.constant 0 : i32
    %dma_start3A_158 = tpu.memref_slice %arg6[%dma_start3A_156, %dma_start3A_157] : memref<2560x16xf32, #tpu.memory_space<vmem>> -> memref<128x16xf32, #tpu.memory_space<vmem>>
    %dma_start3A_159 = arith.constant 0 : i32
    %dma_start3A_160 = tpu.memref_slice %arg5[%add3A_45, %dma_start3A_159] : memref<40x128xi32, #tpu.memory_space<vmem>> -> memref<1x128xi32, #tpu.memory_space<vmem>>
    %dma_start3A_161 = tpu.memref_squeeze %dma_start3A_160 : memref<1x128xi32, #tpu.memory_space<vmem>> -> memref<128xi32, #tpu.memory_space<vmem>>
    %dma_start3A_162 = arith.constant 0 : i32
    %dma_start3A_163 = arith.constant 0 : i32
    %dma_start3A_164 = tpu.memref_slice %arg2[%dma_start3A_162, %dma_start3A_163] : memref<819200x16xf32, #tpu.memory_space<hbm>> -> memref<819200x16xf32, #tpu.memory_space<hbm>>
    tpu.enqueue_indirect_dma source(%dma_start3A_164 : memref<819200x16xf32, #tpu.memory_space<hbm>>) target(%dma_start3A_158 : memref<128x16xf32, #tpu.memory_space<vmem>>) offsets(%dma_start3A_161 : memref<128xi32, #tpu.memory_space<vmem>>) semaphore(%arg8 : memref<!tpu.dma_semaphore, #tpu.memory_space<semaphore_mem>>)
    %dma_start3A_165 = arith.constant 1024 : i32
    %dma_start3A_166 = arith.constant 0 : i32
    %dma_start3A_167 = tpu.memref_slice %arg6[%dma_start3A_165, %dma_start3A_166] : memref<2560x16xf32, #tpu.memory_space<vmem>> -> memref<128x16xf32, #tpu.memory_space<vmem>>
    %dma_start3A_168 = arith.constant 0 : i32
    %dma_start3A_169 = tpu.memref_slice %arg5[%add3A_49, %dma_start3A_168] : memref<40x128xi32, #tpu.memory_space<vmem>> -> memref<1x128xi32, #tpu.memory_space<vmem>>
    %dma_start3A_170 = tpu.memref_squeeze %dma_start3A_169 : memref<1x128xi32, #tpu.memory_space<vmem>> -> memref<128xi32, #tpu.memory_space<vmem>>
    %dma_start3A_171 = arith.constant 0 : i32
    %dma_start3A_172 = arith.constant 0 : i32
    %dma_start3A_173 = tpu.memref_slice %arg2[%dma_start3A_171, %dma_start3A_172] : memref<819200x16xf32, #tpu.memory_space<hbm>> -> memref<819200x16xf32, #tpu.memory_space<hbm>>
    tpu.enqueue_indirect_dma source(%dma_start3A_173 : memref<819200x16xf32, #tpu.memory_space<hbm>>) target(%dma_start3A_167 : memref<128x16xf32, #tpu.memory_space<vmem>>) offsets(%dma_start3A_170 : memref<128xi32, #tpu.memory_space<vmem>>) semaphore(%arg8 : memref<!tpu.dma_semaphore, #tpu.memory_space<semaphore_mem>>)
    %dma_start3A_174 = arith.constant 1152 : i32
    %dma_start3A_175 = arith.constant 0 : i32
    %dma_start3A_176 = tpu.memref_slice %arg6[%dma_start3A_174, %dma_start3A_175] : memref<2560x16xf32, #tpu.memory_space<vmem>> -> memref<128x16xf32, #tpu.memory_space<vmem>>
    %dma_start3A_177 = arith.constant 0 : i32
    %dma_start3A_178 = tpu.memref_slice %arg5[%add3A_53, %dma_start3A_177] : memref<40x128xi32, #tpu.memory_space<vmem>> -> memref<1x128xi32, #tpu.memory_space<vmem>>
    %dma_start3A_179 = tpu.memref_squeeze %dma_start3A_178 : memref<1x128xi32, #tpu.memory_space<vmem>> -> memref<128xi32, #tpu.memory_space<vmem>>
    %dma_start3A_180 = arith.constant 0 : i32
    %dma_start3A_181 = arith.constant 0 : i32
    %dma_start3A_182 = tpu.memref_slice %arg2[%dma_start3A_180, %dma_start3A_181] : memref<819200x16xf32, #tpu.memory_space<hbm>> -> memref<819200x16xf32, #tpu.memory_space<hbm>>
    tpu.enqueue_indirect_dma source(%dma_start3A_182 : memref<819200x16xf32, #tpu.memory_space<hbm>>) target(%dma_start3A_176 : memref<128x16xf32, #tpu.memory_space<vmem>>) offsets(%dma_start3A_179 : memref<128xi32, #tpu.memory_space<vmem>>) semaphore(%arg8 : memref<!tpu.dma_semaphore, #tpu.memory_space<semaphore_mem>>)
    %dma_start3A_183 = arith.constant 1280 : i32
    %dma_start3A_184 = arith.constant 0 : i32
    %dma_start3A_185 = tpu.memref_slice %arg6[%dma_start3A_183, %dma_start3A_184] : memref<2560x16xf32, #tpu.memory_space<vmem>> -> memref<128x16xf32, #tpu.memory_space<vmem>>
    %dma_start3A_186 = arith.constant 0 : i32
    %dma_start3A_187 = tpu.memref_slice %arg5[%add3A_57, %dma_start3A_186] : memref<40x128xi32, #tpu.memory_space<vmem>> -> memref<1x128xi32, #tpu.memory_space<vmem>>
    %dma_start3A_188 = tpu.memref_squeeze %dma_start3A_187 : memref<1x128xi32, #tpu.memory_space<vmem>> -> memref<128xi32, #tpu.memory_space<vmem>>
    %dma_start3A_189 = arith.constant 0 : i32
    %dma_start3A_190 = arith.constant 0 : i32
    %dma_start3A_191 = tpu.memref_slice %arg2[%dma_start3A_189, %dma_start3A_190] : memref<819200x16xf32, #tpu.memory_space<hbm>> -> memref<819200x16xf32, #tpu.memory_space<hbm>>
    tpu.enqueue_indirect_dma source(%dma_start3A_191 : memref<819200x16xf32, #tpu.memory_space<hbm>>) target(%dma_start3A_185 : memref<128x16xf32, #tpu.memory_space<vmem>>) offsets(%dma_start3A_188 : memref<128xi32, #tpu.memory_space<vmem>>) semaphore(%arg8 : memref<!tpu.dma_semaphore, #tpu.memory_space<semaphore_mem>>)
    %dma_start3A_192 = arith.constant 1408 : i32
    %dma_start3A_193 = arith.constant 0 : i32
    %dma_start3A_194 = tpu.memref_slice %arg6[%dma_start3A_192, %dma_start3A_193] : memref<2560x16xf32, #tpu.memory_space<vmem>> -> memref<128x16xf32, #tpu.memory_space<vmem>>
    %dma_start3A_195 = arith.constant 0 : i32
    %dma_start3A_196 = tpu.memref_slice %arg5[%add3A_61, %dma_start3A_195] : memref<40x128xi32, #tpu.memory_space<vmem>> -> memref<1x128xi32, #tpu.memory_space<vmem>>
    %dma_start3A_197 = tpu.memref_squeeze %dma_start3A_196 : memref<1x128xi32, #tpu.memory_space<vmem>> -> memref<128xi32, #tpu.memory_space<vmem>>
    %dma_start3A_198 = arith.constant 0 : i32
    %dma_start3A_199 = arith.constant 0 : i32
    %dma_start3A_200 = tpu.memref_slice %arg2[%dma_start3A_198, %dma_start3A_199] : memref<819200x16xf32, #tpu.memory_space<hbm>> -> memref<819200x16xf32, #tpu.memory_space<hbm>>
    tpu.enqueue_indirect_dma source(%dma_start3A_200 : memref<819200x16xf32, #tpu.memory_space<hbm>>) target(%dma_start3A_194 : memref<128x16xf32, #tpu.memory_space<vmem>>) offsets(%dma_start3A_197 : memref<128xi32, #tpu.memory_space<vmem>>) semaphore(%arg8 : memref<!tpu.dma_semaphore, #tpu.memory_space<semaphore_mem>>)
    %dma_start3A_201 = arith.constant 1536 : i32
    %dma_start3A_202 = arith.constant 0 : i32
    %dma_start3A_203 = tpu.memref_slice %arg6[%dma_start3A_201, %dma_start3A_202] : memref<2560x16xf32, #tpu.memory_space<vmem>> -> memref<128x16xf32, #tpu.memory_space<vmem>>
    %dma_start3A_204 = arith.constant 0 : i32
    %dma_start3A_205 = tpu.memref_slice %arg5[%add3A_65, %dma_start3A_204] : memref<40x128xi32, #tpu.memory_space<vmem>> -> memref<1x128xi32, #tpu.memory_space<vmem>>
    %dma_start3A_206 = tpu.memref_squeeze %dma_start3A_205 : memref<1x128xi32, #tpu.memory_space<vmem>> -> memref<128xi32, #tpu.memory_space<vmem>>
    %dma_start3A_207 = arith.constant 0 : i32
    %dma_start3A_208 = arith.constant 0 : i32
    %dma_start3A_209 = tpu.memref_slice %arg2[%dma_start3A_207, %dma_start3A_208] : memref<819200x16xf32, #tpu.memory_space<hbm>> -> memref<819200x16xf32, #tpu.memory_space<hbm>>
    tpu.enqueue_indirect_dma source(%dma_start3A_209 : memref<819200x16xf32, #tpu.memory_space<hbm>>) target(%dma_start3A_203 : memref<128x16xf32, #tpu.memory_space<vmem>>) offsets(%dma_start3A_206 : memref<128xi32, #tpu.memory_space<vmem>>) semaphore(%arg8 : memref<!tpu.dma_semaphore, #tpu.memory_space<semaphore_mem>>)
    %dma_start3A_210 = arith.constant 1664 : i32
    %dma_start3A_211 = arith.constant 0 : i32
    %dma_start3A_212 = tpu.memref_slice %arg6[%dma_start3A_210, %dma_start3A_211] : memref<2560x16xf32, #tpu.memory_space<vmem>> -> memref<128x16xf32, #tpu.memory_space<vmem>>
    %dma_start3A_213 = arith.constant 0 : i32
    %dma_start3A_214 = tpu.memref_slice %arg5[%add3A_69, %dma_start3A_213] : memref<40x128xi32, #tpu.memory_space<vmem>> -> memref<1x128xi32, #tpu.memory_space<vmem>>
    %dma_start3A_215 = tpu.memref_squeeze %dma_start3A_214 : memref<1x128xi32, #tpu.memory_space<vmem>> -> memref<128xi32, #tpu.memory_space<vmem>>
    %dma_start3A_216 = arith.constant 0 : i32
    %dma_start3A_217 = arith.constant 0 : i32
    %dma_start3A_218 = tpu.memref_slice %arg2[%dma_start3A_216, %dma_start3A_217] : memref<819200x16xf32, #tpu.memory_space<hbm>> -> memref<819200x16xf32, #tpu.memory_space<hbm>>
    tpu.enqueue_indirect_dma source(%dma_start3A_218 : memref<819200x16xf32, #tpu.memory_space<hbm>>) target(%dma_start3A_212 : memref<128x16xf32, #tpu.memory_space<vmem>>) offsets(%dma_start3A_215 : memref<128xi32, #tpu.memory_space<vmem>>) semaphore(%arg8 : memref<!tpu.dma_semaphore, #tpu.memory_space<semaphore_mem>>)
    %dma_start3A_219 = arith.constant 1792 : i32
    %dma_start3A_220 = arith.constant 0 : i32
    %dma_start3A_221 = tpu.memref_slice %arg6[%dma_start3A_219, %dma_start3A_220] : memref<2560x16xf32, #tpu.memory_space<vmem>> -> memref<128x16xf32, #tpu.memory_space<vmem>>
    %dma_start3A_222 = arith.constant 0 : i32
    %dma_start3A_223 = tpu.memref_slice %arg5[%add3A_73, %dma_start3A_222] : memref<40x128xi32, #tpu.memory_space<vmem>> -> memref<1x128xi32, #tpu.memory_space<vmem>>
    %dma_start3A_224 = tpu.memref_squeeze %dma_start3A_223 : memref<1x128xi32, #tpu.memory_space<vmem>> -> memref<128xi32, #tpu.memory_space<vmem>>
    %dma_start3A_225 = arith.constant 0 : i32
    %dma_start3A_226 = arith.constant 0 : i32
    %dma_start3A_227 = tpu.memref_slice %arg2[%dma_start3A_225, %dma_start3A_226] : memref<819200x16xf32, #tpu.memory_space<hbm>> -> memref<819200x16xf32, #tpu.memory_space<hbm>>
    tpu.enqueue_indirect_dma source(%dma_start3A_227 : memref<819200x16xf32, #tpu.memory_space<hbm>>) target(%dma_start3A_221 : memref<128x16xf32, #tpu.memory_space<vmem>>) offsets(%dma_start3A_224 : memref<128xi32, #tpu.memory_space<vmem>>) semaphore(%arg8 : memref<!tpu.dma_semaphore, #tpu.memory_space<semaphore_mem>>)
    %dma_start3A_228 = arith.constant 1920 : i32
    %dma_start3A_229 = arith.constant 0 : i32
    %dma_start3A_230 = tpu.memref_slice %arg6[%dma_start3A_228, %dma_start3A_229] : memref<2560x16xf32, #tpu.memory_space<vmem>> -> memref<128x16xf32, #tpu.memory_space<vmem>>
    %dma_start3A_231 = arith.constant 0 : i32
    %dma_start3A_232 = tpu.memref_slice %arg5[%add3A_77, %dma_start3A_231] : memref<40x128xi32, #tpu.memory_space<vmem>> -> memref<1x128xi32, #tpu.memory_space<vmem>>
    %dma_start3A_233 = tpu.memref_squeeze %dma_start3A_232 : memref<1x128xi32, #tpu.memory_space<vmem>> -> memref<128xi32, #tpu.memory_space<vmem>>
    %dma_start3A_234 = arith.constant 0 : i32
    %dma_start3A_235 = arith.constant 0 : i32
    %dma_start3A_236 = tpu.memref_slice %arg2[%dma_start3A_234, %dma_start3A_235] : memref<819200x16xf32, #tpu.memory_space<hbm>> -> memref<819200x16xf32, #tpu.memory_space<hbm>>
    tpu.enqueue_indirect_dma source(%dma_start3A_236 : memref<819200x16xf32, #tpu.memory_space<hbm>>) target(%dma_start3A_230 : memref<128x16xf32, #tpu.memory_space<vmem>>) offsets(%dma_start3A_233 : memref<128xi32, #tpu.memory_space<vmem>>) semaphore(%arg8 : memref<!tpu.dma_semaphore, #tpu.memory_space<semaphore_mem>>)
    %dma_start3A_237 = arith.constant 2048 : i32
    %dma_start3A_238 = arith.constant 0 : i32
    %dma_start3A_239 = tpu.memref_slice %arg6[%dma_start3A_237, %dma_start3A_238] : memref<2560x16xf32, #tpu.memory_space<vmem>> -> memref<128x16xf32, #tpu.memory_space<vmem>>
    %dma_start3A_240 = arith.constant 0 : i32
    %dma_start3A_241 = tpu.memref_slice %arg5[%add3A_81, %dma_start3A_240] : memref<40x128xi32, #tpu.memory_space<vmem>> -> memref<1x128xi32, #tpu.memory_space<vmem>>
    %dma_start3A_242 = tpu.memref_squeeze %dma_start3A_241 : memref<1x128xi32, #tpu.memory_space<vmem>> -> memref<128xi32, #tpu.memory_space<vmem>>
    %dma_start3A_243 = arith.constant 0 : i32
    %dma_start3A_244 = arith.constant 0 : i32
    %dma_start3A_245 = tpu.memref_slice %arg2[%dma_start3A_243, %dma_start3A_244] : memref<819200x16xf32, #tpu.memory_space<hbm>> -> memref<819200x16xf32, #tpu.memory_space<hbm>>
    tpu.enqueue_indirect_dma source(%dma_start3A_245 : memref<819200x16xf32, #tpu.memory_space<hbm>>) target(%dma_start3A_239 : memref<128x16xf32, #tpu.memory_space<vmem>>) offsets(%dma_start3A_242 : memref<128xi32, #tpu.memory_space<vmem>>) semaphore(%arg8 : memref<!tpu.dma_semaphore, #tpu.memory_space<semaphore_mem>>)
    %dma_start3A_246 = arith.constant 2176 : i32
    %dma_start3A_247 = arith.constant 0 : i32
    %dma_start3A_248 = tpu.memref_slice %arg6[%dma_start3A_246, %dma_start3A_247] : memref<2560x16xf32, #tpu.memory_space<vmem>> -> memref<128x16xf32, #tpu.memory_space<vmem>>
    %dma_start3A_249 = arith.constant 0 : i32
    %dma_start3A_250 = tpu.memref_slice %arg5[%add3A_85, %dma_start3A_249] : memref<40x128xi32, #tpu.memory_space<vmem>> -> memref<1x128xi32, #tpu.memory_space<vmem>>
    %dma_start3A_251 = tpu.memref_squeeze %dma_start3A_250 : memref<1x128xi32, #tpu.memory_space<vmem>> -> memref<128xi32, #tpu.memory_space<vmem>>
    %dma_start3A_252 = arith.constant 0 : i32
    %dma_start3A_253 = arith.constant 0 : i32
    %dma_start3A_254 = tpu.memref_slice %arg2[%dma_start3A_252, %dma_start3A_253] : memref<819200x16xf32, #tpu.memory_space<hbm>> -> memref<819200x16xf32, #tpu.memory_space<hbm>>
    tpu.enqueue_indirect_dma source(%dma_start3A_254 : memref<819200x16xf32, #tpu.memory_space<hbm>>) target(%dma_start3A_248 : memref<128x16xf32, #tpu.memory_space<vmem>>) offsets(%dma_start3A_251 : memref<128xi32, #tpu.memory_space<vmem>>) semaphore(%arg8 : memref<!tpu.dma_semaphore, #tpu.memory_space<semaphore_mem>>)
    %dma_start3A_255 = arith.constant 2304 : i32
    %dma_start3A_256 = arith.constant 0 : i32
    %dma_start3A_257 = tpu.memref_slice %arg6[%dma_start3A_255, %dma_start3A_256] : memref<2560x16xf32, #tpu.memory_space<vmem>> -> memref<128x16xf32, #tpu.memory_space<vmem>>
    %dma_start3A_258 = arith.constant 0 : i32
    %dma_start3A_259 = tpu.memref_slice %arg5[%add3A_89, %dma_start3A_258] : memref<40x128xi32, #tpu.memory_space<vmem>> -> memref<1x128xi32, #tpu.memory_space<vmem>>
    %dma_start3A_260 = tpu.memref_squeeze %dma_start3A_259 : memref<1x128xi32, #tpu.memory_space<vmem>> -> memref<128xi32, #tpu.memory_space<vmem>>
    %dma_start3A_261 = arith.constant 0 : i32
    %dma_start3A_262 = arith.constant 0 : i32
    %dma_start3A_263 = tpu.memref_slice %arg2[%dma_start3A_261, %dma_start3A_262] : memref<819200x16xf32, #tpu.memory_space<hbm>> -> memref<819200x16xf32, #tpu.memory_space<hbm>>
    tpu.enqueue_indirect_dma source(%dma_start3A_263 : memref<819200x16xf32, #tpu.memory_space<hbm>>) target(%dma_start3A_257 : memref<128x16xf32, #tpu.memory_space<vmem>>) offsets(%dma_start3A_260 : memref<128xi32, #tpu.memory_space<vmem>>) semaphore(%arg8 : memref<!tpu.dma_semaphore, #tpu.memory_space<semaphore_mem>>)
    %dma_start3A_264 = arith.constant 2432 : i32
    %dma_start3A_265 = arith.constant 0 : i32
    %dma_start3A_266 = tpu.memref_slice %arg6[%dma_start3A_264, %dma_start3A_265] : memref<2560x16xf32, #tpu.memory_space<vmem>> -> memref<128x16xf32, #tpu.memory_space<vmem>>
    %dma_start3A_267 = arith.constant 0 : i32
    %dma_start3A_268 = tpu.memref_slice %arg5[%add3A_93, %dma_start3A_267] : memref<40x128xi32, #tpu.memory_space<vmem>> -> memref<1x128xi32, #tpu.memory_space<vmem>>
    %dma_start3A_269 = tpu.memref_squeeze %dma_start3A_268 : memref<1x128xi32, #tpu.memory_space<vmem>> -> memref<128xi32, #tpu.memory_space<vmem>>
    %dma_start3A_270 = arith.constant 0 : i32
    %dma_start3A_271 = arith.constant 0 : i32
    %dma_start3A_272 = tpu.memref_slice %arg2[%dma_start3A_270, %dma_start3A_271] : memref<819200x16xf32, #tpu.memory_space<hbm>> -> memref<819200x16xf32, #tpu.memory_space<hbm>>
    tpu.enqueue_indirect_dma source(%dma_start3A_272 : memref<819200x16xf32, #tpu.memory_space<hbm>>) target(%dma_start3A_266 : memref<128x16xf32, #tpu.memory_space<vmem>>) offsets(%dma_start3A_269 : memref<128xi32, #tpu.memory_space<vmem>>) semaphore(%arg8 : memref<!tpu.dma_semaphore, #tpu.memory_space<semaphore_mem>>)
    %dma_wait3A = arith.constant 0 : i32
    %dma_wait3A_273 = arith.constant 0 : i32
    %dma_wait3A_274 = tpu.memref_slice %arg6[%dma_wait3A, %dma_wait3A_273] : memref<2560x16xf32, #tpu.memory_space<vmem>> -> memref<128x16xf32, #tpu.memory_space<vmem>>
    %dma_wait3A_275 = arith.constant 0 : i32
    %dma_wait3A_276 = tpu.memref_slice %arg5[%add3A_17, %dma_wait3A_275] : memref<40x128xi32, #tpu.memory_space<vmem>> -> memref<1x128xi32, #tpu.memory_space<vmem>>
    %dma_wait3A_277 = tpu.memref_squeeze %dma_wait3A_276 : memref<1x128xi32, #tpu.memory_space<vmem>> -> memref<128xi32, #tpu.memory_space<vmem>>
    %dma_wait3A_278 = arith.constant 0 : i32
    %dma_wait3A_279 = arith.constant 0 : i32
    %dma_wait3A_280 = tpu.memref_slice %arg2[%dma_wait3A_278, %dma_wait3A_279] : memref<819200x16xf32, #tpu.memory_space<hbm>> -> memref<819200x16xf32, #tpu.memory_space<hbm>>
    tpu.wait_indirect_dma semaphore(%arg8 : memref<!tpu.dma_semaphore, #tpu.memory_space<semaphore_mem>>) src(%dma_wait3A_280 : memref<819200x16xf32, #tpu.memory_space<hbm>>) dst(%dma_wait3A_274 : memref<128x16xf32, #tpu.memory_space<vmem>>)
    %dma_wait3A_281 = arith.constant 128 : i32
    %dma_wait3A_282 = arith.constant 0 : i32
    %dma_wait3A_283 = tpu.memref_slice %arg6[%dma_wait3A_281, %dma_wait3A_282] : memref<2560x16xf32, #tpu.memory_space<vmem>> -> memref<128x16xf32, #tpu.memory_space<vmem>>
    %dma_wait3A_284 = arith.constant 0 : i32
    %dma_wait3A_285 = tpu.memref_slice %arg5[%add3A_21, %dma_wait3A_284] : memref<40x128xi32, #tpu.memory_space<vmem>> -> memref<1x128xi32, #tpu.memory_space<vmem>>
    %dma_wait3A_286 = tpu.memref_squeeze %dma_wait3A_285 : memref<1x128xi32, #tpu.memory_space<vmem>> -> memref<128xi32, #tpu.memory_space<vmem>>
    %dma_wait3A_287 = arith.constant 0 : i32
    %dma_wait3A_288 = arith.constant 0 : i32
    %dma_wait3A_289 = tpu.memref_slice %arg2[%dma_wait3A_287, %dma_wait3A_288] : memref<819200x16xf32, #tpu.memory_space<hbm>> -> memref<819200x16xf32, #tpu.memory_space<hbm>>
    tpu.wait_indirect_dma semaphore(%arg8 : memref<!tpu.dma_semaphore, #tpu.memory_space<semaphore_mem>>) src(%dma_wait3A_289 : memref<819200x16xf32, #tpu.memory_space<hbm>>) dst(%dma_wait3A_283 : memref<128x16xf32, #tpu.memory_space<vmem>>)
    %dma_wait3A_290 = arith.constant 256 : i32
    %dma_wait3A_291 = arith.constant 0 : i32
    %dma_wait3A_292 = tpu.memref_slice %arg6[%dma_wait3A_290, %dma_wait3A_291] : memref<2560x16xf32, #tpu.memory_space<vmem>> -> memref<128x16xf32, #tpu.memory_space<vmem>>
    %dma_wait3A_293 = arith.constant 0 : i32
    %dma_wait3A_294 = tpu.memref_slice %arg5[%add3A_25, %dma_wait3A_293] : memref<40x128xi32, #tpu.memory_space<vmem>> -> memref<1x128xi32, #tpu.memory_space<vmem>>
    %dma_wait3A_295 = tpu.memref_squeeze %dma_wait3A_294 : memref<1x128xi32, #tpu.memory_space<vmem>> -> memref<128xi32, #tpu.memory_space<vmem>>
    %dma_wait3A_296 = arith.constant 0 : i32
    %dma_wait3A_297 = arith.constant 0 : i32
    %dma_wait3A_298 = tpu.memref_slice %arg2[%dma_wait3A_296, %dma_wait3A_297] : memref<819200x16xf32, #tpu.memory_space<hbm>> -> memref<819200x16xf32, #tpu.memory_space<hbm>>
    tpu.wait_indirect_dma semaphore(%arg8 : memref<!tpu.dma_semaphore, #tpu.memory_space<semaphore_mem>>) src(%dma_wait3A_298 : memref<819200x16xf32, #tpu.memory_space<hbm>>) dst(%dma_wait3A_292 : memref<128x16xf32, #tpu.memory_space<vmem>>)
    %dma_wait3A_299 = arith.constant 384 : i32
    %dma_wait3A_300 = arith.constant 0 : i32
    %dma_wait3A_301 = tpu.memref_slice %arg6[%dma_wait3A_299, %dma_wait3A_300] : memref<2560x16xf32, #tpu.memory_space<vmem>> -> memref<128x16xf32, #tpu.memory_space<vmem>>
    %dma_wait3A_302 = arith.constant 0 : i32
    %dma_wait3A_303 = tpu.memref_slice %arg5[%add3A_29, %dma_wait3A_302] : memref<40x128xi32, #tpu.memory_space<vmem>> -> memref<1x128xi32, #tpu.memory_space<vmem>>
    %dma_wait3A_304 = tpu.memref_squeeze %dma_wait3A_303 : memref<1x128xi32, #tpu.memory_space<vmem>> -> memref<128xi32, #tpu.memory_space<vmem>>
    %dma_wait3A_305 = arith.constant 0 : i32
    %dma_wait3A_306 = arith.constant 0 : i32
    %dma_wait3A_307 = tpu.memref_slice %arg2[%dma_wait3A_305, %dma_wait3A_306] : memref<819200x16xf32, #tpu.memory_space<hbm>> -> memref<819200x16xf32, #tpu.memory_space<hbm>>
    tpu.wait_indirect_dma semaphore(%arg8 : memref<!tpu.dma_semaphore, #tpu.memory_space<semaphore_mem>>) src(%dma_wait3A_307 : memref<819200x16xf32, #tpu.memory_space<hbm>>) dst(%dma_wait3A_301 : memref<128x16xf32, #tpu.memory_space<vmem>>)
    %dma_wait3A_308 = arith.constant 512 : i32
    %dma_wait3A_309 = arith.constant 0 : i32
    %dma_wait3A_310 = tpu.memref_slice %arg6[%dma_wait3A_308, %dma_wait3A_309] : memref<2560x16xf32, #tpu.memory_space<vmem>> -> memref<128x16xf32, #tpu.memory_space<vmem>>
    %dma_wait3A_311 = arith.constant 0 : i32
    %dma_wait3A_312 = tpu.memref_slice %arg5[%add3A_33, %dma_wait3A_311] : memref<40x128xi32, #tpu.memory_space<vmem>> -> memref<1x128xi32, #tpu.memory_space<vmem>>
    %dma_wait3A_313 = tpu.memref_squeeze %dma_wait3A_312 : memref<1x128xi32, #tpu.memory_space<vmem>> -> memref<128xi32, #tpu.memory_space<vmem>>
    %dma_wait3A_314 = arith.constant 0 : i32
    %dma_wait3A_315 = arith.constant 0 : i32
    %dma_wait3A_316 = tpu.memref_slice %arg2[%dma_wait3A_314, %dma_wait3A_315] : memref<819200x16xf32, #tpu.memory_space<hbm>> -> memref<819200x16xf32, #tpu.memory_space<hbm>>
    tpu.wait_indirect_dma semaphore(%arg8 : memref<!tpu.dma_semaphore, #tpu.memory_space<semaphore_mem>>) src(%dma_wait3A_316 : memref<819200x16xf32, #tpu.memory_space<hbm>>) dst(%dma_wait3A_310 : memref<128x16xf32, #tpu.memory_space<vmem>>)
    %dma_wait3A_317 = arith.constant 640 : i32
    %dma_wait3A_318 = arith.constant 0 : i32
    %dma_wait3A_319 = tpu.memref_slice %arg6[%dma_wait3A_317, %dma_wait3A_318] : memref<2560x16xf32, #tpu.memory_space<vmem>> -> memref<128x16xf32, #tpu.memory_space<vmem>>
    %dma_wait3A_320 = arith.constant 0 : i32
    %dma_wait3A_321 = tpu.memref_slice %arg5[%add3A_37, %dma_wait3A_320] : memref<40x128xi32, #tpu.memory_space<vmem>> -> memref<1x128xi32, #tpu.memory_space<vmem>>
    %dma_wait3A_322 = tpu.memref_squeeze %dma_wait3A_321 : memref<1x128xi32, #tpu.memory_space<vmem>> -> memref<128xi32, #tpu.memory_space<vmem>>
    %dma_wait3A_323 = arith.constant 0 : i32
    %dma_wait3A_324 = arith.constant 0 : i32
    %dma_wait3A_325 = tpu.memref_slice %arg2[%dma_wait3A_323, %dma_wait3A_324] : memref<819200x16xf32, #tpu.memory_space<hbm>> -> memref<819200x16xf32, #tpu.memory_space<hbm>>
    tpu.wait_indirect_dma semaphore(%arg8 : memref<!tpu.dma_semaphore, #tpu.memory_space<semaphore_mem>>) src(%dma_wait3A_325 : memref<819200x16xf32, #tpu.memory_space<hbm>>) dst(%dma_wait3A_319 : memref<128x16xf32, #tpu.memory_space<vmem>>)
    %dma_wait3A_326 = arith.constant 768 : i32
    %dma_wait3A_327 = arith.constant 0 : i32
    %dma_wait3A_328 = tpu.memref_slice %arg6[%dma_wait3A_326, %dma_wait3A_327] : memref<2560x16xf32, #tpu.memory_space<vmem>> -> memref<128x16xf32, #tpu.memory_space<vmem>>
    %dma_wait3A_329 = arith.constant 0 : i32
    %dma_wait3A_330 = tpu.memref_slice %arg5[%add3A_41, %dma_wait3A_329] : memref<40x128xi32, #tpu.memory_space<vmem>> -> memref<1x128xi32, #tpu.memory_space<vmem>>
    %dma_wait3A_331 = tpu.memref_squeeze %dma_wait3A_330 : memref<1x128xi32, #tpu.memory_space<vmem>> -> memref<128xi32, #tpu.memory_space<vmem>>
    %dma_wait3A_332 = arith.constant 0 : i32
    %dma_wait3A_333 = arith.constant 0 : i32
    %dma_wait3A_334 = tpu.memref_slice %arg2[%dma_wait3A_332, %dma_wait3A_333] : memref<819200x16xf32, #tpu.memory_space<hbm>> -> memref<819200x16xf32, #tpu.memory_space<hbm>>
    tpu.wait_indirect_dma semaphore(%arg8 : memref<!tpu.dma_semaphore, #tpu.memory_space<semaphore_mem>>) src(%dma_wait3A_334 : memref<819200x16xf32, #tpu.memory_space<hbm>>) dst(%dma_wait3A_328 : memref<128x16xf32, #tpu.memory_space<vmem>>)
    %dma_wait3A_335 = arith.constant 896 : i32
    %dma_wait3A_336 = arith.constant 0 : i32
    %dma_wait3A_337 = tpu.memref_slice %arg6[%dma_wait3A_335, %dma_wait3A_336] : memref<2560x16xf32, #tpu.memory_space<vmem>> -> memref<128x16xf32, #tpu.memory_space<vmem>>
    %dma_wait3A_338 = arith.constant 0 : i32
    %dma_wait3A_339 = tpu.memref_slice %arg5[%add3A_45, %dma_wait3A_338] : memref<40x128xi32, #tpu.memory_space<vmem>> -> memref<1x128xi32, #tpu.memory_space<vmem>>
    %dma_wait3A_340 = tpu.memref_squeeze %dma_wait3A_339 : memref<1x128xi32, #tpu.memory_space<vmem>> -> memref<128xi32, #tpu.memory_space<vmem>>
    %dma_wait3A_341 = arith.constant 0 : i32
    %dma_wait3A_342 = arith.constant 0 : i32
    %dma_wait3A_343 = tpu.memref_slice %arg2[%dma_wait3A_341, %dma_wait3A_342] : memref<819200x16xf32, #tpu.memory_space<hbm>> -> memref<819200x16xf32, #tpu.memory_space<hbm>>
    tpu.wait_indirect_dma semaphore(%arg8 : memref<!tpu.dma_semaphore, #tpu.memory_space<semaphore_mem>>) src(%dma_wait3A_343 : memref<819200x16xf32, #tpu.memory_space<hbm>>) dst(%dma_wait3A_337 : memref<128x16xf32, #tpu.memory_space<vmem>>)
    %dma_wait3A_344 = arith.constant 1024 : i32
    %dma_wait3A_345 = arith.constant 0 : i32
    %dma_wait3A_346 = tpu.memref_slice %arg6[%dma_wait3A_344, %dma_wait3A_345] : memref<2560x16xf32, #tpu.memory_space<vmem>> -> memref<128x16xf32, #tpu.memory_space<vmem>>
    %dma_wait3A_347 = arith.constant 0 : i32
    %dma_wait3A_348 = tpu.memref_slice %arg5[%add3A_49, %dma_wait3A_347] : memref<40x128xi32, #tpu.memory_space<vmem>> -> memref<1x128xi32, #tpu.memory_space<vmem>>
    %dma_wait3A_349 = tpu.memref_squeeze %dma_wait3A_348 : memref<1x128xi32, #tpu.memory_space<vmem>> -> memref<128xi32, #tpu.memory_space<vmem>>
    %dma_wait3A_350 = arith.constant 0 : i32
    %dma_wait3A_351 = arith.constant 0 : i32
    %dma_wait3A_352 = tpu.memref_slice %arg2[%dma_wait3A_350, %dma_wait3A_351] : memref<819200x16xf32, #tpu.memory_space<hbm>> -> memref<819200x16xf32, #tpu.memory_space<hbm>>
    tpu.wait_indirect_dma semaphore(%arg8 : memref<!tpu.dma_semaphore, #tpu.memory_space<semaphore_mem>>) src(%dma_wait3A_352 : memref<819200x16xf32, #tpu.memory_space<hbm>>) dst(%dma_wait3A_346 : memref<128x16xf32, #tpu.memory_space<vmem>>)
    %dma_wait3A_353 = arith.constant 1152 : i32
    %dma_wait3A_354 = arith.constant 0 : i32
    %dma_wait3A_355 = tpu.memref_slice %arg6[%dma_wait3A_353, %dma_wait3A_354] : memref<2560x16xf32, #tpu.memory_space<vmem>> -> memref<128x16xf32, #tpu.memory_space<vmem>>
    %dma_wait3A_356 = arith.constant 0 : i32
    %dma_wait3A_357 = tpu.memref_slice %arg5[%add3A_53, %dma_wait3A_356] : memref<40x128xi32, #tpu.memory_space<vmem>> -> memref<1x128xi32, #tpu.memory_space<vmem>>
    %dma_wait3A_358 = tpu.memref_squeeze %dma_wait3A_357 : memref<1x128xi32, #tpu.memory_space<vmem>> -> memref<128xi32, #tpu.memory_space<vmem>>
    %dma_wait3A_359 = arith.constant 0 : i32
    %dma_wait3A_360 = arith.constant 0 : i32
    %dma_wait3A_361 = tpu.memref_slice %arg2[%dma_wait3A_359, %dma_wait3A_360] : memref<819200x16xf32, #tpu.memory_space<hbm>> -> memref<819200x16xf32, #tpu.memory_space<hbm>>
    tpu.wait_indirect_dma semaphore(%arg8 : memref<!tpu.dma_semaphore, #tpu.memory_space<semaphore_mem>>) src(%dma_wait3A_361 : memref<819200x16xf32, #tpu.memory_space<hbm>>) dst(%dma_wait3A_355 : memref<128x16xf32, #tpu.memory_space<vmem>>)
    %dma_wait3A_362 = arith.constant 1280 : i32
    %dma_wait3A_363 = arith.constant 0 : i32
    %dma_wait3A_364 = tpu.memref_slice %arg6[%dma_wait3A_362, %dma_wait3A_363] : memref<2560x16xf32, #tpu.memory_space<vmem>> -> memref<128x16xf32, #tpu.memory_space<vmem>>
    %dma_wait3A_365 = arith.constant 0 : i32
    %dma_wait3A_366 = tpu.memref_slice %arg5[%add3A_57, %dma_wait3A_365] : memref<40x128xi32, #tpu.memory_space<vmem>> -> memref<1x128xi32, #tpu.memory_space<vmem>>
    %dma_wait3A_367 = tpu.memref_squeeze %dma_wait3A_366 : memref<1x128xi32, #tpu.memory_space<vmem>> -> memref<128xi32, #tpu.memory_space<vmem>>
    %dma_wait3A_368 = arith.constant 0 : i32
    %dma_wait3A_369 = arith.constant 0 : i32
    %dma_wait3A_370 = tpu.memref_slice %arg2[%dma_wait3A_368, %dma_wait3A_369] : memref<819200x16xf32, #tpu.memory_space<hbm>> -> memref<819200x16xf32, #tpu.memory_space<hbm>>
    tpu.wait_indirect_dma semaphore(%arg8 : memref<!tpu.dma_semaphore, #tpu.memory_space<semaphore_mem>>) src(%dma_wait3A_370 : memref<819200x16xf32, #tpu.memory_space<hbm>>) dst(%dma_wait3A_364 : memref<128x16xf32, #tpu.memory_space<vmem>>)
    %dma_wait3A_371 = arith.constant 1408 : i32
    %dma_wait3A_372 = arith.constant 0 : i32
    %dma_wait3A_373 = tpu.memref_slice %arg6[%dma_wait3A_371, %dma_wait3A_372] : memref<2560x16xf32, #tpu.memory_space<vmem>> -> memref<128x16xf32, #tpu.memory_space<vmem>>
    %dma_wait3A_374 = arith.constant 0 : i32
    %dma_wait3A_375 = tpu.memref_slice %arg5[%add3A_61, %dma_wait3A_374] : memref<40x128xi32, #tpu.memory_space<vmem>> -> memref<1x128xi32, #tpu.memory_space<vmem>>
    %dma_wait3A_376 = tpu.memref_squeeze %dma_wait3A_375 : memref<1x128xi32, #tpu.memory_space<vmem>> -> memref<128xi32, #tpu.memory_space<vmem>>
    %dma_wait3A_377 = arith.constant 0 : i32
    %dma_wait3A_378 = arith.constant 0 : i32
    %dma_wait3A_379 = tpu.memref_slice %arg2[%dma_wait3A_377, %dma_wait3A_378] : memref<819200x16xf32, #tpu.memory_space<hbm>> -> memref<819200x16xf32, #tpu.memory_space<hbm>>
    tpu.wait_indirect_dma semaphore(%arg8 : memref<!tpu.dma_semaphore, #tpu.memory_space<semaphore_mem>>) src(%dma_wait3A_379 : memref<819200x16xf32, #tpu.memory_space<hbm>>) dst(%dma_wait3A_373 : memref<128x16xf32, #tpu.memory_space<vmem>>)
    %dma_wait3A_380 = arith.constant 1536 : i32
    %dma_wait3A_381 = arith.constant 0 : i32
    %dma_wait3A_382 = tpu.memref_slice %arg6[%dma_wait3A_380, %dma_wait3A_381] : memref<2560x16xf32, #tpu.memory_space<vmem>> -> memref<128x16xf32, #tpu.memory_space<vmem>>
    %dma_wait3A_383 = arith.constant 0 : i32
    %dma_wait3A_384 = tpu.memref_slice %arg5[%add3A_65, %dma_wait3A_383] : memref<40x128xi32, #tpu.memory_space<vmem>> -> memref<1x128xi32, #tpu.memory_space<vmem>>
    %dma_wait3A_385 = tpu.memref_squeeze %dma_wait3A_384 : memref<1x128xi32, #tpu.memory_space<vmem>> -> memref<128xi32, #tpu.memory_space<vmem>>
    %dma_wait3A_386 = arith.constant 0 : i32
    %dma_wait3A_387 = arith.constant 0 : i32
    %dma_wait3A_388 = tpu.memref_slice %arg2[%dma_wait3A_386, %dma_wait3A_387] : memref<819200x16xf32, #tpu.memory_space<hbm>> -> memref<819200x16xf32, #tpu.memory_space<hbm>>
    tpu.wait_indirect_dma semaphore(%arg8 : memref<!tpu.dma_semaphore, #tpu.memory_space<semaphore_mem>>) src(%dma_wait3A_388 : memref<819200x16xf32, #tpu.memory_space<hbm>>) dst(%dma_wait3A_382 : memref<128x16xf32, #tpu.memory_space<vmem>>)
    %dma_wait3A_389 = arith.constant 1664 : i32
    %dma_wait3A_390 = arith.constant 0 : i32
    %dma_wait3A_391 = tpu.memref_slice %arg6[%dma_wait3A_389, %dma_wait3A_390] : memref<2560x16xf32, #tpu.memory_space<vmem>> -> memref<128x16xf32, #tpu.memory_space<vmem>>
    %dma_wait3A_392 = arith.constant 0 : i32
    %dma_wait3A_393 = tpu.memref_slice %arg5[%add3A_69, %dma_wait3A_392] : memref<40x128xi32, #tpu.memory_space<vmem>> -> memref<1x128xi32, #tpu.memory_space<vmem>>
    %dma_wait3A_394 = tpu.memref_squeeze %dma_wait3A_393 : memref<1x128xi32, #tpu.memory_space<vmem>> -> memref<128xi32, #tpu.memory_space<vmem>>
    %dma_wait3A_395 = arith.constant 0 : i32
    %dma_wait3A_396 = arith.constant 0 : i32
    %dma_wait3A_397 = tpu.memref_slice %arg2[%dma_wait3A_395, %dma_wait3A_396] : memref<819200x16xf32, #tpu.memory_space<hbm>> -> memref<819200x16xf32, #tpu.memory_space<hbm>>
    tpu.wait_indirect_dma semaphore(%arg8 : memref<!tpu.dma_semaphore, #tpu.memory_space<semaphore_mem>>) src(%dma_wait3A_397 : memref<819200x16xf32, #tpu.memory_space<hbm>>) dst(%dma_wait3A_391 : memref<128x16xf32, #tpu.memory_space<vmem>>)
    %dma_wait3A_398 = arith.constant 1792 : i32
    %dma_wait3A_399 = arith.constant 0 : i32
    %dma_wait3A_400 = tpu.memref_slice %arg6[%dma_wait3A_398, %dma_wait3A_399] : memref<2560x16xf32, #tpu.memory_space<vmem>> -> memref<128x16xf32, #tpu.memory_space<vmem>>
    %dma_wait3A_401 = arith.constant 0 : i32
    %dma_wait3A_402 = tpu.memref_slice %arg5[%add3A_73, %dma_wait3A_401] : memref<40x128xi32, #tpu.memory_space<vmem>> -> memref<1x128xi32, #tpu.memory_space<vmem>>
    %dma_wait3A_403 = tpu.memref_squeeze %dma_wait3A_402 : memref<1x128xi32, #tpu.memory_space<vmem>> -> memref<128xi32, #tpu.memory_space<vmem>>
    %dma_wait3A_404 = arith.constant 0 : i32
    %dma_wait3A_405 = arith.constant 0 : i32
    %dma_wait3A_406 = tpu.memref_slice %arg2[%dma_wait3A_404, %dma_wait3A_405] : memref<819200x16xf32, #tpu.memory_space<hbm>> -> memref<819200x16xf32, #tpu.memory_space<hbm>>
    tpu.wait_indirect_dma semaphore(%arg8 : memref<!tpu.dma_semaphore, #tpu.memory_space<semaphore_mem>>) src(%dma_wait3A_406 : memref<819200x16xf32, #tpu.memory_space<hbm>>) dst(%dma_wait3A_400 : memref<128x16xf32, #tpu.memory_space<vmem>>)
    %dma_wait3A_407 = arith.constant 1920 : i32
    %dma_wait3A_408 = arith.constant 0 : i32
    %dma_wait3A_409 = tpu.memref_slice %arg6[%dma_wait3A_407, %dma_wait3A_408] : memref<2560x16xf32, #tpu.memory_space<vmem>> -> memref<128x16xf32, #tpu.memory_space<vmem>>
    %dma_wait3A_410 = arith.constant 0 : i32
    %dma_wait3A_411 = tpu.memref_slice %arg5[%add3A_77, %dma_wait3A_410] : memref<40x128xi32, #tpu.memory_space<vmem>> -> memref<1x128xi32, #tpu.memory_space<vmem>>
    %dma_wait3A_412 = tpu.memref_squeeze %dma_wait3A_411 : memref<1x128xi32, #tpu.memory_space<vmem>> -> memref<128xi32, #tpu.memory_space<vmem>>
    %dma_wait3A_413 = arith.constant 0 : i32
    %dma_wait3A_414 = arith.constant 0 : i32
    %dma_wait3A_415 = tpu.memref_slice %arg2[%dma_wait3A_413, %dma_wait3A_414] : memref<819200x16xf32, #tpu.memory_space<hbm>> -> memref<819200x16xf32, #tpu.memory_space<hbm>>
    tpu.wait_indirect_dma semaphore(%arg8 : memref<!tpu.dma_semaphore, #tpu.memory_space<semaphore_mem>>) src(%dma_wait3A_415 : memref<819200x16xf32, #tpu.memory_space<hbm>>) dst(%dma_wait3A_409 : memref<128x16xf32, #tpu.memory_space<vmem>>)
    %dma_wait3A_416 = arith.constant 2048 : i32
    %dma_wait3A_417 = arith.constant 0 : i32
    %dma_wait3A_418 = tpu.memref_slice %arg6[%dma_wait3A_416, %dma_wait3A_417] : memref<2560x16xf32, #tpu.memory_space<vmem>> -> memref<128x16xf32, #tpu.memory_space<vmem>>
    %dma_wait3A_419 = arith.constant 0 : i32
    %dma_wait3A_420 = tpu.memref_slice %arg5[%add3A_81, %dma_wait3A_419] : memref<40x128xi32, #tpu.memory_space<vmem>> -> memref<1x128xi32, #tpu.memory_space<vmem>>
    %dma_wait3A_421 = tpu.memref_squeeze %dma_wait3A_420 : memref<1x128xi32, #tpu.memory_space<vmem>> -> memref<128xi32, #tpu.memory_space<vmem>>
    %dma_wait3A_422 = arith.constant 0 : i32
    %dma_wait3A_423 = arith.constant 0 : i32
    %dma_wait3A_424 = tpu.memref_slice %arg2[%dma_wait3A_422, %dma_wait3A_423] : memref<819200x16xf32, #tpu.memory_space<hbm>> -> memref<819200x16xf32, #tpu.memory_space<hbm>>
    tpu.wait_indirect_dma semaphore(%arg8 : memref<!tpu.dma_semaphore, #tpu.memory_space<semaphore_mem>>) src(%dma_wait3A_424 : memref<819200x16xf32, #tpu.memory_space<hbm>>) dst(%dma_wait3A_418 : memref<128x16xf32, #tpu.memory_space<vmem>>)
    %dma_wait3A_425 = arith.constant 2176 : i32
    %dma_wait3A_426 = arith.constant 0 : i32
    %dma_wait3A_427 = tpu.memref_slice %arg6[%dma_wait3A_425, %dma_wait3A_426] : memref<2560x16xf32, #tpu.memory_space<vmem>> -> memref<128x16xf32, #tpu.memory_space<vmem>>
    %dma_wait3A_428 = arith.constant 0 : i32
    %dma_wait3A_429 = tpu.memref_slice %arg5[%add3A_85, %dma_wait3A_428] : memref<40x128xi32, #tpu.memory_space<vmem>> -> memref<1x128xi32, #tpu.memory_space<vmem>>
    %dma_wait3A_430 = tpu.memref_squeeze %dma_wait3A_429 : memref<1x128xi32, #tpu.memory_space<vmem>> -> memref<128xi32, #tpu.memory_space<vmem>>
    %dma_wait3A_431 = arith.constant 0 : i32
    %dma_wait3A_432 = arith.constant 0 : i32
    %dma_wait3A_433 = tpu.memref_slice %arg2[%dma_wait3A_431, %dma_wait3A_432] : memref<819200x16xf32, #tpu.memory_space<hbm>> -> memref<819200x16xf32, #tpu.memory_space<hbm>>
    tpu.wait_indirect_dma semaphore(%arg8 : memref<!tpu.dma_semaphore, #tpu.memory_space<semaphore_mem>>) src(%dma_wait3A_433 : memref<819200x16xf32, #tpu.memory_space<hbm>>) dst(%dma_wait3A_427 : memref<128x16xf32, #tpu.memory_space<vmem>>)
    %dma_wait3A_434 = arith.constant 2304 : i32
    %dma_wait3A_435 = arith.constant 0 : i32
    %dma_wait3A_436 = tpu.memref_slice %arg6[%dma_wait3A_434, %dma_wait3A_435] : memref<2560x16xf32, #tpu.memory_space<vmem>> -> memref<128x16xf32, #tpu.memory_space<vmem>>
    %dma_wait3A_437 = arith.constant 0 : i32
    %dma_wait3A_438 = tpu.memref_slice %arg5[%add3A_89, %dma_wait3A_437] : memref<40x128xi32, #tpu.memory_space<vmem>> -> memref<1x128xi32, #tpu.memory_space<vmem>>
    %dma_wait3A_439 = tpu.memref_squeeze %dma_wait3A_438 : memref<1x128xi32, #tpu.memory_space<vmem>> -> memref<128xi32, #tpu.memory_space<vmem>>
    %dma_wait3A_440 = arith.constant 0 : i32
    %dma_wait3A_441 = arith.constant 0 : i32
    %dma_wait3A_442 = tpu.memref_slice %arg2[%dma_wait3A_440, %dma_wait3A_441] : memref<819200x16xf32, #tpu.memory_space<hbm>> -> memref<819200x16xf32, #tpu.memory_space<hbm>>
    tpu.wait_indirect_dma semaphore(%arg8 : memref<!tpu.dma_semaphore, #tpu.memory_space<semaphore_mem>>) src(%dma_wait3A_442 : memref<819200x16xf32, #tpu.memory_space<hbm>>) dst(%dma_wait3A_436 : memref<128x16xf32, #tpu.memory_space<vmem>>)
    %dma_wait3A_443 = arith.constant 2432 : i32
    %dma_wait3A_444 = arith.constant 0 : i32
    %dma_wait3A_445 = tpu.memref_slice %arg6[%dma_wait3A_443, %dma_wait3A_444] : memref<2560x16xf32, #tpu.memory_space<vmem>> -> memref<128x16xf32, #tpu.memory_space<vmem>>
    %dma_wait3A_446 = arith.constant 0 : i32
    %dma_wait3A_447 = tpu.memref_slice %arg5[%add3A_93, %dma_wait3A_446] : memref<40x128xi32, #tpu.memory_space<vmem>> -> memref<1x128xi32, #tpu.memory_space<vmem>>
    %dma_wait3A_448 = tpu.memref_squeeze %dma_wait3A_447 : memref<1x128xi32, #tpu.memory_space<vmem>> -> memref<128xi32, #tpu.memory_space<vmem>>
    %dma_wait3A_449 = arith.constant 0 : i32
    %dma_wait3A_450 = arith.constant 0 : i32
    %dma_wait3A_451 = tpu.memref_slice %arg2[%dma_wait3A_449, %dma_wait3A_450] : memref<819200x16xf32, #tpu.memory_space<hbm>> -> memref<819200x16xf32, #tpu.memory_space<hbm>>
    tpu.wait_indirect_dma semaphore(%arg8 : memref<!tpu.dma_semaphore, #tpu.memory_space<semaphore_mem>>) src(%dma_wait3A_451 : memref<819200x16xf32, #tpu.memory_space<hbm>>) dst(%dma_wait3A_445 : memref<128x16xf32, #tpu.memory_space<vmem>>)
    %dma_start3A_452 = arith.constant 0 : i32
    %dma_start3A_453 = tpu.memref_slice %arg4[%add3A_11, %dma_start3A_452] : memref<163840x16xf32, #tpu.memory_space<hbm>> -> memref<2560x16xf32, #tpu.memory_space<hbm>>
    %dma_start3A_454 = arith.constant 0 : i32
    %dma_start3A_455 = tpu.memref_slice %arg4[%add3A_11, %dma_start3A_454] : memref<163840x16xf32, #tpu.memory_space<hbm>> -> memref<2560x16xf32, #tpu.memory_space<hbm>>
    tpu.enqueue_dma source(%arg6 : memref<2560x16xf32, #tpu.memory_space<vmem>>) target(%dma_start3A_455 : memref<2560x16xf32, #tpu.memory_space<hbm>>) target_semaphore(%arg10 : memref<!tpu.dma_semaphore, #tpu.memory_space<semaphore_mem>>)
    %add3A_456 = arith.constant 1 : i32
    %add3A_457 = arith.addi %add3A_4, %add3A_456 : i32
    %mul3A_458 = arith.constant 5120 : i32
    %mul3A_459 = arith.muli %add3A, %mul3A_458 : i32
    %mul3A_460 = arith.constant 2560 : i32
    %mul3A_461 = arith.muli %add3A_457, %mul3A_460 : i32
    %add3A_462 = arith.addi %mul3A_459, %mul3A_461 : i32
    %gt3A_463 = arith.constant 0 : i32
    %gt3A_464 = arith.cmpi sgt, %add3A_4, %gt3A_463 : i32
    %convert_element_type3A_465 = arith.extui %gt3A_464 : i1 to i32
    %cond3A_466 = arith.constant 0 : i32
    %cond3A_467 = arith.cmpi ne, %convert_element_type3A_465, %cond3A_466 : i32
    scf.if %cond3A_467 {
      %dma_wait3A_925 = arith.constant 0 : i32
      %dma_wait3A_926 = arith.constant 0 : i32
      %dma_wait3A_927 = tpu.memref_slice %arg4[%dma_wait3A_925, %dma_wait3A_926] : memref<163840x16xf32, #tpu.memory_space<hbm>> -> memref<2560x16xf32, #tpu.memory_space<hbm>>
      %dma_wait3A_928 = arith.constant 0 : i32
      %dma_wait3A_929 = arith.constant 0 : i32
      %dma_wait3A_930 = tpu.memref_slice %arg4[%dma_wait3A_928, %dma_wait3A_929] : memref<163840x16xf32, #tpu.memory_space<hbm>> -> memref<2560x16xf32, #tpu.memory_space<hbm>>
      tpu.wait_dma2 semaphore(%arg11 : memref<!tpu.dma_semaphore, #tpu.memory_space<semaphore_mem>>) src(%arg7 : memref<2560x16xf32, #tpu.memory_space<vmem>>) dst(%dma_wait3A_930 : memref<2560x16xf32, #tpu.memory_space<hbm>>)
    } else {
    }
    %mul3A_468 = arith.constant 20 : i32
    %mul3A_469 = arith.muli %add3A_457, %mul3A_468 : i32
    %add3A_470 = arith.constant 0 : i32
    %add3A_471 = arith.addi %mul3A_469, %add3A_470 : i32
    %mul3A_472 = arith.constant 20 : i32
    %mul3A_473 = arith.muli %add3A_457, %mul3A_472 : i32
    %add3A_474 = arith.constant 1 : i32
    %add3A_475 = arith.addi %mul3A_473, %add3A_474 : i32
    %mul3A_476 = arith.constant 20 : i32
    %mul3A_477 = arith.muli %add3A_457, %mul3A_476 : i32
    %add3A_478 = arith.constant 2 : i32
    %add3A_479 = arith.addi %mul3A_477, %add3A_478 : i32
    %mul3A_480 = arith.constant 20 : i32
    %mul3A_481 = arith.muli %add3A_457, %mul3A_480 : i32
    %add3A_482 = arith.constant 3 : i32
    %add3A_483 = arith.addi %mul3A_481, %add3A_482 : i32
    %mul3A_484 = arith.constant 20 : i32
    %mul3A_485 = arith.muli %add3A_457, %mul3A_484 : i32
    %add3A_486 = arith.constant 4 : i32
    %add3A_487 = arith.addi %mul3A_485, %add3A_486 : i32
    %mul3A_488 = arith.constant 20 : i32
    %mul3A_489 = arith.muli %add3A_457, %mul3A_488 : i32
    %add3A_490 = arith.constant 5 : i32
    %add3A_491 = arith.addi %mul3A_489, %add3A_490 : i32
    %mul3A_492 = arith.constant 20 : i32
    %mul3A_493 = arith.muli %add3A_457, %mul3A_492 : i32
    %add3A_494 = arith.constant 6 : i32
    %add3A_495 = arith.addi %mul3A_493, %add3A_494 : i32
    %mul3A_496 = arith.constant 20 : i32
    %mul3A_497 = arith.muli %add3A_457, %mul3A_496 : i32
    %add3A_498 = arith.constant 7 : i32
    %add3A_499 = arith.addi %mul3A_497, %add3A_498 : i32
    %mul3A_500 = arith.constant 20 : i32
    %mul3A_501 = arith.muli %add3A_457, %mul3A_500 : i32
    %add3A_502 = arith.constant 8 : i32
    %add3A_503 = arith.addi %mul3A_501, %add3A_502 : i32
    %mul3A_504 = arith.constant 20 : i32
    %mul3A_505 = arith.muli %add3A_457, %mul3A_504 : i32
    %add3A_506 = arith.constant 9 : i32
    %add3A_507 = arith.addi %mul3A_505, %add3A_506 : i32
    %mul3A_508 = arith.constant 20 : i32
    %mul3A_509 = arith.muli %add3A_457, %mul3A_508 : i32
    %add3A_510 = arith.constant 10 : i32
    %add3A_511 = arith.addi %mul3A_509, %add3A_510 : i32
    %mul3A_512 = arith.constant 20 : i32
    %mul3A_513 = arith.muli %add3A_457, %mul3A_512 : i32
    %add3A_514 = arith.constant 11 : i32
    %add3A_515 = arith.addi %mul3A_513, %add3A_514 : i32
    %mul3A_516 = arith.constant 20 : i32
    %mul3A_517 = arith.muli %add3A_457, %mul3A_516 : i32
    %add3A_518 = arith.constant 12 : i32
    %add3A_519 = arith.addi %mul3A_517, %add3A_518 : i32
    %mul3A_520 = arith.constant 20 : i32
    %mul3A_521 = arith.muli %add3A_457, %mul3A_520 : i32
    %add3A_522 = arith.constant 13 : i32
    %add3A_523 = arith.addi %mul3A_521, %add3A_522 : i32
    %mul3A_524 = arith.constant 20 : i32
    %mul3A_525 = arith.muli %add3A_457, %mul3A_524 : i32
    %add3A_526 = arith.constant 14 : i32
    %add3A_527 = arith.addi %mul3A_525, %add3A_526 : i32
    %mul3A_528 = arith.constant 20 : i32
    %mul3A_529 = arith.muli %add3A_457, %mul3A_528 : i32
    %add3A_530 = arith.constant 15 : i32
    %add3A_531 = arith.addi %mul3A_529, %add3A_530 : i32
    %mul3A_532 = arith.constant 20 : i32
    %mul3A_533 = arith.muli %add3A_457, %mul3A_532 : i32
    %add3A_534 = arith.constant 16 : i32
    %add3A_535 = arith.addi %mul3A_533, %add3A_534 : i32
    %mul3A_536 = arith.constant 20 : i32
    %mul3A_537 = arith.muli %add3A_457, %mul3A_536 : i32
    %add3A_538 = arith.constant 17 : i32
    %add3A_539 = arith.addi %mul3A_537, %add3A_538 : i32
    %mul3A_540 = arith.constant 20 : i32
    %mul3A_541 = arith.muli %add3A_457, %mul3A_540 : i32
    %add3A_542 = arith.constant 18 : i32
    %add3A_543 = arith.addi %mul3A_541, %add3A_542 : i32
    %mul3A_544 = arith.constant 20 : i32
    %mul3A_545 = arith.muli %add3A_457, %mul3A_544 : i32
    %add3A_546 = arith.constant 19 : i32
    %add3A_547 = arith.addi %mul3A_545, %add3A_546 : i32
    %dma_start3A_548 = arith.constant 0 : i32
    %dma_start3A_549 = arith.constant 0 : i32
    %dma_start3A_550 = tpu.memref_slice %arg7[%dma_start3A_548, %dma_start3A_549] : memref<2560x16xf32, #tpu.memory_space<vmem>> -> memref<128x16xf32, #tpu.memory_space<vmem>>
    %dma_start3A_551 = arith.constant 0 : i32
    %dma_start3A_552 = tpu.memref_slice %arg5[%add3A_471, %dma_start3A_551] : memref<40x128xi32, #tpu.memory_space<vmem>> -> memref<1x128xi32, #tpu.memory_space<vmem>>
    %dma_start3A_553 = tpu.memref_squeeze %dma_start3A_552 : memref<1x128xi32, #tpu.memory_space<vmem>> -> memref<128xi32, #tpu.memory_space<vmem>>
    %dma_start3A_554 = arith.constant 0 : i32
    %dma_start3A_555 = arith.constant 0 : i32
    %dma_start3A_556 = tpu.memref_slice %arg2[%dma_start3A_554, %dma_start3A_555] : memref<819200x16xf32, #tpu.memory_space<hbm>> -> memref<819200x16xf32, #tpu.memory_space<hbm>>
    tpu.enqueue_indirect_dma source(%dma_start3A_556 : memref<819200x16xf32, #tpu.memory_space<hbm>>) target(%dma_start3A_550 : memref<128x16xf32, #tpu.memory_space<vmem>>) offsets(%dma_start3A_553 : memref<128xi32, #tpu.memory_space<vmem>>) semaphore(%arg9 : memref<!tpu.dma_semaphore, #tpu.memory_space<semaphore_mem>>)
    %dma_start3A_557 = arith.constant 128 : i32
    %dma_start3A_558 = arith.constant 0 : i32
    %dma_start3A_559 = tpu.memref_slice %arg7[%dma_start3A_557, %dma_start3A_558] : memref<2560x16xf32, #tpu.memory_space<vmem>> -> memref<128x16xf32, #tpu.memory_space<vmem>>
    %dma_start3A_560 = arith.constant 0 : i32
    %dma_start3A_561 = tpu.memref_slice %arg5[%add3A_475, %dma_start3A_560] : memref<40x128xi32, #tpu.memory_space<vmem>> -> memref<1x128xi32, #tpu.memory_space<vmem>>
    %dma_start3A_562 = tpu.memref_squeeze %dma_start3A_561 : memref<1x128xi32, #tpu.memory_space<vmem>> -> memref<128xi32, #tpu.memory_space<vmem>>
    %dma_start3A_563 = arith.constant 0 : i32
    %dma_start3A_564 = arith.constant 0 : i32
    %dma_start3A_565 = tpu.memref_slice %arg2[%dma_start3A_563, %dma_start3A_564] : memref<819200x16xf32, #tpu.memory_space<hbm>> -> memref<819200x16xf32, #tpu.memory_space<hbm>>
    tpu.enqueue_indirect_dma source(%dma_start3A_565 : memref<819200x16xf32, #tpu.memory_space<hbm>>) target(%dma_start3A_559 : memref<128x16xf32, #tpu.memory_space<vmem>>) offsets(%dma_start3A_562 : memref<128xi32, #tpu.memory_space<vmem>>) semaphore(%arg9 : memref<!tpu.dma_semaphore, #tpu.memory_space<semaphore_mem>>)
    %dma_start3A_566 = arith.constant 256 : i32
    %dma_start3A_567 = arith.constant 0 : i32
    %dma_start3A_568 = tpu.memref_slice %arg7[%dma_start3A_566, %dma_start3A_567] : memref<2560x16xf32, #tpu.memory_space<vmem>> -> memref<128x16xf32, #tpu.memory_space<vmem>>
    %dma_start3A_569 = arith.constant 0 : i32
    %dma_start3A_570 = tpu.memref_slice %arg5[%add3A_479, %dma_start3A_569] : memref<40x128xi32, #tpu.memory_space<vmem>> -> memref<1x128xi32, #tpu.memory_space<vmem>>
    %dma_start3A_571 = tpu.memref_squeeze %dma_start3A_570 : memref<1x128xi32, #tpu.memory_space<vmem>> -> memref<128xi32, #tpu.memory_space<vmem>>
    %dma_start3A_572 = arith.constant 0 : i32
    %dma_start3A_573 = arith.constant 0 : i32
    %dma_start3A_574 = tpu.memref_slice %arg2[%dma_start3A_572, %dma_start3A_573] : memref<819200x16xf32, #tpu.memory_space<hbm>> -> memref<819200x16xf32, #tpu.memory_space<hbm>>
    tpu.enqueue_indirect_dma source(%dma_start3A_574 : memref<819200x16xf32, #tpu.memory_space<hbm>>) target(%dma_start3A_568 : memref<128x16xf32, #tpu.memory_space<vmem>>) offsets(%dma_start3A_571 : memref<128xi32, #tpu.memory_space<vmem>>) semaphore(%arg9 : memref<!tpu.dma_semaphore, #tpu.memory_space<semaphore_mem>>)
    %dma_start3A_575 = arith.constant 384 : i32
    %dma_start3A_576 = arith.constant 0 : i32
    %dma_start3A_577 = tpu.memref_slice %arg7[%dma_start3A_575, %dma_start3A_576] : memref<2560x16xf32, #tpu.memory_space<vmem>> -> memref<128x16xf32, #tpu.memory_space<vmem>>
    %dma_start3A_578 = arith.constant 0 : i32
    %dma_start3A_579 = tpu.memref_slice %arg5[%add3A_483, %dma_start3A_578] : memref<40x128xi32, #tpu.memory_space<vmem>> -> memref<1x128xi32, #tpu.memory_space<vmem>>
    %dma_start3A_580 = tpu.memref_squeeze %dma_start3A_579 : memref<1x128xi32, #tpu.memory_space<vmem>> -> memref<128xi32, #tpu.memory_space<vmem>>
    %dma_start3A_581 = arith.constant 0 : i32
    %dma_start3A_582 = arith.constant 0 : i32
    %dma_start3A_583 = tpu.memref_slice %arg2[%dma_start3A_581, %dma_start3A_582] : memref<819200x16xf32, #tpu.memory_space<hbm>> -> memref<819200x16xf32, #tpu.memory_space<hbm>>
    tpu.enqueue_indirect_dma source(%dma_start3A_583 : memref<819200x16xf32, #tpu.memory_space<hbm>>) target(%dma_start3A_577 : memref<128x16xf32, #tpu.memory_space<vmem>>) offsets(%dma_start3A_580 : memref<128xi32, #tpu.memory_space<vmem>>) semaphore(%arg9 : memref<!tpu.dma_semaphore, #tpu.memory_space<semaphore_mem>>)
    %dma_start3A_584 = arith.constant 512 : i32
    %dma_start3A_585 = arith.constant 0 : i32
    %dma_start3A_586 = tpu.memref_slice %arg7[%dma_start3A_584, %dma_start3A_585] : memref<2560x16xf32, #tpu.memory_space<vmem>> -> memref<128x16xf32, #tpu.memory_space<vmem>>
    %dma_start3A_587 = arith.constant 0 : i32
    %dma_start3A_588 = tpu.memref_slice %arg5[%add3A_487, %dma_start3A_587] : memref<40x128xi32, #tpu.memory_space<vmem>> -> memref<1x128xi32, #tpu.memory_space<vmem>>
    %dma_start3A_589 = tpu.memref_squeeze %dma_start3A_588 : memref<1x128xi32, #tpu.memory_space<vmem>> -> memref<128xi32, #tpu.memory_space<vmem>>
    %dma_start3A_590 = arith.constant 0 : i32
    %dma_start3A_591 = arith.constant 0 : i32
    %dma_start3A_592 = tpu.memref_slice %arg2[%dma_start3A_590, %dma_start3A_591] : memref<819200x16xf32, #tpu.memory_space<hbm>> -> memref<819200x16xf32, #tpu.memory_space<hbm>>
    tpu.enqueue_indirect_dma source(%dma_start3A_592 : memref<819200x16xf32, #tpu.memory_space<hbm>>) target(%dma_start3A_586 : memref<128x16xf32, #tpu.memory_space<vmem>>) offsets(%dma_start3A_589 : memref<128xi32, #tpu.memory_space<vmem>>) semaphore(%arg9 : memref<!tpu.dma_semaphore, #tpu.memory_space<semaphore_mem>>)
    %dma_start3A_593 = arith.constant 640 : i32
    %dma_start3A_594 = arith.constant 0 : i32
    %dma_start3A_595 = tpu.memref_slice %arg7[%dma_start3A_593, %dma_start3A_594] : memref<2560x16xf32, #tpu.memory_space<vmem>> -> memref<128x16xf32, #tpu.memory_space<vmem>>
    %dma_start3A_596 = arith.constant 0 : i32
    %dma_start3A_597 = tpu.memref_slice %arg5[%add3A_491, %dma_start3A_596] : memref<40x128xi32, #tpu.memory_space<vmem>> -> memref<1x128xi32, #tpu.memory_space<vmem>>
    %dma_start3A_598 = tpu.memref_squeeze %dma_start3A_597 : memref<1x128xi32, #tpu.memory_space<vmem>> -> memref<128xi32, #tpu.memory_space<vmem>>
    %dma_start3A_599 = arith.constant 0 : i32
    %dma_start3A_600 = arith.constant 0 : i32
    %dma_start3A_601 = tpu.memref_slice %arg2[%dma_start3A_599, %dma_start3A_600] : memref<819200x16xf32, #tpu.memory_space<hbm>> -> memref<819200x16xf32, #tpu.memory_space<hbm>>
    tpu.enqueue_indirect_dma source(%dma_start3A_601 : memref<819200x16xf32, #tpu.memory_space<hbm>>) target(%dma_start3A_595 : memref<128x16xf32, #tpu.memory_space<vmem>>) offsets(%dma_start3A_598 : memref<128xi32, #tpu.memory_space<vmem>>) semaphore(%arg9 : memref<!tpu.dma_semaphore, #tpu.memory_space<semaphore_mem>>)
    %dma_start3A_602 = arith.constant 768 : i32
    %dma_start3A_603 = arith.constant 0 : i32
    %dma_start3A_604 = tpu.memref_slice %arg7[%dma_start3A_602, %dma_start3A_603] : memref<2560x16xf32, #tpu.memory_space<vmem>> -> memref<128x16xf32, #tpu.memory_space<vmem>>
    %dma_start3A_605 = arith.constant 0 : i32
    %dma_start3A_606 = tpu.memref_slice %arg5[%add3A_495, %dma_start3A_605] : memref<40x128xi32, #tpu.memory_space<vmem>> -> memref<1x128xi32, #tpu.memory_space<vmem>>
    %dma_start3A_607 = tpu.memref_squeeze %dma_start3A_606 : memref<1x128xi32, #tpu.memory_space<vmem>> -> memref<128xi32, #tpu.memory_space<vmem>>
    %dma_start3A_608 = arith.constant 0 : i32
    %dma_start3A_609 = arith.constant 0 : i32
    %dma_start3A_610 = tpu.memref_slice %arg2[%dma_start3A_608, %dma_start3A_609] : memref<819200x16xf32, #tpu.memory_space<hbm>> -> memref<819200x16xf32, #tpu.memory_space<hbm>>
    tpu.enqueue_indirect_dma source(%dma_start3A_610 : memref<819200x16xf32, #tpu.memory_space<hbm>>) target(%dma_start3A_604 : memref<128x16xf32, #tpu.memory_space<vmem>>) offsets(%dma_start3A_607 : memref<128xi32, #tpu.memory_space<vmem>>) semaphore(%arg9 : memref<!tpu.dma_semaphore, #tpu.memory_space<semaphore_mem>>)
    %dma_start3A_611 = arith.constant 896 : i32
    %dma_start3A_612 = arith.constant 0 : i32
    %dma_start3A_613 = tpu.memref_slice %arg7[%dma_start3A_611, %dma_start3A_612] : memref<2560x16xf32, #tpu.memory_space<vmem>> -> memref<128x16xf32, #tpu.memory_space<vmem>>
    %dma_start3A_614 = arith.constant 0 : i32
    %dma_start3A_615 = tpu.memref_slice %arg5[%add3A_499, %dma_start3A_614] : memref<40x128xi32, #tpu.memory_space<vmem>> -> memref<1x128xi32, #tpu.memory_space<vmem>>
    %dma_start3A_616 = tpu.memref_squeeze %dma_start3A_615 : memref<1x128xi32, #tpu.memory_space<vmem>> -> memref<128xi32, #tpu.memory_space<vmem>>
    %dma_start3A_617 = arith.constant 0 : i32
    %dma_start3A_618 = arith.constant 0 : i32
    %dma_start3A_619 = tpu.memref_slice %arg2[%dma_start3A_617, %dma_start3A_618] : memref<819200x16xf32, #tpu.memory_space<hbm>> -> memref<819200x16xf32, #tpu.memory_space<hbm>>
    tpu.enqueue_indirect_dma source(%dma_start3A_619 : memref<819200x16xf32, #tpu.memory_space<hbm>>) target(%dma_start3A_613 : memref<128x16xf32, #tpu.memory_space<vmem>>) offsets(%dma_start3A_616 : memref<128xi32, #tpu.memory_space<vmem>>) semaphore(%arg9 : memref<!tpu.dma_semaphore, #tpu.memory_space<semaphore_mem>>)
    %dma_start3A_620 = arith.constant 1024 : i32
    %dma_start3A_621 = arith.constant 0 : i32
    %dma_start3A_622 = tpu.memref_slice %arg7[%dma_start3A_620, %dma_start3A_621] : memref<2560x16xf32, #tpu.memory_space<vmem>> -> memref<128x16xf32, #tpu.memory_space<vmem>>
    %dma_start3A_623 = arith.constant 0 : i32
    %dma_start3A_624 = tpu.memref_slice %arg5[%add3A_503, %dma_start3A_623] : memref<40x128xi32, #tpu.memory_space<vmem>> -> memref<1x128xi32, #tpu.memory_space<vmem>>
    %dma_start3A_625 = tpu.memref_squeeze %dma_start3A_624 : memref<1x128xi32, #tpu.memory_space<vmem>> -> memref<128xi32, #tpu.memory_space<vmem>>
    %dma_start3A_626 = arith.constant 0 : i32
    %dma_start3A_627 = arith.constant 0 : i32
    %dma_start3A_628 = tpu.memref_slice %arg2[%dma_start3A_626, %dma_start3A_627] : memref<819200x16xf32, #tpu.memory_space<hbm>> -> memref<819200x16xf32, #tpu.memory_space<hbm>>
    tpu.enqueue_indirect_dma source(%dma_start3A_628 : memref<819200x16xf32, #tpu.memory_space<hbm>>) target(%dma_start3A_622 : memref<128x16xf32, #tpu.memory_space<vmem>>) offsets(%dma_start3A_625 : memref<128xi32, #tpu.memory_space<vmem>>) semaphore(%arg9 : memref<!tpu.dma_semaphore, #tpu.memory_space<semaphore_mem>>)
    %dma_start3A_629 = arith.constant 1152 : i32
    %dma_start3A_630 = arith.constant 0 : i32
    %dma_start3A_631 = tpu.memref_slice %arg7[%dma_start3A_629, %dma_start3A_630] : memref<2560x16xf32, #tpu.memory_space<vmem>> -> memref<128x16xf32, #tpu.memory_space<vmem>>
    %dma_start3A_632 = arith.constant 0 : i32
    %dma_start3A_633 = tpu.memref_slice %arg5[%add3A_507, %dma_start3A_632] : memref<40x128xi32, #tpu.memory_space<vmem>> -> memref<1x128xi32, #tpu.memory_space<vmem>>
    %dma_start3A_634 = tpu.memref_squeeze %dma_start3A_633 : memref<1x128xi32, #tpu.memory_space<vmem>> -> memref<128xi32, #tpu.memory_space<vmem>>
    %dma_start3A_635 = arith.constant 0 : i32
    %dma_start3A_636 = arith.constant 0 : i32
    %dma_start3A_637 = tpu.memref_slice %arg2[%dma_start3A_635, %dma_start3A_636] : memref<819200x16xf32, #tpu.memory_space<hbm>> -> memref<819200x16xf32, #tpu.memory_space<hbm>>
    tpu.enqueue_indirect_dma source(%dma_start3A_637 : memref<819200x16xf32, #tpu.memory_space<hbm>>) target(%dma_start3A_631 : memref<128x16xf32, #tpu.memory_space<vmem>>) offsets(%dma_start3A_634 : memref<128xi32, #tpu.memory_space<vmem>>) semaphore(%arg9 : memref<!tpu.dma_semaphore, #tpu.memory_space<semaphore_mem>>)
    %dma_start3A_638 = arith.constant 1280 : i32
    %dma_start3A_639 = arith.constant 0 : i32
    %dma_start3A_640 = tpu.memref_slice %arg7[%dma_start3A_638, %dma_start3A_639] : memref<2560x16xf32, #tpu.memory_space<vmem>> -> memref<128x16xf32, #tpu.memory_space<vmem>>
    %dma_start3A_641 = arith.constant 0 : i32
    %dma_start3A_642 = tpu.memref_slice %arg5[%add3A_511, %dma_start3A_641] : memref<40x128xi32, #tpu.memory_space<vmem>> -> memref<1x128xi32, #tpu.memory_space<vmem>>
    %dma_start3A_643 = tpu.memref_squeeze %dma_start3A_642 : memref<1x128xi32, #tpu.memory_space<vmem>> -> memref<128xi32, #tpu.memory_space<vmem>>
    %dma_start3A_644 = arith.constant 0 : i32
    %dma_start3A_645 = arith.constant 0 : i32
    %dma_start3A_646 = tpu.memref_slice %arg2[%dma_start3A_644, %dma_start3A_645] : memref<819200x16xf32, #tpu.memory_space<hbm>> -> memref<819200x16xf32, #tpu.memory_space<hbm>>
    tpu.enqueue_indirect_dma source(%dma_start3A_646 : memref<819200x16xf32, #tpu.memory_space<hbm>>) target(%dma_start3A_640 : memref<128x16xf32, #tpu.memory_space<vmem>>) offsets(%dma_start3A_643 : memref<128xi32, #tpu.memory_space<vmem>>) semaphore(%arg9 : memref<!tpu.dma_semaphore, #tpu.memory_space<semaphore_mem>>)
    %dma_start3A_647 = arith.constant 1408 : i32
    %dma_start3A_648 = arith.constant 0 : i32
    %dma_start3A_649 = tpu.memref_slice %arg7[%dma_start3A_647, %dma_start3A_648] : memref<2560x16xf32, #tpu.memory_space<vmem>> -> memref<128x16xf32, #tpu.memory_space<vmem>>
    %dma_start3A_650 = arith.constant 0 : i32
    %dma_start3A_651 = tpu.memref_slice %arg5[%add3A_515, %dma_start3A_650] : memref<40x128xi32, #tpu.memory_space<vmem>> -> memref<1x128xi32, #tpu.memory_space<vmem>>
    %dma_start3A_652 = tpu.memref_squeeze %dma_start3A_651 : memref<1x128xi32, #tpu.memory_space<vmem>> -> memref<128xi32, #tpu.memory_space<vmem>>
    %dma_start3A_653 = arith.constant 0 : i32
    %dma_start3A_654 = arith.constant 0 : i32
    %dma_start3A_655 = tpu.memref_slice %arg2[%dma_start3A_653, %dma_start3A_654] : memref<819200x16xf32, #tpu.memory_space<hbm>> -> memref<819200x16xf32, #tpu.memory_space<hbm>>
    tpu.enqueue_indirect_dma source(%dma_start3A_655 : memref<819200x16xf32, #tpu.memory_space<hbm>>) target(%dma_start3A_649 : memref<128x16xf32, #tpu.memory_space<vmem>>) offsets(%dma_start3A_652 : memref<128xi32, #tpu.memory_space<vmem>>) semaphore(%arg9 : memref<!tpu.dma_semaphore, #tpu.memory_space<semaphore_mem>>)
    %dma_start3A_656 = arith.constant 1536 : i32
    %dma_start3A_657 = arith.constant 0 : i32
    %dma_start3A_658 = tpu.memref_slice %arg7[%dma_start3A_656, %dma_start3A_657] : memref<2560x16xf32, #tpu.memory_space<vmem>> -> memref<128x16xf32, #tpu.memory_space<vmem>>
    %dma_start3A_659 = arith.constant 0 : i32
    %dma_start3A_660 = tpu.memref_slice %arg5[%add3A_519, %dma_start3A_659] : memref<40x128xi32, #tpu.memory_space<vmem>> -> memref<1x128xi32, #tpu.memory_space<vmem>>
    %dma_start3A_661 = tpu.memref_squeeze %dma_start3A_660 : memref<1x128xi32, #tpu.memory_space<vmem>> -> memref<128xi32, #tpu.memory_space<vmem>>
    %dma_start3A_662 = arith.constant 0 : i32
    %dma_start3A_663 = arith.constant 0 : i32
    %dma_start3A_664 = tpu.memref_slice %arg2[%dma_start3A_662, %dma_start3A_663] : memref<819200x16xf32, #tpu.memory_space<hbm>> -> memref<819200x16xf32, #tpu.memory_space<hbm>>
    tpu.enqueue_indirect_dma source(%dma_start3A_664 : memref<819200x16xf32, #tpu.memory_space<hbm>>) target(%dma_start3A_658 : memref<128x16xf32, #tpu.memory_space<vmem>>) offsets(%dma_start3A_661 : memref<128xi32, #tpu.memory_space<vmem>>) semaphore(%arg9 : memref<!tpu.dma_semaphore, #tpu.memory_space<semaphore_mem>>)
    %dma_start3A_665 = arith.constant 1664 : i32
    %dma_start3A_666 = arith.constant 0 : i32
    %dma_start3A_667 = tpu.memref_slice %arg7[%dma_start3A_665, %dma_start3A_666] : memref<2560x16xf32, #tpu.memory_space<vmem>> -> memref<128x16xf32, #tpu.memory_space<vmem>>
    %dma_start3A_668 = arith.constant 0 : i32
    %dma_start3A_669 = tpu.memref_slice %arg5[%add3A_523, %dma_start3A_668] : memref<40x128xi32, #tpu.memory_space<vmem>> -> memref<1x128xi32, #tpu.memory_space<vmem>>
    %dma_start3A_670 = tpu.memref_squeeze %dma_start3A_669 : memref<1x128xi32, #tpu.memory_space<vmem>> -> memref<128xi32, #tpu.memory_space<vmem>>
    %dma_start3A_671 = arith.constant 0 : i32
    %dma_start3A_672 = arith.constant 0 : i32
    %dma_start3A_673 = tpu.memref_slice %arg2[%dma_start3A_671, %dma_start3A_672] : memref<819200x16xf32, #tpu.memory_space<hbm>> -> memref<819200x16xf32, #tpu.memory_space<hbm>>
    tpu.enqueue_indirect_dma source(%dma_start3A_673 : memref<819200x16xf32, #tpu.memory_space<hbm>>) target(%dma_start3A_667 : memref<128x16xf32, #tpu.memory_space<vmem>>) offsets(%dma_start3A_670 : memref<128xi32, #tpu.memory_space<vmem>>) semaphore(%arg9 : memref<!tpu.dma_semaphore, #tpu.memory_space<semaphore_mem>>)
    %dma_start3A_674 = arith.constant 1792 : i32
    %dma_start3A_675 = arith.constant 0 : i32
    %dma_start3A_676 = tpu.memref_slice %arg7[%dma_start3A_674, %dma_start3A_675] : memref<2560x16xf32, #tpu.memory_space<vmem>> -> memref<128x16xf32, #tpu.memory_space<vmem>>
    %dma_start3A_677 = arith.constant 0 : i32
    %dma_start3A_678 = tpu.memref_slice %arg5[%add3A_527, %dma_start3A_677] : memref<40x128xi32, #tpu.memory_space<vmem>> -> memref<1x128xi32, #tpu.memory_space<vmem>>
    %dma_start3A_679 = tpu.memref_squeeze %dma_start3A_678 : memref<1x128xi32, #tpu.memory_space<vmem>> -> memref<128xi32, #tpu.memory_space<vmem>>
    %dma_start3A_680 = arith.constant 0 : i32
    %dma_start3A_681 = arith.constant 0 : i32
    %dma_start3A_682 = tpu.memref_slice %arg2[%dma_start3A_680, %dma_start3A_681] : memref<819200x16xf32, #tpu.memory_space<hbm>> -> memref<819200x16xf32, #tpu.memory_space<hbm>>
    tpu.enqueue_indirect_dma source(%dma_start3A_682 : memref<819200x16xf32, #tpu.memory_space<hbm>>) target(%dma_start3A_676 : memref<128x16xf32, #tpu.memory_space<vmem>>) offsets(%dma_start3A_679 : memref<128xi32, #tpu.memory_space<vmem>>) semaphore(%arg9 : memref<!tpu.dma_semaphore, #tpu.memory_space<semaphore_mem>>)
    %dma_start3A_683 = arith.constant 1920 : i32
    %dma_start3A_684 = arith.constant 0 : i32
    %dma_start3A_685 = tpu.memref_slice %arg7[%dma_start3A_683, %dma_start3A_684] : memref<2560x16xf32, #tpu.memory_space<vmem>> -> memref<128x16xf32, #tpu.memory_space<vmem>>
    %dma_start3A_686 = arith.constant 0 : i32
    %dma_start3A_687 = tpu.memref_slice %arg5[%add3A_531, %dma_start3A_686] : memref<40x128xi32, #tpu.memory_space<vmem>> -> memref<1x128xi32, #tpu.memory_space<vmem>>
    %dma_start3A_688 = tpu.memref_squeeze %dma_start3A_687 : memref<1x128xi32, #tpu.memory_space<vmem>> -> memref<128xi32, #tpu.memory_space<vmem>>
    %dma_start3A_689 = arith.constant 0 : i32
    %dma_start3A_690 = arith.constant 0 : i32
    %dma_start3A_691 = tpu.memref_slice %arg2[%dma_start3A_689, %dma_start3A_690] : memref<819200x16xf32, #tpu.memory_space<hbm>> -> memref<819200x16xf32, #tpu.memory_space<hbm>>
    tpu.enqueue_indirect_dma source(%dma_start3A_691 : memref<819200x16xf32, #tpu.memory_space<hbm>>) target(%dma_start3A_685 : memref<128x16xf32, #tpu.memory_space<vmem>>) offsets(%dma_start3A_688 : memref<128xi32, #tpu.memory_space<vmem>>) semaphore(%arg9 : memref<!tpu.dma_semaphore, #tpu.memory_space<semaphore_mem>>)
    %dma_start3A_692 = arith.constant 2048 : i32
    %dma_start3A_693 = arith.constant 0 : i32
    %dma_start3A_694 = tpu.memref_slice %arg7[%dma_start3A_692, %dma_start3A_693] : memref<2560x16xf32, #tpu.memory_space<vmem>> -> memref<128x16xf32, #tpu.memory_space<vmem>>
    %dma_start3A_695 = arith.constant 0 : i32
    %dma_start3A_696 = tpu.memref_slice %arg5[%add3A_535, %dma_start3A_695] : memref<40x128xi32, #tpu.memory_space<vmem>> -> memref<1x128xi32, #tpu.memory_space<vmem>>
    %dma_start3A_697 = tpu.memref_squeeze %dma_start3A_696 : memref<1x128xi32, #tpu.memory_space<vmem>> -> memref<128xi32, #tpu.memory_space<vmem>>
    %dma_start3A_698 = arith.constant 0 : i32
    %dma_start3A_699 = arith.constant 0 : i32
    %dma_start3A_700 = tpu.memref_slice %arg2[%dma_start3A_698, %dma_start3A_699] : memref<819200x16xf32, #tpu.memory_space<hbm>> -> memref<819200x16xf32, #tpu.memory_space<hbm>>
    tpu.enqueue_indirect_dma source(%dma_start3A_700 : memref<819200x16xf32, #tpu.memory_space<hbm>>) target(%dma_start3A_694 : memref<128x16xf32, #tpu.memory_space<vmem>>) offsets(%dma_start3A_697 : memref<128xi32, #tpu.memory_space<vmem>>) semaphore(%arg9 : memref<!tpu.dma_semaphore, #tpu.memory_space<semaphore_mem>>)
    %dma_start3A_701 = arith.constant 2176 : i32
    %dma_start3A_702 = arith.constant 0 : i32
    %dma_start3A_703 = tpu.memref_slice %arg7[%dma_start3A_701, %dma_start3A_702] : memref<2560x16xf32, #tpu.memory_space<vmem>> -> memref<128x16xf32, #tpu.memory_space<vmem>>
    %dma_start3A_704 = arith.constant 0 : i32
    %dma_start3A_705 = tpu.memref_slice %arg5[%add3A_539, %dma_start3A_704] : memref<40x128xi32, #tpu.memory_space<vmem>> -> memref<1x128xi32, #tpu.memory_space<vmem>>
    %dma_start3A_706 = tpu.memref_squeeze %dma_start3A_705 : memref<1x128xi32, #tpu.memory_space<vmem>> -> memref<128xi32, #tpu.memory_space<vmem>>
    %dma_start3A_707 = arith.constant 0 : i32
    %dma_start3A_708 = arith.constant 0 : i32
    %dma_start3A_709 = tpu.memref_slice %arg2[%dma_start3A_707, %dma_start3A_708] : memref<819200x16xf32, #tpu.memory_space<hbm>> -> memref<819200x16xf32, #tpu.memory_space<hbm>>
    tpu.enqueue_indirect_dma source(%dma_start3A_709 : memref<819200x16xf32, #tpu.memory_space<hbm>>) target(%dma_start3A_703 : memref<128x16xf32, #tpu.memory_space<vmem>>) offsets(%dma_start3A_706 : memref<128xi32, #tpu.memory_space<vmem>>) semaphore(%arg9 : memref<!tpu.dma_semaphore, #tpu.memory_space<semaphore_mem>>)
    %dma_start3A_710 = arith.constant 2304 : i32
    %dma_start3A_711 = arith.constant 0 : i32
    %dma_start3A_712 = tpu.memref_slice %arg7[%dma_start3A_710, %dma_start3A_711] : memref<2560x16xf32, #tpu.memory_space<vmem>> -> memref<128x16xf32, #tpu.memory_space<vmem>>
    %dma_start3A_713 = arith.constant 0 : i32
    %dma_start3A_714 = tpu.memref_slice %arg5[%add3A_543, %dma_start3A_713] : memref<40x128xi32, #tpu.memory_space<vmem>> -> memref<1x128xi32, #tpu.memory_space<vmem>>
    %dma_start3A_715 = tpu.memref_squeeze %dma_start3A_714 : memref<1x128xi32, #tpu.memory_space<vmem>> -> memref<128xi32, #tpu.memory_space<vmem>>
    %dma_start3A_716 = arith.constant 0 : i32
    %dma_start3A_717 = arith.constant 0 : i32
    %dma_start3A_718 = tpu.memref_slice %arg2[%dma_start3A_716, %dma_start3A_717] : memref<819200x16xf32, #tpu.memory_space<hbm>> -> memref<819200x16xf32, #tpu.memory_space<hbm>>
    tpu.enqueue_indirect_dma source(%dma_start3A_718 : memref<819200x16xf32, #tpu.memory_space<hbm>>) target(%dma_start3A_712 : memref<128x16xf32, #tpu.memory_space<vmem>>) offsets(%dma_start3A_715 : memref<128xi32, #tpu.memory_space<vmem>>) semaphore(%arg9 : memref<!tpu.dma_semaphore, #tpu.memory_space<semaphore_mem>>)
    %dma_start3A_719 = arith.constant 2432 : i32
    %dma_start3A_720 = arith.constant 0 : i32
    %dma_start3A_721 = tpu.memref_slice %arg7[%dma_start3A_719, %dma_start3A_720] : memref<2560x16xf32, #tpu.memory_space<vmem>> -> memref<128x16xf32, #tpu.memory_space<vmem>>
    %dma_start3A_722 = arith.constant 0 : i32
    %dma_start3A_723 = tpu.memref_slice %arg5[%add3A_547, %dma_start3A_722] : memref<40x128xi32, #tpu.memory_space<vmem>> -> memref<1x128xi32, #tpu.memory_space<vmem>>
    %dma_start3A_724 = tpu.memref_squeeze %dma_start3A_723 : memref<1x128xi32, #tpu.memory_space<vmem>> -> memref<128xi32, #tpu.memory_space<vmem>>
    %dma_start3A_725 = arith.constant 0 : i32
    %dma_start3A_726 = arith.constant 0 : i32
    %dma_start3A_727 = tpu.memref_slice %arg2[%dma_start3A_725, %dma_start3A_726] : memref<819200x16xf32, #tpu.memory_space<hbm>> -> memref<819200x16xf32, #tpu.memory_space<hbm>>
    tpu.enqueue_indirect_dma source(%dma_start3A_727 : memref<819200x16xf32, #tpu.memory_space<hbm>>) target(%dma_start3A_721 : memref<128x16xf32, #tpu.memory_space<vmem>>) offsets(%dma_start3A_724 : memref<128xi32, #tpu.memory_space<vmem>>) semaphore(%arg9 : memref<!tpu.dma_semaphore, #tpu.memory_space<semaphore_mem>>)
    %dma_wait3A_728 = arith.constant 0 : i32
    %dma_wait3A_729 = arith.constant 0 : i32
    %dma_wait3A_730 = tpu.memref_slice %arg7[%dma_wait3A_728, %dma_wait3A_729] : memref<2560x16xf32, #tpu.memory_space<vmem>> -> memref<128x16xf32, #tpu.memory_space<vmem>>
    %dma_wait3A_731 = arith.constant 0 : i32
    %dma_wait3A_732 = tpu.memref_slice %arg5[%add3A_471, %dma_wait3A_731] : memref<40x128xi32, #tpu.memory_space<vmem>> -> memref<1x128xi32, #tpu.memory_space<vmem>>
    %dma_wait3A_733 = tpu.memref_squeeze %dma_wait3A_732 : memref<1x128xi32, #tpu.memory_space<vmem>> -> memref<128xi32, #tpu.memory_space<vmem>>
    %dma_wait3A_734 = arith.constant 0 : i32
    %dma_wait3A_735 = arith.constant 0 : i32
    %dma_wait3A_736 = tpu.memref_slice %arg2[%dma_wait3A_734, %dma_wait3A_735] : memref<819200x16xf32, #tpu.memory_space<hbm>> -> memref<819200x16xf32, #tpu.memory_space<hbm>>
    tpu.wait_indirect_dma semaphore(%arg9 : memref<!tpu.dma_semaphore, #tpu.memory_space<semaphore_mem>>) src(%dma_wait3A_736 : memref<819200x16xf32, #tpu.memory_space<hbm>>) dst(%dma_wait3A_730 : memref<128x16xf32, #tpu.memory_space<vmem>>)
    %dma_wait3A_737 = arith.constant 128 : i32
    %dma_wait3A_738 = arith.constant 0 : i32
    %dma_wait3A_739 = tpu.memref_slice %arg7[%dma_wait3A_737, %dma_wait3A_738] : memref<2560x16xf32, #tpu.memory_space<vmem>> -> memref<128x16xf32, #tpu.memory_space<vmem>>
    %dma_wait3A_740 = arith.constant 0 : i32
    %dma_wait3A_741 = tpu.memref_slice %arg5[%add3A_475, %dma_wait3A_740] : memref<40x128xi32, #tpu.memory_space<vmem>> -> memref<1x128xi32, #tpu.memory_space<vmem>>
    %dma_wait3A_742 = tpu.memref_squeeze %dma_wait3A_741 : memref<1x128xi32, #tpu.memory_space<vmem>> -> memref<128xi32, #tpu.memory_space<vmem>>
    %dma_wait3A_743 = arith.constant 0 : i32
    %dma_wait3A_744 = arith.constant 0 : i32
    %dma_wait3A_745 = tpu.memref_slice %arg2[%dma_wait3A_743, %dma_wait3A_744] : memref<819200x16xf32, #tpu.memory_space<hbm>> -> memref<819200x16xf32, #tpu.memory_space<hbm>>
    tpu.wait_indirect_dma semaphore(%arg9 : memref<!tpu.dma_semaphore, #tpu.memory_space<semaphore_mem>>) src(%dma_wait3A_745 : memref<819200x16xf32, #tpu.memory_space<hbm>>) dst(%dma_wait3A_739 : memref<128x16xf32, #tpu.memory_space<vmem>>)
    %dma_wait3A_746 = arith.constant 256 : i32
    %dma_wait3A_747 = arith.constant 0 : i32
    %dma_wait3A_748 = tpu.memref_slice %arg7[%dma_wait3A_746, %dma_wait3A_747] : memref<2560x16xf32, #tpu.memory_space<vmem>> -> memref<128x16xf32, #tpu.memory_space<vmem>>
    %dma_wait3A_749 = arith.constant 0 : i32
    %dma_wait3A_750 = tpu.memref_slice %arg5[%add3A_479, %dma_wait3A_749] : memref<40x128xi32, #tpu.memory_space<vmem>> -> memref<1x128xi32, #tpu.memory_space<vmem>>
    %dma_wait3A_751 = tpu.memref_squeeze %dma_wait3A_750 : memref<1x128xi32, #tpu.memory_space<vmem>> -> memref<128xi32, #tpu.memory_space<vmem>>
    %dma_wait3A_752 = arith.constant 0 : i32
    %dma_wait3A_753 = arith.constant 0 : i32
    %dma_wait3A_754 = tpu.memref_slice %arg2[%dma_wait3A_752, %dma_wait3A_753] : memref<819200x16xf32, #tpu.memory_space<hbm>> -> memref<819200x16xf32, #tpu.memory_space<hbm>>
    tpu.wait_indirect_dma semaphore(%arg9 : memref<!tpu.dma_semaphore, #tpu.memory_space<semaphore_mem>>) src(%dma_wait3A_754 : memref<819200x16xf32, #tpu.memory_space<hbm>>) dst(%dma_wait3A_748 : memref<128x16xf32, #tpu.memory_space<vmem>>)
    %dma_wait3A_755 = arith.constant 384 : i32
    %dma_wait3A_756 = arith.constant 0 : i32
    %dma_wait3A_757 = tpu.memref_slice %arg7[%dma_wait3A_755, %dma_wait3A_756] : memref<2560x16xf32, #tpu.memory_space<vmem>> -> memref<128x16xf32, #tpu.memory_space<vmem>>
    %dma_wait3A_758 = arith.constant 0 : i32
    %dma_wait3A_759 = tpu.memref_slice %arg5[%add3A_483, %dma_wait3A_758] : memref<40x128xi32, #tpu.memory_space<vmem>> -> memref<1x128xi32, #tpu.memory_space<vmem>>
    %dma_wait3A_760 = tpu.memref_squeeze %dma_wait3A_759 : memref<1x128xi32, #tpu.memory_space<vmem>> -> memref<128xi32, #tpu.memory_space<vmem>>
    %dma_wait3A_761 = arith.constant 0 : i32
    %dma_wait3A_762 = arith.constant 0 : i32
    %dma_wait3A_763 = tpu.memref_slice %arg2[%dma_wait3A_761, %dma_wait3A_762] : memref<819200x16xf32, #tpu.memory_space<hbm>> -> memref<819200x16xf32, #tpu.memory_space<hbm>>
    tpu.wait_indirect_dma semaphore(%arg9 : memref<!tpu.dma_semaphore, #tpu.memory_space<semaphore_mem>>) src(%dma_wait3A_763 : memref<819200x16xf32, #tpu.memory_space<hbm>>) dst(%dma_wait3A_757 : memref<128x16xf32, #tpu.memory_space<vmem>>)
    %dma_wait3A_764 = arith.constant 512 : i32
    %dma_wait3A_765 = arith.constant 0 : i32
    %dma_wait3A_766 = tpu.memref_slice %arg7[%dma_wait3A_764, %dma_wait3A_765] : memref<2560x16xf32, #tpu.memory_space<vmem>> -> memref<128x16xf32, #tpu.memory_space<vmem>>
    %dma_wait3A_767 = arith.constant 0 : i32
    %dma_wait3A_768 = tpu.memref_slice %arg5[%add3A_487, %dma_wait3A_767] : memref<40x128xi32, #tpu.memory_space<vmem>> -> memref<1x128xi32, #tpu.memory_space<vmem>>
    %dma_wait3A_769 = tpu.memref_squeeze %dma_wait3A_768 : memref<1x128xi32, #tpu.memory_space<vmem>> -> memref<128xi32, #tpu.memory_space<vmem>>
    %dma_wait3A_770 = arith.constant 0 : i32
    %dma_wait3A_771 = arith.constant 0 : i32
    %dma_wait3A_772 = tpu.memref_slice %arg2[%dma_wait3A_770, %dma_wait3A_771] : memref<819200x16xf32, #tpu.memory_space<hbm>> -> memref<819200x16xf32, #tpu.memory_space<hbm>>
    tpu.wait_indirect_dma semaphore(%arg9 : memref<!tpu.dma_semaphore, #tpu.memory_space<semaphore_mem>>) src(%dma_wait3A_772 : memref<819200x16xf32, #tpu.memory_space<hbm>>) dst(%dma_wait3A_766 : memref<128x16xf32, #tpu.memory_space<vmem>>)
    %dma_wait3A_773 = arith.constant 640 : i32
    %dma_wait3A_774 = arith.constant 0 : i32
    %dma_wait3A_775 = tpu.memref_slice %arg7[%dma_wait3A_773, %dma_wait3A_774] : memref<2560x16xf32, #tpu.memory_space<vmem>> -> memref<128x16xf32, #tpu.memory_space<vmem>>
    %dma_wait3A_776 = arith.constant 0 : i32
    %dma_wait3A_777 = tpu.memref_slice %arg5[%add3A_491, %dma_wait3A_776] : memref<40x128xi32, #tpu.memory_space<vmem>> -> memref<1x128xi32, #tpu.memory_space<vmem>>
    %dma_wait3A_778 = tpu.memref_squeeze %dma_wait3A_777 : memref<1x128xi32, #tpu.memory_space<vmem>> -> memref<128xi32, #tpu.memory_space<vmem>>
    %dma_wait3A_779 = arith.constant 0 : i32
    %dma_wait3A_780 = arith.constant 0 : i32
    %dma_wait3A_781 = tpu.memref_slice %arg2[%dma_wait3A_779, %dma_wait3A_780] : memref<819200x16xf32, #tpu.memory_space<hbm>> -> memref<819200x16xf32, #tpu.memory_space<hbm>>
    tpu.wait_indirect_dma semaphore(%arg9 : memref<!tpu.dma_semaphore, #tpu.memory_space<semaphore_mem>>) src(%dma_wait3A_781 : memref<819200x16xf32, #tpu.memory_space<hbm>>) dst(%dma_wait3A_775 : memref<128x16xf32, #tpu.memory_space<vmem>>)
    %dma_wait3A_782 = arith.constant 768 : i32
    %dma_wait3A_783 = arith.constant 0 : i32
    %dma_wait3A_784 = tpu.memref_slice %arg7[%dma_wait3A_782, %dma_wait3A_783] : memref<2560x16xf32, #tpu.memory_space<vmem>> -> memref<128x16xf32, #tpu.memory_space<vmem>>
    %dma_wait3A_785 = arith.constant 0 : i32
    %dma_wait3A_786 = tpu.memref_slice %arg5[%add3A_495, %dma_wait3A_785] : memref<40x128xi32, #tpu.memory_space<vmem>> -> memref<1x128xi32, #tpu.memory_space<vmem>>
    %dma_wait3A_787 = tpu.memref_squeeze %dma_wait3A_786 : memref<1x128xi32, #tpu.memory_space<vmem>> -> memref<128xi32, #tpu.memory_space<vmem>>
    %dma_wait3A_788 = arith.constant 0 : i32
    %dma_wait3A_789 = arith.constant 0 : i32
    %dma_wait3A_790 = tpu.memref_slice %arg2[%dma_wait3A_788, %dma_wait3A_789] : memref<819200x16xf32, #tpu.memory_space<hbm>> -> memref<819200x16xf32, #tpu.memory_space<hbm>>
    tpu.wait_indirect_dma semaphore(%arg9 : memref<!tpu.dma_semaphore, #tpu.memory_space<semaphore_mem>>) src(%dma_wait3A_790 : memref<819200x16xf32, #tpu.memory_space<hbm>>) dst(%dma_wait3A_784 : memref<128x16xf32, #tpu.memory_space<vmem>>)
    %dma_wait3A_791 = arith.constant 896 : i32
    %dma_wait3A_792 = arith.constant 0 : i32
    %dma_wait3A_793 = tpu.memref_slice %arg7[%dma_wait3A_791, %dma_wait3A_792] : memref<2560x16xf32, #tpu.memory_space<vmem>> -> memref<128x16xf32, #tpu.memory_space<vmem>>
    %dma_wait3A_794 = arith.constant 0 : i32
    %dma_wait3A_795 = tpu.memref_slice %arg5[%add3A_499, %dma_wait3A_794] : memref<40x128xi32, #tpu.memory_space<vmem>> -> memref<1x128xi32, #tpu.memory_space<vmem>>
    %dma_wait3A_796 = tpu.memref_squeeze %dma_wait3A_795 : memref<1x128xi32, #tpu.memory_space<vmem>> -> memref<128xi32, #tpu.memory_space<vmem>>
    %dma_wait3A_797 = arith.constant 0 : i32
    %dma_wait3A_798 = arith.constant 0 : i32
    %dma_wait3A_799 = tpu.memref_slice %arg2[%dma_wait3A_797, %dma_wait3A_798] : memref<819200x16xf32, #tpu.memory_space<hbm>> -> memref<819200x16xf32, #tpu.memory_space<hbm>>
    tpu.wait_indirect_dma semaphore(%arg9 : memref<!tpu.dma_semaphore, #tpu.memory_space<semaphore_mem>>) src(%dma_wait3A_799 : memref<819200x16xf32, #tpu.memory_space<hbm>>) dst(%dma_wait3A_793 : memref<128x16xf32, #tpu.memory_space<vmem>>)
    %dma_wait3A_800 = arith.constant 1024 : i32
    %dma_wait3A_801 = arith.constant 0 : i32
    %dma_wait3A_802 = tpu.memref_slice %arg7[%dma_wait3A_800, %dma_wait3A_801] : memref<2560x16xf32, #tpu.memory_space<vmem>> -> memref<128x16xf32, #tpu.memory_space<vmem>>
    %dma_wait3A_803 = arith.constant 0 : i32
    %dma_wait3A_804 = tpu.memref_slice %arg5[%add3A_503, %dma_wait3A_803] : memref<40x128xi32, #tpu.memory_space<vmem>> -> memref<1x128xi32, #tpu.memory_space<vmem>>
    %dma_wait3A_805 = tpu.memref_squeeze %dma_wait3A_804 : memref<1x128xi32, #tpu.memory_space<vmem>> -> memref<128xi32, #tpu.memory_space<vmem>>
    %dma_wait3A_806 = arith.constant 0 : i32
    %dma_wait3A_807 = arith.constant 0 : i32
    %dma_wait3A_808 = tpu.memref_slice %arg2[%dma_wait3A_806, %dma_wait3A_807] : memref<819200x16xf32, #tpu.memory_space<hbm>> -> memref<819200x16xf32, #tpu.memory_space<hbm>>
    tpu.wait_indirect_dma semaphore(%arg9 : memref<!tpu.dma_semaphore, #tpu.memory_space<semaphore_mem>>) src(%dma_wait3A_808 : memref<819200x16xf32, #tpu.memory_space<hbm>>) dst(%dma_wait3A_802 : memref<128x16xf32, #tpu.memory_space<vmem>>)
    %dma_wait3A_809 = arith.constant 1152 : i32
    %dma_wait3A_810 = arith.constant 0 : i32
    %dma_wait3A_811 = tpu.memref_slice %arg7[%dma_wait3A_809, %dma_wait3A_810] : memref<2560x16xf32, #tpu.memory_space<vmem>> -> memref<128x16xf32, #tpu.memory_space<vmem>>
    %dma_wait3A_812 = arith.constant 0 : i32
    %dma_wait3A_813 = tpu.memref_slice %arg5[%add3A_507, %dma_wait3A_812] : memref<40x128xi32, #tpu.memory_space<vmem>> -> memref<1x128xi32, #tpu.memory_space<vmem>>
    %dma_wait3A_814 = tpu.memref_squeeze %dma_wait3A_813 : memref<1x128xi32, #tpu.memory_space<vmem>> -> memref<128xi32, #tpu.memory_space<vmem>>
    %dma_wait3A_815 = arith.constant 0 : i32
    %dma_wait3A_816 = arith.constant 0 : i32
    %dma_wait3A_817 = tpu.memref_slice %arg2[%dma_wait3A_815, %dma_wait3A_816] : memref<819200x16xf32, #tpu.memory_space<hbm>> -> memref<819200x16xf32, #tpu.memory_space<hbm>>
    tpu.wait_indirect_dma semaphore(%arg9 : memref<!tpu.dma_semaphore, #tpu.memory_space<semaphore_mem>>) src(%dma_wait3A_817 : memref<819200x16xf32, #tpu.memory_space<hbm>>) dst(%dma_wait3A_811 : memref<128x16xf32, #tpu.memory_space<vmem>>)
    %dma_wait3A_818 = arith.constant 1280 : i32
    %dma_wait3A_819 = arith.constant 0 : i32
    %dma_wait3A_820 = tpu.memref_slice %arg7[%dma_wait3A_818, %dma_wait3A_819] : memref<2560x16xf32, #tpu.memory_space<vmem>> -> memref<128x16xf32, #tpu.memory_space<vmem>>
    %dma_wait3A_821 = arith.constant 0 : i32
    %dma_wait3A_822 = tpu.memref_slice %arg5[%add3A_511, %dma_wait3A_821] : memref<40x128xi32, #tpu.memory_space<vmem>> -> memref<1x128xi32, #tpu.memory_space<vmem>>
    %dma_wait3A_823 = tpu.memref_squeeze %dma_wait3A_822 : memref<1x128xi32, #tpu.memory_space<vmem>> -> memref<128xi32, #tpu.memory_space<vmem>>
    %dma_wait3A_824 = arith.constant 0 : i32
    %dma_wait3A_825 = arith.constant 0 : i32
    %dma_wait3A_826 = tpu.memref_slice %arg2[%dma_wait3A_824, %dma_wait3A_825] : memref<819200x16xf32, #tpu.memory_space<hbm>> -> memref<819200x16xf32, #tpu.memory_space<hbm>>
    tpu.wait_indirect_dma semaphore(%arg9 : memref<!tpu.dma_semaphore, #tpu.memory_space<semaphore_mem>>) src(%dma_wait3A_826 : memref<819200x16xf32, #tpu.memory_space<hbm>>) dst(%dma_wait3A_820 : memref<128x16xf32, #tpu.memory_space<vmem>>)
    %dma_wait3A_827 = arith.constant 1408 : i32
    %dma_wait3A_828 = arith.constant 0 : i32
    %dma_wait3A_829 = tpu.memref_slice %arg7[%dma_wait3A_827, %dma_wait3A_828] : memref<2560x16xf32, #tpu.memory_space<vmem>> -> memref<128x16xf32, #tpu.memory_space<vmem>>
    %dma_wait3A_830 = arith.constant 0 : i32
    %dma_wait3A_831 = tpu.memref_slice %arg5[%add3A_515, %dma_wait3A_830] : memref<40x128xi32, #tpu.memory_space<vmem>> -> memref<1x128xi32, #tpu.memory_space<vmem>>
    %dma_wait3A_832 = tpu.memref_squeeze %dma_wait3A_831 : memref<1x128xi32, #tpu.memory_space<vmem>> -> memref<128xi32, #tpu.memory_space<vmem>>
    %dma_wait3A_833 = arith.constant 0 : i32
    %dma_wait3A_834 = arith.constant 0 : i32
    %dma_wait3A_835 = tpu.memref_slice %arg2[%dma_wait3A_833, %dma_wait3A_834] : memref<819200x16xf32, #tpu.memory_space<hbm>> -> memref<819200x16xf32, #tpu.memory_space<hbm>>
    tpu.wait_indirect_dma semaphore(%arg9 : memref<!tpu.dma_semaphore, #tpu.memory_space<semaphore_mem>>) src(%dma_wait3A_835 : memref<819200x16xf32, #tpu.memory_space<hbm>>) dst(%dma_wait3A_829 : memref<128x16xf32, #tpu.memory_space<vmem>>)
    %dma_wait3A_836 = arith.constant 1536 : i32
    %dma_wait3A_837 = arith.constant 0 : i32
    %dma_wait3A_838 = tpu.memref_slice %arg7[%dma_wait3A_836, %dma_wait3A_837] : memref<2560x16xf32, #tpu.memory_space<vmem>> -> memref<128x16xf32, #tpu.memory_space<vmem>>
    %dma_wait3A_839 = arith.constant 0 : i32
    %dma_wait3A_840 = tpu.memref_slice %arg5[%add3A_519, %dma_wait3A_839] : memref<40x128xi32, #tpu.memory_space<vmem>> -> memref<1x128xi32, #tpu.memory_space<vmem>>
    %dma_wait3A_841 = tpu.memref_squeeze %dma_wait3A_840 : memref<1x128xi32, #tpu.memory_space<vmem>> -> memref<128xi32, #tpu.memory_space<vmem>>
    %dma_wait3A_842 = arith.constant 0 : i32
    %dma_wait3A_843 = arith.constant 0 : i32
    %dma_wait3A_844 = tpu.memref_slice %arg2[%dma_wait3A_842, %dma_wait3A_843] : memref<819200x16xf32, #tpu.memory_space<hbm>> -> memref<819200x16xf32, #tpu.memory_space<hbm>>
    tpu.wait_indirect_dma semaphore(%arg9 : memref<!tpu.dma_semaphore, #tpu.memory_space<semaphore_mem>>) src(%dma_wait3A_844 : memref<819200x16xf32, #tpu.memory_space<hbm>>) dst(%dma_wait3A_838 : memref<128x16xf32, #tpu.memory_space<vmem>>)
    %dma_wait3A_845 = arith.constant 1664 : i32
    %dma_wait3A_846 = arith.constant 0 : i32
    %dma_wait3A_847 = tpu.memref_slice %arg7[%dma_wait3A_845, %dma_wait3A_846] : memref<2560x16xf32, #tpu.memory_space<vmem>> -> memref<128x16xf32, #tpu.memory_space<vmem>>
    %dma_wait3A_848 = arith.constant 0 : i32
    %dma_wait3A_849 = tpu.memref_slice %arg5[%add3A_523, %dma_wait3A_848] : memref<40x128xi32, #tpu.memory_space<vmem>> -> memref<1x128xi32, #tpu.memory_space<vmem>>
    %dma_wait3A_850 = tpu.memref_squeeze %dma_wait3A_849 : memref<1x128xi32, #tpu.memory_space<vmem>> -> memref<128xi32, #tpu.memory_space<vmem>>
    %dma_wait3A_851 = arith.constant 0 : i32
    %dma_wait3A_852 = arith.constant 0 : i32
    %dma_wait3A_853 = tpu.memref_slice %arg2[%dma_wait3A_851, %dma_wait3A_852] : memref<819200x16xf32, #tpu.memory_space<hbm>> -> memref<819200x16xf32, #tpu.memory_space<hbm>>
    tpu.wait_indirect_dma semaphore(%arg9 : memref<!tpu.dma_semaphore, #tpu.memory_space<semaphore_mem>>) src(%dma_wait3A_853 : memref<819200x16xf32, #tpu.memory_space<hbm>>) dst(%dma_wait3A_847 : memref<128x16xf32, #tpu.memory_space<vmem>>)
    %dma_wait3A_854 = arith.constant 1792 : i32
    %dma_wait3A_855 = arith.constant 0 : i32
    %dma_wait3A_856 = tpu.memref_slice %arg7[%dma_wait3A_854, %dma_wait3A_855] : memref<2560x16xf32, #tpu.memory_space<vmem>> -> memref<128x16xf32, #tpu.memory_space<vmem>>
    %dma_wait3A_857 = arith.constant 0 : i32
    %dma_wait3A_858 = tpu.memref_slice %arg5[%add3A_527, %dma_wait3A_857] : memref<40x128xi32, #tpu.memory_space<vmem>> -> memref<1x128xi32, #tpu.memory_space<vmem>>
    %dma_wait3A_859 = tpu.memref_squeeze %dma_wait3A_858 : memref<1x128xi32, #tpu.memory_space<vmem>> -> memref<128xi32, #tpu.memory_space<vmem>>
    %dma_wait3A_860 = arith.constant 0 : i32
    %dma_wait3A_861 = arith.constant 0 : i32
    %dma_wait3A_862 = tpu.memref_slice %arg2[%dma_wait3A_860, %dma_wait3A_861] : memref<819200x16xf32, #tpu.memory_space<hbm>> -> memref<819200x16xf32, #tpu.memory_space<hbm>>
    tpu.wait_indirect_dma semaphore(%arg9 : memref<!tpu.dma_semaphore, #tpu.memory_space<semaphore_mem>>) src(%dma_wait3A_862 : memref<819200x16xf32, #tpu.memory_space<hbm>>) dst(%dma_wait3A_856 : memref<128x16xf32, #tpu.memory_space<vmem>>)
    %dma_wait3A_863 = arith.constant 1920 : i32
    %dma_wait3A_864 = arith.constant 0 : i32
    %dma_wait3A_865 = tpu.memref_slice %arg7[%dma_wait3A_863, %dma_wait3A_864] : memref<2560x16xf32, #tpu.memory_space<vmem>> -> memref<128x16xf32, #tpu.memory_space<vmem>>
    %dma_wait3A_866 = arith.constant 0 : i32
    %dma_wait3A_867 = tpu.memref_slice %arg5[%add3A_531, %dma_wait3A_866] : memref<40x128xi32, #tpu.memory_space<vmem>> -> memref<1x128xi32, #tpu.memory_space<vmem>>
    %dma_wait3A_868 = tpu.memref_squeeze %dma_wait3A_867 : memref<1x128xi32, #tpu.memory_space<vmem>> -> memref<128xi32, #tpu.memory_space<vmem>>
    %dma_wait3A_869 = arith.constant 0 : i32
    %dma_wait3A_870 = arith.constant 0 : i32
    %dma_wait3A_871 = tpu.memref_slice %arg2[%dma_wait3A_869, %dma_wait3A_870] : memref<819200x16xf32, #tpu.memory_space<hbm>> -> memref<819200x16xf32, #tpu.memory_space<hbm>>
    tpu.wait_indirect_dma semaphore(%arg9 : memref<!tpu.dma_semaphore, #tpu.memory_space<semaphore_mem>>) src(%dma_wait3A_871 : memref<819200x16xf32, #tpu.memory_space<hbm>>) dst(%dma_wait3A_865 : memref<128x16xf32, #tpu.memory_space<vmem>>)
    %dma_wait3A_872 = arith.constant 2048 : i32
    %dma_wait3A_873 = arith.constant 0 : i32
    %dma_wait3A_874 = tpu.memref_slice %arg7[%dma_wait3A_872, %dma_wait3A_873] : memref<2560x16xf32, #tpu.memory_space<vmem>> -> memref<128x16xf32, #tpu.memory_space<vmem>>
    %dma_wait3A_875 = arith.constant 0 : i32
    %dma_wait3A_876 = tpu.memref_slice %arg5[%add3A_535, %dma_wait3A_875] : memref<40x128xi32, #tpu.memory_space<vmem>> -> memref<1x128xi32, #tpu.memory_space<vmem>>
    %dma_wait3A_877 = tpu.memref_squeeze %dma_wait3A_876 : memref<1x128xi32, #tpu.memory_space<vmem>> -> memref<128xi32, #tpu.memory_space<vmem>>
    %dma_wait3A_878 = arith.constant 0 : i32
    %dma_wait3A_879 = arith.constant 0 : i32
    %dma_wait3A_880 = tpu.memref_slice %arg2[%dma_wait3A_878, %dma_wait3A_879] : memref<819200x16xf32, #tpu.memory_space<hbm>> -> memref<819200x16xf32, #tpu.memory_space<hbm>>
    tpu.wait_indirect_dma semaphore(%arg9 : memref<!tpu.dma_semaphore, #tpu.memory_space<semaphore_mem>>) src(%dma_wait3A_880 : memref<819200x16xf32, #tpu.memory_space<hbm>>) dst(%dma_wait3A_874 : memref<128x16xf32, #tpu.memory_space<vmem>>)
    %dma_wait3A_881 = arith.constant 2176 : i32
    %dma_wait3A_882 = arith.constant 0 : i32
    %dma_wait3A_883 = tpu.memref_slice %arg7[%dma_wait3A_881, %dma_wait3A_882] : memref<2560x16xf32, #tpu.memory_space<vmem>> -> memref<128x16xf32, #tpu.memory_space<vmem>>
    %dma_wait3A_884 = arith.constant 0 : i32
    %dma_wait3A_885 = tpu.memref_slice %arg5[%add3A_539, %dma_wait3A_884] : memref<40x128xi32, #tpu.memory_space<vmem>> -> memref<1x128xi32, #tpu.memory_space<vmem>>
    %dma_wait3A_886 = tpu.memref_squeeze %dma_wait3A_885 : memref<1x128xi32, #tpu.memory_space<vmem>> -> memref<128xi32, #tpu.memory_space<vmem>>
    %dma_wait3A_887 = arith.constant 0 : i32
    %dma_wait3A_888 = arith.constant 0 : i32
    %dma_wait3A_889 = tpu.memref_slice %arg2[%dma_wait3A_887, %dma_wait3A_888] : memref<819200x16xf32, #tpu.memory_space<hbm>> -> memref<819200x16xf32, #tpu.memory_space<hbm>>
    tpu.wait_indirect_dma semaphore(%arg9 : memref<!tpu.dma_semaphore, #tpu.memory_space<semaphore_mem>>) src(%dma_wait3A_889 : memref<819200x16xf32, #tpu.memory_space<hbm>>) dst(%dma_wait3A_883 : memref<128x16xf32, #tpu.memory_space<vmem>>)
    %dma_wait3A_890 = arith.constant 2304 : i32
    %dma_wait3A_891 = arith.constant 0 : i32
    %dma_wait3A_892 = tpu.memref_slice %arg7[%dma_wait3A_890, %dma_wait3A_891] : memref<2560x16xf32, #tpu.memory_space<vmem>> -> memref<128x16xf32, #tpu.memory_space<vmem>>
    %dma_wait3A_893 = arith.constant 0 : i32
    %dma_wait3A_894 = tpu.memref_slice %arg5[%add3A_543, %dma_wait3A_893] : memref<40x128xi32, #tpu.memory_space<vmem>> -> memref<1x128xi32, #tpu.memory_space<vmem>>
    %dma_wait3A_895 = tpu.memref_squeeze %dma_wait3A_894 : memref<1x128xi32, #tpu.memory_space<vmem>> -> memref<128xi32, #tpu.memory_space<vmem>>
    %dma_wait3A_896 = arith.constant 0 : i32
    %dma_wait3A_897 = arith.constant 0 : i32
    %dma_wait3A_898 = tpu.memref_slice %arg2[%dma_wait3A_896, %dma_wait3A_897] : memref<819200x16xf32, #tpu.memory_space<hbm>> -> memref<819200x16xf32, #tpu.memory_space<hbm>>
    tpu.wait_indirect_dma semaphore(%arg9 : memref<!tpu.dma_semaphore, #tpu.memory_space<semaphore_mem>>) src(%dma_wait3A_898 : memref<819200x16xf32, #tpu.memory_space<hbm>>) dst(%dma_wait3A_892 : memref<128x16xf32, #tpu.memory_space<vmem>>)
    %dma_wait3A_899 = arith.constant 2432 : i32
    %dma_wait3A_900 = arith.constant 0 : i32
    %dma_wait3A_901 = tpu.memref_slice %arg7[%dma_wait3A_899, %dma_wait3A_900] : memref<2560x16xf32, #tpu.memory_space<vmem>> -> memref<128x16xf32, #tpu.memory_space<vmem>>
    %dma_wait3A_902 = arith.constant 0 : i32
    %dma_wait3A_903 = tpu.memref_slice %arg5[%add3A_547, %dma_wait3A_902] : memref<40x128xi32, #tpu.memory_space<vmem>> -> memref<1x128xi32, #tpu.memory_space<vmem>>
    %dma_wait3A_904 = tpu.memref_squeeze %dma_wait3A_903 : memref<1x128xi32, #tpu.memory_space<vmem>> -> memref<128xi32, #tpu.memory_space<vmem>>
    %dma_wait3A_905 = arith.constant 0 : i32
    %dma_wait3A_906 = arith.constant 0 : i32
    %dma_wait3A_907 = tpu.memref_slice %arg2[%dma_wait3A_905, %dma_wait3A_906] : memref<819200x16xf32, #tpu.memory_space<hbm>> -> memref<819200x16xf32, #tpu.memory_space<hbm>>
    tpu.wait_indirect_dma semaphore(%arg9 : memref<!tpu.dma_semaphore, #tpu.memory_space<semaphore_mem>>) src(%dma_wait3A_907 : memref<819200x16xf32, #tpu.memory_space<hbm>>) dst(%dma_wait3A_901 : memref<128x16xf32, #tpu.memory_space<vmem>>)
    %dma_start3A_908 = arith.constant 0 : i32
    %dma_start3A_909 = tpu.memref_slice %arg4[%add3A_462, %dma_start3A_908] : memref<163840x16xf32, #tpu.memory_space<hbm>> -> memref<2560x16xf32, #tpu.memory_space<hbm>>
    %dma_start3A_910 = arith.constant 0 : i32
    %dma_start3A_911 = tpu.memref_slice %arg4[%add3A_462, %dma_start3A_910] : memref<163840x16xf32, #tpu.memory_space<hbm>> -> memref<2560x16xf32, #tpu.memory_space<hbm>>
    tpu.enqueue_dma source(%arg7 : memref<2560x16xf32, #tpu.memory_space<vmem>>) target(%dma_start3A_911 : memref<2560x16xf32, #tpu.memory_space<hbm>>) target_semaphore(%arg11 : memref<!tpu.dma_semaphore, #tpu.memory_space<semaphore_mem>>)
    %scan3A_912 = arith.constant 1 : i32
    %dma_wait3A_913 = arith.constant 0 : i32
    %dma_wait3A_914 = arith.constant 0 : i32
    %dma_wait3A_915 = tpu.memref_slice %arg4[%dma_wait3A_913, %dma_wait3A_914] : memref<163840x16xf32, #tpu.memory_space<hbm>> -> memref<2560x16xf32, #tpu.memory_space<hbm>>
    %dma_wait3A_916 = arith.constant 0 : i32
    %dma_wait3A_917 = arith.constant 0 : i32
    %dma_wait3A_918 = tpu.memref_slice %arg4[%dma_wait3A_916, %dma_wait3A_917] : memref<163840x16xf32, #tpu.memory_space<hbm>> -> memref<2560x16xf32, #tpu.memory_space<hbm>>
    tpu.wait_dma2 semaphore(%arg10 : memref<!tpu.dma_semaphore, #tpu.memory_space<semaphore_mem>>) src(%arg6 : memref<2560x16xf32, #tpu.memory_space<vmem>>) dst(%dma_wait3A_918 : memref<2560x16xf32, #tpu.memory_space<hbm>>)
    %dma_wait3A_919 = arith.constant 0 : i32
    %dma_wait3A_920 = arith.constant 0 : i32
    %dma_wait3A_921 = tpu.memref_slice %arg4[%dma_wait3A_919, %dma_wait3A_920] : memref<163840x16xf32, #tpu.memory_space<hbm>> -> memref<2560x16xf32, #tpu.memory_space<hbm>>
    %dma_wait3A_922 = arith.constant 0 : i32
    %dma_wait3A_923 = arith.constant 0 : i32
    %dma_wait3A_924 = tpu.memref_slice %arg4[%dma_wait3A_922, %dma_wait3A_923] : memref<163840x16xf32, #tpu.memory_space<hbm>> -> memref<2560x16xf32, #tpu.memory_space<hbm>>
    tpu.wait_dma2 semaphore(%arg11 : memref<!tpu.dma_semaphore, #tpu.memory_space<semaphore_mem>>) src(%arg7 : memref<2560x16xf32, #tpu.memory_space<vmem>>) dst(%dma_wait3A_924 : memref<2560x16xf32, #tpu.memory_space<hbm>>)
    return
  }
}

module attributes {stable_mosaic.version = 14 : i64} {
  func.func @_tr_body(%arg0: i32, %arg1: i32, %arg2: memref<256x4096xf32, #tpu.memory_space<vmem>>, %arg3: memref<1x4096x128xf32, #tpu.memory_space<vmem>>) attributes {dimension_semantics = [#tpu.dimension_semantics<parallel>, #tpu.dimension_semantics<parallel>], iteration_bounds = array<i64: 1, 25>, scalar_prefetch = 0 : i64, scratch_operands = 0 : i64, tpu.core_type = #tpu.core_type<tc>, window_params = [{transform_indices = @transform_0, window_bounds = array<i64: 256, 4096>}, {transform_indices = @transform_1, window_bounds = array<i64: 1, 4096, 128>}]} {
    %get3A = arith.constant 0 : index
    %get3A_0 = arith.constant 0 : index
    %get3A_1 = vector.load %arg2[%get3A, %get3A_0] : memref<256x4096xf32, #tpu.memory_space<vmem>>, vector<256x4096xf32>
    %convert_element_type3A = arith.truncf %get3A_1 : vector<256x4096xf32> to vector<256x4096xbf16>
    %bitcast3A = tpu.bitcast %convert_element_type3A : vector<256x4096xbf16> -> vector<128x4096xf32>
    %transpose3A = tpu.transpose %bitcast3A, [1, 0] : vector<128x4096xf32> -> vector<4096x128xf32>
    %swap3A = arith.constant 0 : index
    %swap3A_2 = arith.constant 0 : index
    %swap3A_3 = arith.constant 0 : index
    %swap3A_4 = vector.load %arg3[%swap3A, %swap3A_2, %swap3A_3] : memref<1x4096x128xf32, #tpu.memory_space<vmem>>, vector<1x4096x128xf32>
    %swap3A_5 = vector.shape_cast %swap3A_4 : vector<1x4096x128xf32> to vector<4096x128xf32>
    %swap3A_6 = vector.shape_cast %transpose3A : vector<4096x128xf32> to vector<1x4096x128xf32>
    tpu.vector_store %arg3[%swap3A, %swap3A_2, %swap3A_3], %swap3A_6 {strides = array<i32>} : memref<1x4096x128xf32, #tpu.memory_space<vmem>>, vector<1x4096x128xf32>,
    return
  }
  func.func @transform_0(%arg0: i32, %arg1: i32) -> (i32, i32) {
    %add3A = arith.constant 0 : i32
    %add3A_0 = arith.addi %arg0, %add3A : i32
    %c0_i32 = arith.constant 0 : i32
    return %add3A_0, %arg1 : i32, i32
  }
  func.func @transform_1(%arg0: i32, %arg1: i32) -> (i32, i32, i32) {
    %c0_i32 = arith.constant 0 : i32
    %c0_i32_0 = arith.constant 0 : i32
    return %arg0, %arg1, %c0_i32 : i32, i32, i32
  }
}

module attributes {stable_mosaic.version = 14 : i64} {
  func.func @_tr_body(%arg0: i32, %arg1: i32, %arg2: memref<256x4096xf32, #tpu.memory_space<vmem>>, %arg3: memref<1x4096x128xf32, #tpu.memory_space<vmem>>) attributes {dimension_semantics = [#tpu.dimension_semantics<parallel>, #tpu.dimension_semantics<parallel>], iteration_bounds = array<i64: 1, 25>, scalar_prefetch = 0 : i64, scratch_operands = 0 : i64, tpu.core_type = #tpu.core_type<tc>, window_params = [{transform_indices = @transform_0, window_bounds = array<i64: 256, 4096>}, {transform_indices = @transform_1, window_bounds = array<i64: 1, 4096, 128>}]} {
    %get3A = arith.constant 0 : index
    %get3A_0 = arith.constant 0 : index
    %get3A_1 = vector.load %arg2[%get3A, %get3A_0] : memref<256x4096xf32, #tpu.memory_space<vmem>>, vector<256x4096xf32>
    %convert_element_type3A = arith.truncf %get3A_1 : vector<256x4096xf32> to vector<256x4096xbf16>
    %bitcast3A = tpu.bitcast %convert_element_type3A : vector<256x4096xbf16> -> vector<128x4096xf32>
    %transpose3A = tpu.transpose %bitcast3A, [1, 0] : vector<128x4096xf32> -> vector<4096x128xf32>
    %swap3A = arith.constant 0 : index
    %swap3A_2 = arith.constant 0 : index
    %swap3A_3 = arith.constant 0 : index
    %swap3A_4 = vector.load %arg3[%swap3A, %swap3A_2, %swap3A_3] : memref<1x4096x128xf32, #tpu.memory_space<vmem>>, vector<1x4096x128xf32>
    %swap3A_5 = vector.shape_cast %swap3A_4 : vector<1x4096x128xf32> to vector<4096x128xf32>
    %swap3A_6 = vector.shape_cast %transpose3A : vector<4096x128xf32> to vector<1x4096x128xf32>
    tpu.vector_store %arg3[%swap3A, %swap3A_2, %swap3A_3], %swap3A_6 {strides = array<i32>} : memref<1x4096x128xf32, #tpu.memory_space<vmem>>, vector<1x4096x128xf32>,
    return
  }
  func.func @transform_0(%arg0: i32, %arg1: i32) -> (i32, i32) {
    %add3A = arith.constant 1 : i32
    %add3A_0 = arith.addi %arg0, %add3A : i32
    %c0_i32 = arith.constant 0 : i32
    return %add3A_0, %arg1 : i32, i32
  }
  func.func @transform_1(%arg0: i32, %arg1: i32) -> (i32, i32, i32) {
    %c0_i32 = arith.constant 0 : i32
    %c0_i32_0 = arith.constant 0 : i32
    return %arg0, %arg1, %c0_i32 : i32, i32, i32
  }
}

module attributes {stable_mosaic.version = 14 : i64} {
  func.func @_red_body(%arg0: i32, %arg1: memref<16x256x128xf32, #tpu.memory_space<vmem>>, %arg2: memref<10x256x128xf32, #tpu.memory_space<vmem>>, %arg3: memref<26x1x128xf32, #tpu.memory_space<vmem>>, %arg4: memref<26x1x128xf32, #tpu.memory_space<vmem>>, %arg5: memref<1xf32, #tpu.memory_space<smem>>, %arg6: memref<256x8xf32, #tpu.memory_space<vmem>>) attributes {dimension_semantics = [#tpu.dimension_semantics<parallel>], iteration_bounds = array<i64: 8>, scalar_prefetch = 0 : i64, scratch_operands = 0 : i64, tpu.core_type = #tpu.core_type<tc>, window_params = [{transform_indices = @transform_0, window_bounds = array<i64: 16, 256, 128>}, {transform_indices = @transform_1, window_bounds = array<i64: 10, 256, 128>}, {pipeline_mode = #tpu.pipeline_mode<synchronous>, transform_indices = @transform_2, window_bounds = array<i64: 26, 1, 128>}, {pipeline_mode = #tpu.pipeline_mode<synchronous>, transform_indices = @transform_3, window_bounds = array<i64: 26, 1, 128>}, {transform_indices = @transform_4, window_bounds = array<i64: 1>}, {transform_indices = @transform_5, window_bounds = array<i64: 256, 8>}]} {
    %get3A = arith.constant 0 : index
    %get3A_0 = arith.constant 0 : index
    %get3A_1 = arith.constant 0 : index
    %get3A_2 = vector.load %arg1[%get3A, %get3A_0, %get3A_1] : memref<16x256x128xf32, #tpu.memory_space<vmem>>, vector<16x256x128xf32>
    %slice3A = vector.extract_strided_slice %get3A_2 {offsets = [0, 0, 0], sizes = [8, 256, 128], strides = [1, 1, 1]} : vector<16x256x128xf32> to vector<8x256x128xf32>
    %slice3A_3 = vector.extract_strided_slice %get3A_2 {offsets = [8, 0, 0], sizes = [8, 256, 128], strides = [1, 1, 1]} : vector<16x256x128xf32> to vector<8x256x128xf32>
    %roll3A = arith.constant 120 : i32
    %roll3A_4 = tpu.dynamic_rotate %slice3A_3 by %roll3A dim 2 : vector<8x256x128xf32>, i32 -> vector<8x256x128xf32>
    %concatenate3A = tpu.concatenate %slice3A, %roll3A_4 in 0 : vector<8x256x128xf32>, vector<8x256x128xf32> -> vector<16x256x128xf32>
    %bitcast_convert_type3A = tpu.bitcast %concatenate3A : vector<16x256x128xf32> -> vector<16x256x128xi32>
    %shift_left3A = arith.constant 16 : i32
    %shift_left3A_5 = vector.broadcast %shift_left3A : i32 to vector<16x256x128xi32>
    %shift_left3A_6 = arith.shli %bitcast_convert_type3A, %shift_left3A_5 : vector<16x256x128xi32>
    %bitcast_convert_type3A_7 = tpu.bitcast %shift_left3A_6 : vector<16x256x128xi32> -> vector<16x256x128xf32>
    %and3A = arith.constant -65536 : i32
    %and3A_8 = vector.broadcast %and3A : i32 to vector<16x256x128xi32>
    %and3A_9 = arith.andi %bitcast_convert_type3A, %and3A_8 : vector<16x256x128xi32>
    %bitcast_convert_type3A_10 = tpu.bitcast %and3A_9 : vector<16x256x128xi32> -> vector<16x256x128xf32>
    %get3A_11 = arith.constant 0 : index
    %get3A_12 = arith.constant 0 : index
    %get3A_13 = arith.constant 0 : index
    %get3A_14 = vector.load %arg2[%get3A_11, %get3A_12, %get3A_13] : memref<10x256x128xf32, #tpu.memory_space<vmem>>, vector<10x256x128xf32>
    %slice3A_15 = vector.extract_strided_slice %get3A_14 {offsets = [0, 0, 0], sizes = [5, 256, 128], strides = [1, 1, 1]} : vector<10x256x128xf32> to vector<5x256x128xf32>
    %slice3A_16 = vector.extract_strided_slice %get3A_14 {offsets = [5, 0, 0], sizes = [5, 256, 128], strides = [1, 1, 1]} : vector<10x256x128xf32> to vector<5x256x128xf32>
    %roll3A_17 = arith.constant 120 : i32
    %roll3A_18 = tpu.dynamic_rotate %slice3A_16 by %roll3A_17 dim 2 : vector<5x256x128xf32>, i32 -> vector<5x256x128xf32>
    %concatenate3A_19 = tpu.concatenate %slice3A_15, %roll3A_18 in 0 : vector<5x256x128xf32>, vector<5x256x128xf32> -> vector<10x256x128xf32>
    %bitcast_convert_type3A_20 = tpu.bitcast %concatenate3A_19 : vector<10x256x128xf32> -> vector<10x256x128xi32>
    %shift_left3A_21 = arith.constant 16 : i32
    %shift_left3A_22 = vector.broadcast %shift_left3A_21 : i32 to vector<10x256x128xi32>
    %shift_left3A_23 = arith.shli %bitcast_convert_type3A_20, %shift_left3A_22 : vector<10x256x128xi32>
    %bitcast_convert_type3A_24 = tpu.bitcast %shift_left3A_23 : vector<10x256x128xi32> -> vector<10x256x128xf32>
    %and3A_25 = arith.constant -65536 : i32
    %and3A_26 = vector.broadcast %and3A_25 : i32 to vector<10x256x128xi32>
    %and3A_27 = arith.andi %bitcast_convert_type3A_20, %and3A_26 : vector<10x256x128xi32>
    %bitcast_convert_type3A_28 = tpu.bitcast %and3A_27 : vector<10x256x128xi32> -> vector<10x256x128xf32>
    %concatenate3A_29 = tpu.concatenate %bitcast_convert_type3A_7, %bitcast_convert_type3A_24 in 0 : vector<16x256x128xf32>, vector<10x256x128xf32> -> vector<26x256x128xf32>
    %concatenate3A_30 = tpu.concatenate %bitcast_convert_type3A_10, %bitcast_convert_type3A_28 in 0 : vector<16x256x128xf32>, vector<10x256x128xf32> -> vector<26x256x128xf32>
    %reduce_sum3A = arith.constant dense<0.000000e+00> : vector<256x128xf32>
    %reduce_sum3A_31 = vector.multi_reduction <add>, %concatenate3A_29, %reduce_sum3A [0] : vector<26x256x128xf32> to vector<256x128xf32>
    %reduce_sum3A_32 = arith.constant dense<0.000000e+00> : vector<256x128xf32>
    %reduce_sum3A_33 = vector.multi_reduction <add>, %concatenate3A_30, %reduce_sum3A_32 [0] : vector<26x256x128xf32> to vector<256x128xf32>
    %mul3A = arith.mulf %concatenate3A_29, %concatenate3A_29 : vector<26x256x128xf32>
    %mul3A_34 = arith.mulf %concatenate3A_30, %concatenate3A_30 : vector<26x256x128xf32>
    %add3A = arith.addf %mul3A, %mul3A_34 : vector<26x256x128xf32>
    %reduce_sum3A_35 = arith.constant dense<0.000000e+00> : vector<256x128xf32>
    %reduce_sum3A_36 = vector.multi_reduction <add>, %add3A, %reduce_sum3A_35 [0] : vector<26x256x128xf32> to vector<256x128xf32>
    %get3A_37 = arith.constant 0 : index
    %get3A_38 = arith.constant 0 : index
    %get3A_39 = arith.constant 0 : index
    %get3A_40 = vector.load %arg3[%get3A_37, %get3A_38, %get3A_39] : memref<26x1x128xf32, #tpu.memory_space<vmem>>, vector<26x1x128xf32>
    %mul3A_41 = vector.broadcast %get3A_40 : vector<26x1x128xf32> to vector<26x256x128xf32>
    %mul3A_42 = arith.mulf %concatenate3A_29, %mul3A_41 : vector<26x256x128xf32>
    %get3A_43 = arith.constant 0 : index
    %get3A_44 = arith.constant 0 : index
    %get3A_45 = arith.constant 0 : index
    %get3A_46 = vector.load %arg4[%get3A_43, %get3A_44, %get3A_45] : memref<26x1x128xf32, #tpu.memory_space<vmem>>, vector<26x1x128xf32>
    %mul3A_47 = vector.broadcast %get3A_46 : vector<26x1x128xf32> to vector<26x256x128xf32>
    %mul3A_48 = arith.mulf %concatenate3A_30, %mul3A_47 : vector<26x256x128xf32>
    %add3A_49 = arith.addf %mul3A_42, %mul3A_48 : vector<26x256x128xf32>
    %reduce_sum3A_50 = arith.constant dense<0.000000e+00> : vector<256x128xf32>
    %reduce_sum3A_51 = vector.multi_reduction <add>, %add3A_49, %reduce_sum3A_50 [0] : vector<26x256x128xf32> to vector<256x128xf32>
    %mul3A_52 = arith.mulf %reduce_sum3A_31, %reduce_sum3A_31 : vector<256x128xf32>
    %mul3A_53 = arith.mulf %reduce_sum3A_33, %reduce_sum3A_33 : vector<256x128xf32>
    %add3A_54 = arith.addf %mul3A_52, %mul3A_53 : vector<256x128xf32>
    %sub3A = arith.subf %add3A_54, %reduce_sum3A_36 : vector<256x128xf32>
    %mul3A_55 = arith.constant 5.000000e-01 : f32
    %mul3A_56 = vector.broadcast %mul3A_55 : f32 to vector<256x128xf32>
    %mul3A_57 = arith.mulf %mul3A_56, %sub3A : vector<256x128xf32>
    %add3A_58 = arith.addf %reduce_sum3A_51, %mul3A_57 : vector<256x128xf32>
    %iota3A = tpu.iota {dimensions = array<i32: 1>} : vector<256x128xi32>
    %jit3A = arith.constant 16 : i32
    %eq3A = arith.constant 0 : i32
    %eq3A_59 = arith.cmpi eq, %jit3A, %eq3A : i32
    %jit3A_60 = arith.constant 1 : i32
    %select_n3A = arith.select %eq3A_59, %jit3A_60, %jit3A : i32
    %rem3A = vector.broadcast %select_n3A : i32 to vector<256x128xi32>
    %rem3A_61 = arith.remsi %iota3A, %rem3A : vector<256x128xi32>
    %ne3A = arith.constant 0 : i32
    %ne3A_62 = vector.broadcast %ne3A : i32 to vector<256x128xi32>
    %ne3A_63 = arith.cmpi ne, %rem3A_61, %ne3A_62 : vector<256x128xi32>
    %lt3A = arith.constant 0 : i32
    %lt3A_64 = vector.broadcast %lt3A : i32 to vector<256x128xi32>
    %lt3A_65 = arith.cmpi slt, %rem3A_61, %lt3A_64 : vector<256x128xi32>
    %lt3A_66 = arith.constant 0 : i32
    %lt3A_67 = arith.cmpi slt, %select_n3A, %lt3A_66 : i32
    %ne3A_68 = vector.broadcast %lt3A_67 : i1 to vector<256x128xi1>
    %ne3A_69 = vector.broadcast %ne3A_68 : vector<256x128xi1> to vector<256x128xi1>
    %ne3A_70 = arith.xori %lt3A_65, %ne3A_69 : vector<256x128xi1>
    %and3A_71 = arith.andi %ne3A_70, %ne3A_63 : vector<256x128xi1>
    %add3A_72 = vector.broadcast %select_n3A : i32 to vector<256x128xi32>
    %add3A_73 = arith.addi %rem3A_61, %add3A_72 : vector<256x128xi32>
    %select_n3A_74 = arith.select %and3A_71, %add3A_73, %rem3A_61 : vector<256x128xi1>, vector<256x128xi32>
    %lt3A_75 = arith.constant 8 : i32
    %lt3A_76 = vector.broadcast %lt3A_75 : i32 to vector<256x128xi32>
    %lt3A_77 = arith.cmpi slt, %select_n3A_74, %lt3A_76 : vector<256x128xi32>
    %jit3A_78 = arith.constant 0.000000e+00 : f32
    %broadcast_in_dim3A = vector.broadcast %jit3A_78 : f32 to vector<256x128xf32>
    %select_n3A_79 = arith.select %lt3A_77, %add3A_58, %broadcast_in_dim3A : vector<256x128xi1>, vector<256x128xf32>
    %iota3A_80 = tpu.iota {dimensions = array<i32: 0>} : vector<128x8xi32>
    %jit3A_81 = arith.constant 16 : i32
    %div3A = vector.broadcast %jit3A_81 : i32 to vector<128x8xi32>
    %div3A_82 = arith.divsi %iota3A_80, %div3A : vector<128x8xi32>
    %sign3A = arith.constant 0 : i32
    %sign3A_83 = vector.broadcast %sign3A : i32 to vector<128x8xi32>
    %sign3A_84 = arith.cmpi sgt, %iota3A_80, %sign3A_83 : vector<128x8xi32>
    %sign3A_85 = arith.extui %sign3A_84 : vector<128x8xi1> to vector<128x8xi32>
    %sign3A_86 = arith.constant 0 : i32
    %sign3A_87 = vector.broadcast %sign3A_86 : i32 to vector<128x8xi32>
    %sign3A_88 = arith.cmpi slt, %iota3A_80, %sign3A_87 : vector<128x8xi32>
    %sign3A_89 = arith.extui %sign3A_88 : vector<128x8xi1> to vector<128x8xi32>
    %sign3A_90 = arith.subi %sign3A_85, %sign3A_89 : vector<128x8xi32>
    %sign3A_91 = arith.constant 0 : i32
    %sign3A_92 = arith.cmpi sgt, %jit3A_81, %sign3A_91 : i32
    %sign3A_93 = arith.extui %sign3A_92 : i1 to i32
    %sign3A_94 = arith.constant 0 : i32
    %sign3A_95 = arith.cmpi slt, %jit3A_81, %sign3A_94 : i32
    %sign3A_96 = arith.extui %sign3A_95 : i1 to i32
    %sign3A_97 = arith.subi %sign3A_93, %sign3A_96 : i32
    %ne3A_98 = vector.broadcast %sign3A_97 : i32 to vector<128x8xi32>
    %ne3A_99 = arith.cmpi ne, %sign3A_90, %ne3A_98 : vector<128x8xi32>
    %rem3A_100 = vector.broadcast %jit3A_81 : i32 to vector<128x8xi32>
    %rem3A_101 = arith.remsi %iota3A_80, %rem3A_100 : vector<128x8xi32>
    %ne3A_102 = arith.constant 0 : i32
    %ne3A_103 = vector.broadcast %ne3A_102 : i32 to vector<128x8xi32>
    %ne3A_104 = arith.cmpi ne, %rem3A_101, %ne3A_103 : vector<128x8xi32>
    %and3A_105 = arith.andi %ne3A_99, %ne3A_104 : vector<128x8xi1>
    %sub3A_106 = arith.constant 1 : i32
    %sub3A_107 = vector.broadcast %sub3A_106 : i32 to vector<128x8xi32>
    %sub3A_108 = arith.subi %div3A_82, %sub3A_107 : vector<128x8xi32>
    %select_n3A_109 = arith.select %and3A_105, %sub3A_108, %div3A_82 : vector<128x8xi1>, vector<128x8xi32>
    %iota3A_110 = tpu.iota {dimensions = array<i32: 1>} : vector<128x8xi32>
    %eq3A_111 = arith.cmpi eq, %select_n3A_109, %iota3A_110 : vector<128x8xi32>
    %convert_element_type3A = arith.extui %eq3A_111 : vector<128x8xi1> to vector<128x8xi32>
    %convert_element_type3A_112 = arith.sitofp %convert_element_type3A : vector<128x8xi32> to vector<128x8xf32>
    %dot_general3A = arith.constant dense<0.000000e+00> : vector<256x8xf32>
    %dot_general3A_113 = tpu.matmul %select_n3A_79, %convert_element_type3A_112, %dot_general3A {dimension_numbers = #tpu.dot_dimension_numbers<[1], [0], [0], [1], [0, 0, 1, 1], [], []>, transpose_lhs_hint = false} : vector<256x128xf32>, vector<128x8xf32>, vector<256x8xf32> -> vector<256x8xf32>
    %get3A_114 = arith.constant 0 : index
    %get3A_115 = memref.load %arg5[%get3A_114] : memref<1xf32, #tpu.memory_space<smem>>
    %add3A_116 = vector.broadcast %get3A_115 : f32 to vector<256x8xf32>
    %add3A_117 = arith.addf %dot_general3A_113, %add3A_116 : vector<256x8xf32>
    %logistic3A = arith.negf %add3A_117 : vector<256x8xf32>
    %logistic3A_118 = math.exp %logistic3A : vector<256x8xf32>
    %logistic3A_119 = arith.constant 1.000000e+00 : f32
    %logistic3A_120 = vector.broadcast %logistic3A_119 : f32 to vector<256x8xf32>
    %logistic3A_121 = arith.addf %logistic3A_120, %logistic3A_118 : vector<256x8xf32>
    %logistic3A_122 = arith.divf %logistic3A_120, %logistic3A_121 : vector<256x8xf32>
    %swap3A = arith.constant 0 : index
    %swap3A_123 = arith.constant 0 : index
    %swap3A_124 = vector.load %arg6[%swap3A, %swap3A_123] : memref<256x8xf32, #tpu.memory_space<vmem>>, vector<256x8xf32>
    tpu.vector_store %arg6[%swap3A, %swap3A_123], %logistic3A_122 {strides = array<i32>} : memref<256x8xf32, #tpu.memory_space<vmem>>, vector<256x8xf32>,
    return
  }
  func.func @transform_0(%arg0: i32) -> (i32, i32, i32) {
    %c0_i32 = arith.constant 0 : i32
    %c0_i32_0 = arith.constant 0 : i32
    %c0_i32_1 = arith.constant 0 : i32
    return %c0_i32, %arg0, %c0_i32_0 : i32, i32, i32
  }
  func.func @transform_1(%arg0: i32) -> (i32, i32, i32) {
    %c0_i32 = arith.constant 0 : i32
    %c0_i32_0 = arith.constant 0 : i32
    %c0_i32_1 = arith.constant 0 : i32
    return %c0_i32, %arg0, %c0_i32_0 : i32, i32, i32
  }
  func.func @transform_2(%arg0: i32) -> (i32, i32, i32) {
    %c0_i32 = arith.constant 0 : i32
    %c0_i32_0 = arith.constant 0 : i32
    %c0_i32_1 = arith.constant 0 : i32
    %c0_i32_2 = arith.constant 0 : i32
    return %c0_i32, %c0_i32_0, %c0_i32_1 : i32, i32, i32
  }
  func.func @transform_3(%arg0: i32) -> (i32, i32, i32) {
    %c0_i32 = arith.constant 0 : i32
    %c0_i32_0 = arith.constant 0 : i32
    %c0_i32_1 = arith.constant 0 : i32
    %c0_i32_2 = arith.constant 0 : i32
    return %c0_i32, %c0_i32_0, %c0_i32_1 : i32, i32, i32
  }
  func.func @transform_4(%arg0: i32) -> i32 {
    %c0_i32 = arith.constant 0 : i32
    %c0_i32_0 = arith.constant 0 : i32
    return %c0_i32 : i32
  }
  func.func @transform_5(%arg0: i32) -> (i32, i32) {
    %c0_i32 = arith.constant 0 : i32
    %c0_i32_0 = arith.constant 0 : i32
    return %arg0, %c0_i32 : i32, i32
  }
}

</mosaic_0001>

<sc_bundles>
// kernel: kernel.10.cloned.1.call-start
scs
__scs_entry_jumppad:
0x0: {  	(pc) =	sbr.rel $0x88, $3  }
0x1: {  	(tag) =	ssettag $0x0;
	lr =	simm.s32 $0x1  }
0x2: {  	[smem:$0x3F9D] =	sst lr;
	_ =	strace $0xD0000000  }
0x3: {  	_ = 	snop  }
0x4: {  	_ = 	snop  }
0x5: {  	_ = 	snop  }
0x6: {  	_ = 	snop  }
0x7: {  	_ = 	snop  }
__scs_overlays_trampoline_lowered:
0x8: {  	[smem:$0x3FAC] =	sst s0  }
0x9: {  	[smem:$0x3FAD] =	sst s1  }
0xa: {  	[smem:$0x3FAE] =	sst s2  }
0xb: {  	[smem:$0x3FAF] =	sst s3  }
0xc: {  	[smem:$0x3FB0] =	sst s4  }
0xd: {  	[smem:$0x3FB1] =	sst s5  }
0xe: {  	[smem:$0x3FB2] =	sst s6  }
0xf: {  	[smem:$0x3FB3] =	sst s7  }
0x10: {  	[smem:$0x3FB4] =	sst s8  }
0x11: {  	[smem:$0x3FB5] =	sst s9;
	s0 =	simm.s32 @!p0 $0x0  }
0x12: {  	s1 =	sld [smem:$0x3F9B];
	s0 =	simm.s32 @p0 $0x1  }
0x13: {  	[smem:$0x3FB6] =	sst s0;
	s0 =	simm.s32 @!p1 $0x0  }
0x14: {  	s2 =	sld [smem:$0x3F9A];
	s0 =	simm.s32 @p1 $0x1  }
0x15: {  	[smem:$0x3FB7] =	sst s0;
	s0 =	simm.s32 @!p2 $0x0  }
0x16: {  	s3 =	sld [smem:$0x3FDB];
	s0 =	simm.s32 @p2 $0x1  }
0x17: {  	s4 =	simm.s32 $0x1BF5;
	[smem:$0x3FB9] =	sst s0  }
0x18: {  	s0 =	sld [smem:$0x3F9C];
	_ =	swait.ge [sflag:s4], $0x0  }
0x19: {  	s7 =	sld [smem:$0x3F9D]  }
0x1a: {  	s8 =	sadd.s32 $0xFFFFE003, lr  }
0x1b: {  	s9 =	sadd.s32 $0xFFFFFEF7, lr;
	s5 =	simm.s32 $0xFFFFFFFF;
	p2 =	slt.u32 s8, $0xFFFFF086  }
0x1c: {  	p1 =	slt.u32 s9, $0xF7A;
	s5 =	simm.s32 @!p2 $0x0  }
0x1d: {  	s5 =	simm.s32 @p1 $0x1;
	p0 =	seq.s32 s7, s2  }
0x1e: {  	s7 =	smul.u32 @!p0 $0xF7A, s2;
	p2 =	seq.s32 @!p0 s5, $0x0  }
0x1f: {  	s9 =	smul.u32 $0xF7A, s1;
	s8 =	simm.s32 @!p0 $0x1BF5;
	p2 =	por !p2, p0  }
0x20: {  	[sflag:s8] =	ssyncset.s32 @!p0 $0xFFFFF086;
	s6 =	sadd.s32 @!p0 s3, s7;
	s7 =	simm.s32 @!p0 $0x108  }
0x21: {  	s3 =	sadd.s32 s3, s9;
	s6 =	sadd.s32 @!p0 $0x88, s6;
	s7 =	simm.s32 @p2 $0x1082  }
0x22: {  	[simem:s7], [sflag:s8] =	dma.local @!p0 [hbm:s6], $0xF7A  }
0x23: {  	s9 =	sor.u32 $0xD0000000, s2;
	s6 =	simm.s32 $0x108;
	_ =	swait.ge @!p0 [sflag:s8], $0x0  }
0x24: {  	s3 =	sadd.s32 $0x88, s3;
	s6 =	simm.s32 @!p1 $0x1082;
	[sflag:s4] =	ssyncset.s32 $0xFFFFF086  }
0x25: {  	[simem:s6], [sflag:s4] =	dma.local [hbm:s3], $0xF7A  }
0x26: {  	[smem:$0x3F9D] =	sst s1;
	(tag) =	ssettag s2;
	_ =	strace s9  }
0x27: {  	s1 =	sld [smem:$0x3FAD]  }
0x28: {  	s2 =	sld [smem:$0x3FAE]  }
0x29: {  	s4 =	sld [smem:$0x3FB0]  }
0x2a: {  	p0 =	seq.s32 s5, $0x0;
	s5 =	sld [smem:$0x3FB1]  }
0x2b: {  	s6 =	sld [smem:$0x3FB2]  }
0x2c: {  	s7 =	sld [smem:$0x3FB3]  }
0x2d: {  	s3 =	simm.s32 $0x108;
	s8 =	sld [smem:$0x3FB4]  }
0x2e: {  	s3 =	simm.s32 @!p0 $0x1082;
	s9 =	sld [smem:$0x3FB5]  }
0x2f: {  	lr =	sadd.s32 s0, s3;
	s0 =	sld [smem:$0x3FAC]  }
0x30: {  	s3 =	sld [smem:$0x3FAF]  }
0x31: {  	[smem:$0x3FB8] =	sst s10  }
0x32: {  	s10 =	sld [smem:$0x3FB6];
	_ =	sdelay $0x3  }
0x33: {  	p0 =	seq.s32 s10, $0x1;
	s10 =	sld [smem:$0x3FB8];
	_ =	sdelay $0x3  }
0x34: {  	[smem:$0x3FB8] =	sst s10  }
0x35: {  	s10 =	sld [smem:$0x3FB7];
	_ =	sdelay $0x3  }
0x36: {  	p1 =	seq.s32 s10, $0x1;
	s10 =	sld [smem:$0x3FB8];
	_ =	sdelay $0x3  }
0x37: {  	[smem:$0x3FB8] =	sst s10  }
0x38: {  	s10 =	sld [smem:$0x3FB9]  }
0x39: {  	_ = 	snop;
	(pc) =	sbr.ind lr, $3  }
0x3a: {  	_ = 	snop  }
0x3b: {  	_ = 	snop  }
0x3c: {  	p2 =	seq.s32 s10, $0x1;
	s10 =	sld [smem:$0x3FB8]  }
0x3d: {  	_ =	shalt  }
0x3e: {  	_ =	shalt  }
0x3f: {  	_ =	shalt  }
0x40: {  	_ =	shalt  }
0x41: {  	_ =	shalt  }
0x42: {  	_ =	shalt  }
0x43: {  	_ =	shalt  }
0x44: {  	_ =	shalt  }
0x45: {  	_ =	shalt  }
0x46: {  	_ =	shalt  }
0x47: {  	_ =	shalt  }
0x48: {  	_ =	shalt  }
0x49: {  	_ =	shalt  }
0x4a: {  	_ =	shalt  }
0x4b: {  	_ =	shalt  }
0x4c: {  	_ =	shalt  }
0x4d: {  	_ =	shalt  }
0x4e: {  	_ =	shalt  }
0x4f: {  	_ =	shalt  }
0x50: {  	_ =	shalt  }
0x51: {  	_ =	shalt  }
0x52: {  	_ =	shalt  }
0x53: {  	_ =	shalt  }
0x54: {  	_ =	shalt  }
0x55: {  	_ =	shalt  }
0x56: {  	_ =	shalt  }
0x57: {  	_ =	shalt  }
0x58: {  	_ =	shalt  }
0x59: {  	_ =	shalt  }
0x5a: {  	_ =	shalt  }
0x5b: {  	_ =	shalt  }
0x5c: {  	_ =	shalt  }
0x5d: {  	_ =	shalt  }
0x5e: {  	_ =	shalt  }
0x5f: {  	_ =	shalt  }
0x60: {  	_ =	shalt  }
0x61: {  	_ =	shalt  }
0x62: {  	_ =	shalt  }
0x63: {  	_ =	shalt  }
0x64: {  	_ =	shalt  }
0x65: {  	_ =	shalt  }
0x66: {  	_ =	shalt  }
0x67: {  	_ =	shalt  }
0x68: {  	_ =	shalt  }
0x69: {  	_ =	shalt  }
0x6a: {  	_ =	shalt  }
0x6b: {  	_ =	shalt  }
0x6c: {  	_ =	shalt  }
0x6d: {  	_ =	shalt  }
0x6e: {  	_ =	shalt  }
0x6f: {  	_ =	shalt  }
0x70: {  	_ =	shalt  }
0x71: {  	_ =	shalt  }
0x72: {  	_ =	shalt  }
0x73: {  	_ =	shalt  }
0x74: {  	_ =	shalt  }
0x75: {  	_ =	shalt  }
0x76: {  	_ =	shalt  }
0x77: {  	_ =	shalt  }
0x78: {  	_ =	shalt  }
0x79: {  	_ =	shalt  }
0x7a: {  	_ =	shalt  }
0x7b: {  	_ =	shalt  }
0x7c: {  	_ =	shalt  }
0x7d: {  	_ =	shalt  }
0x7e: {  	_ =	shalt  }
0x7f: {  	_ =	shalt  }
0x80: {  	_ =	shalt  }
0x81: {  	_ =	shalt  }
0x82: {  	_ =	shalt  }
0x83: {  	_ =	shalt  }
0x84: {  	_ =	shalt  }
0x85: {  	_ =	shalt  }
0x86: {  	_ =	shalt  }
0x87: {  	_ =	shalt  }
.Lfunc_end0:
.L_simem_size_0:
called_computation.1_lowered:
.L_overlay_start_0:
0x88: {  	s2 =	sld [smem:$0x3FD9]  }
0x89: {  	s3 =	sld [smem:$0x3FFE];
	_ =	sdelay $0x1  }
0x8a: {  	s1 =	srdreg.scid  }
0x8b: {  	s0 =	sand.u32 $0x1, s1  }
0x8c: {  	s17 =	sshll.u32 s0, $0xA;
	s2 =	sadd.s32 s3, s2  }
0x8d: {  	s2 =	sadd.s32 s2, s17  }
0x8e: {  	[smem:$0x3FC4] =	sst s2  }
0x8f: {  	_ = 	snop  }
0x90: {  	(tm) =	ssettm $0x1  }
0x91: {  	s18 =	sld [smem:$0x3FFB];
	_ =	sdelay $0x3  }
0x92: {  	_ =	strace s18  }
0x93: {  	s2 =	sld [smem:$0x3FFC];
	_ =	sdelay $0x3  }
0x94: {  	_ =	strace s2  }
0x95: {  	s2 =	sld [smem:$0x3FFD];
	_ =	sdelay $0x3  }
0x96: {  	_ =	strace s2  }
0x97: {  	_ =	strace $0x8FFFFFFF  }
0x98: {  	s19 =	sld [smem:$0x3FDB];
	_ =	sdelay $0x1  }
0x99: {  	s20 =	simm.s32 $_scs_section_size  }
0x9a: {  	s4 =	simm.s32 $_size__tile_overlayer_lowered;
	s5 =	simm.s32 $_tile_overlayer_lowered  }
0x9b: {  	s6 =	simm.s32 $0x1BFF;
	s21 =	sshll.u32 s5, $0x1;
	s3 =	sadd.s32 s20, s19  }
0x9c: {  	s22 =	simm.s32 $0x0;
	s4 =	sshll.u32 s4, $0x1;
	s5 =	sadd.s32 s21, s3  }
0x9d: {  	[timem:s22], [sflag:s6] =	dma.local [hbm:s5], s4  }
0x9e: {  	_ =	swait.ge [sflag:s6], s4  }
0x9f: {  	s4 =	ssub.s32 $0x0, s4;
	[sflag:s6] =	ssyncset.done $0x0  }
0xa0: {  	[sflag:s6] =	ssyncadd.s32 s4;
	_ =	sdelay $0x1  }
0xa1: {  	s23 =	simm.s32 $0x1B8B  }
0xa2: {  	_ =	swait.ge [sflag:s23], $0x1  }
0xa3: {  	[sflag:s23] =	ssyncset.done $0x0  }
0xa4: {  	[sflag:s23] =	ssyncadd.s32 $0xFFFFFFFF  }
0xa5: {  	s4 =	sld [smem:$0x0]  }
0xa6: {  	s5 =	sand.u32 $0xFFFFFFFE, s1  }
0xa7: {  	p0 =	sne.s32 s1, s5  }
0xa8: {  	s5 =	sshll.u32 @p0 s5, $0xE  }
0xa9: {  	s5 =	sadd.s32 @p0 $0x11B8D, s5;
	s6 =	sshll.u32 @p0 s4, $0x11  }
0xaa: {  	s5 =	sor.u32 @p0 s6, s5  }
0xab: {  	[sflag:s5] =	ssyncadd.remote.s32 @p0 $0x1;
	_ =	sdelay $0x1  }
0xac: {  	s5 =	simm.s32 @p0 $0x1B8D  }
0xad: {  	_ =	swait.eq @p0 [sflag:s5], $0x1  }
0xae: {  	[sflag:s5] =	ssyncadd.s32 @p0 $0xFFFFFFFF  }
0xaf: {  	s6 =	sshll.u32 @!p0 s1, $0xE  }
0xb0: {  	s6 =	sor.u32 @!p0 $0x4000, s6;
	s5 =	simm.s32 @!p0 $0x1B8D  }
0xb1: {  	s4 =	sshll.u32 @!p0 s4, $0x11;
	s6 =	sadd.s32 @!p0 $0x11B8D, s6;
	_ =	swait.eq @!p0 [sflag:s5], $0x1  }
0xb2: {  	s4 =	sor.u32 @!p0 s4, s6;
	[sflag:s5] =	ssyncadd.s32 @!p0 $0xFFFFFFFF  }
0xb3: {  	s25 =	simm.s32 $0x1B8E;
	s24 =	sld [smem:$0x3FFE];
	[sflag:s4] =	ssyncadd.remote.s32 @!p0 $0x1  }
0xb4: {  	s26 =	simm.s32 $execute0_lowered;
	[smem:$0x3FD2] =	sst s25  }
0xb5: {  	s5 =	sshll.u32 s26, $0x1;
	_ =	strace $0x80000049;
	[dreg:$0x1] =	wrdreg $0xFFFFFFFF  }
0xb6: {  	s28 =	simm.s32 $_size_execute0_lowered;
	s3 =	sadd.s32 s3, s5;
	[dreg:$0x0] =	wrdreg $0x0  }
0xb7: {  	s5 =	sshll.u32 s28, $0x1;
	[dreg:$0x2] =	wrdreg s3  }
0xb8: {  	[dreg:$0x3] =	wrdreg s5  }
0xb9: {  	[dreg:$0x4] =	wrdreg $0xC0  }
0xba: {  	_ =	task [dreg:s22], $0x5FFFF  }
0xbb: {  	[dreg:$0x1] =	wrdreg $0xFFFFFFFF  }
0xbc: {  	[dreg:$0x0] =	wrdreg $0x60  }
0xbd: {  	[dreg:$0x2] =	wrdreg s24  }
0xbe: {  	[dreg:$0x3] =	wrdreg $0xA  }
0xbf: {  	_ =	task.clear_ibuf [dreg:s22], $0x4FFFF;
	_ =	strace $0x90000049  }
0xc0: {  	s29 =	simm.s32 $0xA;
	_ =	strace $0x8000004B  }
0xc1: {  	_ =	swait.ge [sflag:s29], $0x1  }
0xc2: {  	[sflag:s29] =	ssyncadd.s32 $0xFFFFFFFF  }
0xc3: {  	_ =	strace $0x9000004B  }
0xc4: {  	_ =	sfence  }
0xc5: {  	s30 =	sld [smem:$0x0];
	_ =	sdelay $0x2  }
0xc6: {  	s31 =	sshll.u32 s1, $0xD;
	s1 =	sshrl.u32 s1, $0x2  }
0xc7: {  	s4 =	sand.u32 $0x4000, s31;
	s1 =	sadd.s32 s1, s30  }
0xc8: {  	s0 =	sor.u32 s4, s0;
	s1 =	sshll.u32 s1, $0x11  }
0xc9: {  	s0 =	sor.u32 s1, s0  }
0xca: {  	s0 =	sadd.s32 $0x8F2B, s0  }
0xcb: {  	[sflag:s0] =	ssyncadd.remote.s32 $0x1  }
0xcc: {  	_ =	sfence.sel $0xFFFF  }
0xcd: {  	[dreg:$0x0] =	wrdreg $0xFFFFFFFF;
	(pc) =	sbr.abs _section_cstart, $3  }
0xce: {  	[dreg:$0x1] =	wrdreg $0xFFFFFFFF  }
0xcf: {  	_ =	task.clear_ibuf [dreg:s22], $0x2FFFF;
	_ =	strace $0x9FFFFFFF  }
0xd0: {  	(tm) =	ssettm $0x7FFFFFFF  }
0xd1: {  	_ =	shalt  }
tec
execute0_lowered:
.L_overlay_start_1:
0x0: {  	(tag) =	ssettag $0x1  }
0x1: {  	s2 =	stileid.u32  }
0x2: {  	s4 =	rddreg [dreg:$0x0];
	s13 =	sshll.u32 s2, $0x1;
	s2 =	simm.s32 $0x0  }
0x3: {  	s16 =	simm.s32 $0x1C00;
	[smem:$0x7FF] =	sst s2  }
0x4: {  	s17 =	simm.s32 $0x100;
	_ =	strace $0x8000004A;
	[dreg:$0x5] =	wrdreg s16  }
0x5: {  	s18 =	simm.s32 $0x2400;
	[dreg:$0x6] =	wrdreg s17  }
0x6: {  	s19 =	simm.s32 $0x180;
	[dreg:$0x7] =	wrdreg s18  }
0x7: {  	s20 =	simm.s32 $0x2C00;
	[dreg:$0x8] =	wrdreg s19  }
0x8: {  	s21 =	simm.s32 $0x200;
	[dreg:$0x9] =	wrdreg s20  }
0x9: {  	s22 =	simm.s32 $0x3400;
	[dreg:$0xa] =	wrdreg s21  }
0xa: {  	s23 =	simm.s32 $0x280;
	[dreg:$0xb] =	wrdreg s22  }
0xb: {  	s24 =	simm.s32 $0x3C00;
	[dreg:$0xc] =	wrdreg s23  }
0xc: {  	s25 =	simm.s32 $0x300;
	[dreg:$0xd] =	wrdreg s24  }
0xd: {  	s26 =	simm.s32 $0x4400;
	[dreg:$0xe] =	wrdreg s25  }
0xe: {  	s28 =	simm.s32 $0x380;
	[dreg:$0xf] =	wrdreg s26  }
0xf: {  	s29 =	simm.s32 $0x4C00;
	[dreg:$0x10] =	wrdreg s28  }
0x10: {  	s7 =	simm.s32 $0x5C00;
	[dreg:$0x11] =	wrdreg s29  }
0x11: {  	s8 =	simm.s32 $0x500;
	[dreg:$0x15] =	wrdreg s7  }
0x12: {  	s9 =	simm.s32 $0x6400;
	[dreg:$0x16] =	wrdreg s8  }
0x13: {  	s10 =	simm.s32 $0x580;
	[dreg:$0x17] =	wrdreg s9  }
0x14: {  	s0 =	srdreg.scid;
	s11 =	simm.s32 $0x6C00;
	[dreg:$0x18] =	wrdreg s10  }
0x15: {  	s12 =	simm.s32 $0x600;
	s1 =	sand.u32 $0x1, s0;
	[dreg:$0x19] =	wrdreg s11  }
0x16: {  	s0 =	sor.u32 s1, s13;
	s13 =	simm.s32 $0x7400;
	[dreg:$0x1a] =	wrdreg s12  }
0x17: {  	[dreg:$0x1b] =	wrdreg s13;
	s16 =	simm.s32 $0x700  }
0x18: {  	s17 =	simm.s32 $0x8400;
	[dreg:$0x1e] =	wrdreg s16  }
0x19: {  	s18 =	simm.s32 $0x780;
	[dreg:$0x1f] =	wrdreg s17  }
0x1a: {  	s19 =	simm.s32 $0x8C00;
	[smem:$0x7E2] =	sst s18  }
0x1b: {  	s20 =	simm.s32 $0x800;
	[smem:$0x7E1] =	sst s19  }
0x1c: {  	s21 =	simm.s32 $0x9400;
	[smem:$0x7E4] =	sst s20  }
0x1d: {  	s22 =	simm.s32 $0x880;
	[smem:$0x7E3] =	sst s21  }
0x1e: {  	s23 =	simm.s32 $0x9C00;
	[smem:$0x7E5] =	sst s22  }
0x1f: {  	s24 =	simm.s32 $0x900;
	[smem:$0x7E0] =	sst s23  }
0x20: {  	s25 =	simm.s32 $0xA400;
	[smem:$0x7E7] =	sst s24  }
0x21: {  	s26 =	simm.s32 $0x980;
	[smem:$0x7E6] =	sst s25  }
0x22: {  	s28 =	simm.s32 $0xAC00;
	[smem:$0x7E8] =	sst s26  }
0x23: {  	s29 =	simm.s32 $0xA00;
	[smem:$0x7E9] =	sst s28  }
0x24: {  	s7 =	simm.s32 $0xC400;
	[smem:$0x7F1] =	sst s29  }
0x25: {  	s8 =	simm.s32 $0xB80;
	[smem:$0x7ED] =	sst s7  }
0x26: {  	s9 =	simm.s32 $0xCC00;
	[smem:$0x7F6] =	sst s8  }
0x27: {  	s10 =	simm.s32 $0xC00;
	[smem:$0x7F5] =	sst s9  }
0x28: {  	s11 =	simm.s32 $0xD400;
	[smem:$0x7F7] =	sst s10  }
0x29: {  	s12 =	simm.s32 $0xC80;
	[smem:$0x7F4] =	sst s11  }
0x2a: {  	s13 =	simm.s32 $0xDC00;
	[smem:$0x7F8] =	sst s12  }
0x2b: {  	[smem:$0x7F2] =	sst s13;
	s16 =	simm.s32 $0xD80  }
0x2c: {  	s17 =	simm.s32 $0xEC00;
	[smem:$0x7FA] =	sst s16  }
0x2d: {  	s18 =	simm.s32 $0xE00;
	[smem:$0x7EB] =	sst s17  }
0x2e: {  	s3 =	smul.u32 $0x280, s0;
	s19 =	simm.s32 $0xF400;
	[smem:$0x7FB] =	sst s18  }
0x2f: {  	s5 =	smul.u32 $0x14000, s0;
	s20 =	simm.s32 $0xE80;
	[smem:$0x7EC] =	sst s19  }
0x30: {  	s0 =	smul.u32 $0x2800, s0;
	s21 =	simm.s32 $0xFC00;
	[smem:$0x7FC] =	sst s20  }
0x31: {  	s6 =	sadd.s32 $0x3AE000, s4;
	s23 =	simm.s32 $0xF00;
	[smem:$0x7EA] =	sst s21  }
0x32: {  	s3 =	sadd.s32 s3, s4;
	s0 =	sadd.s32 s6, s0;
	[smem:$0x7FD] =	sst s23  }
0x33: {  	s5 =	sshrl.u32 s5, $0x3;
	s3 =	sadd.s32 $0x3A9000, s3;
	[dreg:$0x3] =	wrdreg s0  }
0x34: {  	s14 =	sadd.s32 s6, s5;
	s5 =	simm.s32 $0x5400;
	[dreg:$0x2] =	wrdreg s3  }
0x35: {  	s6 =	simm.s32 $0x480;
	[dreg:$0x13] =	wrdreg s5  }
0x36: {  	s15 =	sadd.s32 $0x1400, s14;
	[dreg:$0x14] =	wrdreg s6  }
0x37: {  	s3 =	simm.s32 $0x400;
	[dreg:$0x4] =	wrdreg s15  }
0x38: {  	s14 =	simm.s32 $0x680;
	[dreg:$0x12] =	wrdreg s3  }
0x39: {  	s5 =	simm.s32 $0xBC00;
	[dreg:$0x1c] =	wrdreg s14  }
0x3a: {  	s6 =	simm.s32 $0xB00;
	[smem:$0x7F0] =	sst s5  }
0x3b: {  	[smem:$0x7EE] =	sst s6  }
0x3c: {  	s15 =	simm.s32 $0x7C00;
	s22 =	rddreg [dreg:$0x2]  }
0x3d: {  	s3 =	simm.s32 $0xA80;
	[dreg:$0x1d] =	wrdreg s15  }
0x3e: {  	s14 =	simm.s32 $0xD00;
	[smem:$0x7EF] =	sst s3  }
0x3f: {  	[smem:$0x7F9] =	sst s14;
	s15 =	simm.s32 $0xE400  }
0x40: {  	[tilespmem:s2], [sflag:$0x5] =	stream.linear.gather [hbm4b:s22+s2], $0x1400, $0x38;
	[tilespmem:$0x15400] =	vst v63  }
0x41: {  	s3 =	simm.s32 $0x5;
	[smem:$0x7F3] =	sst s15  }
0x42: {  	_ =	swait.ge [sflag:s3], $0x1400  }
0x43: {  	s0 =	rddreg [dreg:$0x13]  }
0x44: {  	s7 =	rddreg [dreg:$0xe]  }
0x45: {  	s8 =	sld [smem:$0x7E0]  }
0x46: {  	s9 =	rddreg [dreg:$0xf]  }
0x47: {  	s10 =	sld [smem:$0x7E1]  }
0x48: {  	s11 =	rddreg [dreg:$0xc]  }
0x49: {  	s12 =	rddreg [dreg:$0x1d]  }
0x4a: {  	s13 =	rddreg [dreg:$0xb]  }
0x4b: {  	s14 =	rddreg [dreg:$0x19]  }
0x4c: {  	s15 =	rddreg [dreg:$0x8]  }
0x4d: {  	s16 =	rddreg [dreg:$0x15]  }
0x4e: {  	s17 =	rddreg [dreg:$0x11]  }
0x4f: {  	s18 =	rddreg [dreg:$0xd]  }
0x50: {  	s19 =	rddreg [dreg:$0xa]  }
0x51: {  	s20 =	rddreg [dreg:$0x6]  }
0x52: {  	s21 =	rddreg [dreg:$0x9]  }
0x53: {  	s4 =	sadd.s32 $0x219000, s4;
	s22 =	rddreg [dreg:$0x5]  }
0x54: {  	s5 =	simm.s32 $0x80;
	[sflag:s3] =	ssyncset.done $0x0;
	s23 =	rddreg [dreg:$0x7]  }
0x55: {  	s6 =	simm.s32 $0x1400;
	s24 =	rddreg [dreg:$0x10];
	[sflag:s3] =	ssyncadd.s32 $0xFFFFEC00  }
0x56: {  	[tilespmem:s6], [sflag:$0x1] =	stream.indirect.gather [hbm4b:s4+s5], $0x10, s2, s5, $0xb8;
	[tilespmem:$0x15400] =	vst v63  }
0x57: {  	s25 =	rddreg [dreg:$0x12]  }
0x58: {  	[tilespmem:s22], [sflag:$0x1] =	stream.indirect.gather [hbm4b:s4+s5], $0x10, s5, s5, $0xb8;
	[tilespmem:$0x15400] =	vst v63  }
0x59: {  	s26 =	rddreg [dreg:$0x14]  }
0x5a: {  	[tilespmem:s23], [sflag:$0x1] =	stream.indirect.gather [hbm4b:s4+s5], $0x10, s20, s5, $0xb8;
	[tilespmem:$0x15400] =	vst v63  }
0x5b: {  	s28 =	rddreg [dreg:$0x16]  }
0x5c: {  	[tilespmem:s21], [sflag:$0x1] =	stream.indirect.gather [hbm4b:s4+s5], $0x10, s15, s5, $0xb8;
	[tilespmem:$0x15400] =	vst v63  }
0x5d: {  	s29 =	rddreg [dreg:$0x18]  }
0x5e: {  	[tilespmem:s13], [sflag:$0x1] =	stream.indirect.gather [hbm4b:s4+s5], $0x10, s19, s5, $0xb8;
	[tilespmem:$0x15400] =	vst v63  }
0x5f: {  	s21 =	rddreg [dreg:$0x17]  }
0x60: {  	[tilespmem:s18], [sflag:$0x1] =	stream.indirect.gather [hbm4b:s4+s5], $0x10, s11, s5, $0xb8;
	[tilespmem:$0x15400] =	vst v63  }
0x61: {  	s15 =	sld [smem:$0x7E7]  }
0x62: {  	[tilespmem:s9], [sflag:$0x1] =	stream.indirect.gather [hbm4b:s4+s5], $0x10, s7, s5, $0xb8;
	[tilespmem:$0x15400] =	vst v63  }
0x63: {  	s19 =	rddreg [dreg:$0x1a]  }
0x64: {  	[tilespmem:s17], [sflag:$0x1] =	stream.indirect.gather [hbm4b:s4+s5], $0x10, s24, s5, $0xb8;
	[tilespmem:$0x15400] =	vst v63  }
0x65: {  	s18 =	rddreg [dreg:$0x1b]  }
0x66: {  	[tilespmem:s0], [sflag:$0x1] =	stream.indirect.gather [hbm4b:s4+s5], $0x10, s25, s5, $0xb8;
	[tilespmem:$0x15400] =	vst v63  }
0x67: {  	s11 =	sld [smem:$0x7E4]  }
0x68: {  	[tilespmem:s16], [sflag:$0x1] =	stream.indirect.gather [hbm4b:s4+s5], $0x10, s26, s5, $0xb8;
	[tilespmem:$0x15400] =	vst v63  }
0x69: {  	s24 =	rddreg [dreg:$0x1c]  }
0x6a: {  	[tilespmem:s21], [sflag:$0x1] =	stream.indirect.gather [hbm4b:s4+s5], $0x10, s28, s5, $0xb8;
	[tilespmem:$0x15400] =	vst v63  }
0x6b: {  	s17 =	sld [smem:$0x7E9]  }
0x6c: {  	[tilespmem:s14], [sflag:$0x1] =	stream.indirect.gather [hbm4b:s4+s5], $0x10, s29, s5, $0xb8;
	[tilespmem:$0x15400] =	vst v63  }
0x6d: {  	s25 =	rddreg [dreg:$0x1f]  }
0x6e: {  	[tilespmem:s18], [sflag:$0x1] =	stream.indirect.gather [hbm4b:s4+s5], $0x10, s19, s5, $0xb8;
	[tilespmem:$0x15400] =	vst v63  }
0x6f: {  	s26 =	rddreg [dreg:$0x1e]  }
0x70: {  	[tilespmem:s12], [sflag:$0x1] =	stream.indirect.gather [hbm4b:s4+s5], $0x10, s24, s5, $0xb8;
	[tilespmem:$0x15400] =	vst v63  }
0x71: {  	s28 =	sld [smem:$0x7E2]  }
0x72: {  	[tilespmem:s25], [sflag:$0x1] =	stream.indirect.gather [hbm4b:s4+s5], $0x10, s26, s5, $0xb8;
	[tilespmem:$0x15400] =	vst v63  }
0x73: {  	s29 =	sld [smem:$0x7E3]  }
0x74: {  	[tilespmem:s10], [sflag:$0x1] =	stream.indirect.gather [hbm4b:s4+s5], $0x10, s28, s5, $0xb8;
	[tilespmem:$0x15400] =	vst v63  }
0x75: {  	s12 =	sld [smem:$0x7E5]  }
0x76: {  	[tilespmem:s29], [sflag:$0x1] =	stream.indirect.gather [hbm4b:s4+s5], $0x10, s11, s5, $0xb8;
	[tilespmem:$0x15400] =	vst v63  }
0x77: {  	s14 =	sld [smem:$0x7E6]  }
0x78: {  	[tilespmem:s8], [sflag:$0x1] =	stream.indirect.gather [hbm4b:s4+s5], $0x10, s12, s5, $0xb8;
	[tilespmem:$0x15400] =	vst v63  }
0x79: {  	s16 =	sld [smem:$0x7E8]  }
0x7a: {  	[tilespmem:s14], [sflag:$0x1] =	stream.indirect.gather [hbm4b:s4+s5], $0x10, s15, s5, $0xb8;
	[tilespmem:$0x15400] =	vst v63  }
0x7b: {  	s7 =	simm.s32 $0x1  }
0x7c: {  	[tilespmem:s17], [sflag:$0x1] =	stream.indirect.gather [hbm4b:s4+s5], $0x10, s16, s5, $0xb8;
	[tilespmem:$0x15400] =	vst v63  }
0x7d: {  	_ =	swait.ge [sflag:s7], $0x800  }
0x7e: {  	[sflag:s7] =	ssyncset.done $0x0  }
0x7f: {  	[sflag:s7] =	ssyncadd.s32 $0xFFFFF800  }
0x80: {  	_ =	swait.ge [sflag:s7], $0x800  }
0x81: {  	[sflag:s7] =	ssyncset.done $0x0  }
0x82: {  	[sflag:s7] =	ssyncadd.s32 $0xFFFFF800  }
0x83: {  	_ =	swait.ge [sflag:s7], $0x800  }
0x84: {  	[sflag:s7] =	ssyncset.done $0x0  }
0x85: {  	[sflag:s7] =	ssyncadd.s32 $0xFFFFF800  }
0x86: {  	_ =	swait.ge [sflag:s7], $0x800  }
0x87: {  	[sflag:s7] =	ssyncset.done $0x0  }
0x88: {  	[sflag:s7] =	ssyncadd.s32 $0xFFFFF800  }
0x89: {  	_ =	swait.ge [sflag:s7], $0x800  }
0x8a: {  	[sflag:s7] =	ssyncset.done $0x0  }
0x8b: {  	[sflag:s7] =	ssyncadd.s32 $0xFFFFF800  }
0x8c: {  	_ =	swait.ge [sflag:s7], $0x800  }
0x8d: {  	[sflag:s7] =	ssyncset.done $0x0  }
0x8e: {  	[sflag:s7] =	ssyncadd.s32 $0xFFFFF800  }
0x8f: {  	_ =	swait.ge [sflag:s7], $0x800  }
0x90: {  	[sflag:s7] =	ssyncset.done $0x0  }
0x91: {  	[sflag:s7] =	ssyncadd.s32 $0xFFFFF800  }
0x92: {  	_ =	swait.ge [sflag:s7], $0x800  }
0x93: {  	[sflag:s7] =	ssyncset.done $0x0  }
0x94: {  	[sflag:s7] =	ssyncadd.s32 $0xFFFFF800  }
0x95: {  	_ =	swait.ge [sflag:s7], $0x800  }
0x96: {  	[sflag:s7] =	ssyncset.done $0x0  }
0x97: {  	[sflag:s7] =	ssyncadd.s32 $0xFFFFF800  }
0x98: {  	_ =	swait.ge [sflag:s7], $0x800  }
0x99: {  	[sflag:s7] =	ssyncset.done $0x0  }
0x9a: {  	[sflag:s7] =	ssyncadd.s32 $0xFFFFF800  }
0x9b: {  	_ =	swait.ge [sflag:s7], $0x800  }
0x9c: {  	[sflag:s7] =	ssyncset.done $0x0  }
0x9d: {  	[sflag:s7] =	ssyncadd.s32 $0xFFFFF800  }
0x9e: {  	_ =	swait.ge [sflag:s7], $0x800  }
0x9f: {  	[sflag:s7] =	ssyncset.done $0x0  }
0xa0: {  	[sflag:s7] =	ssyncadd.s32 $0xFFFFF800  }
0xa1: {  	_ =	swait.ge [sflag:s7], $0x800  }
0xa2: {  	[sflag:s7] =	ssyncset.done $0x0  }
0xa3: {  	[sflag:s7] =	ssyncadd.s32 $0xFFFFF800  }
0xa4: {  	_ =	swait.ge [sflag:s7], $0x800  }
0xa5: {  	[sflag:s7] =	ssyncset.done $0x0  }
0xa6: {  	[sflag:s7] =	ssyncadd.s32 $0xFFFFF800  }
0xa7: {  	_ =	swait.ge [sflag:s7], $0x800  }
0xa8: {  	[sflag:s7] =	ssyncset.done $0x0  }
0xa9: {  	[sflag:s7] =	ssyncadd.s32 $0xFFFFF800  }
0xaa: {  	_ =	swait.ge [sflag:s7], $0x800  }
0xab: {  	[sflag:s7] =	ssyncset.done $0x0  }
0xac: {  	[sflag:s7] =	ssyncadd.s32 $0xFFFFF800  }
0xad: {  	_ =	swait.ge [sflag:s7], $0x800  }
0xae: {  	[sflag:s7] =	ssyncset.done $0x0  }
0xaf: {  	[sflag:s7] =	ssyncadd.s32 $0xFFFFF800  }
0xb0: {  	_ =	swait.ge [sflag:s7], $0x800  }
0xb1: {  	[sflag:s7] =	ssyncset.done $0x0  }
0xb2: {  	[sflag:s7] =	ssyncadd.s32 $0xFFFFF800  }
0xb3: {  	_ =	swait.ge [sflag:s7], $0x800  }
0xb4: {  	[sflag:s7] =	ssyncset.done $0x0  }
0xb5: {  	[sflag:s7] =	ssyncadd.s32 $0xFFFFF800  }
0xb6: {  	_ =	swait.ge [sflag:s7], $0x800  }
0xb7: {  	s0 =	sld [smem:$0x7EA]  }
0xb8: {  	s9 =	sld [smem:$0x7EB]  }
0xb9: {  	s10 =	sld [smem:$0x7EC]  }
0xba: {  	s18 =	sld [smem:$0x7ED]  }
0xbb: {  	s22 =	sld [smem:$0x7EE]  }
0xbc: {  	s23 =	sld [smem:$0x7EF]  }
0xbd: {  	s24 =	sld [smem:$0x7F0]  }
0xbe: {  	s25 =	sld [smem:$0x7F1]  }
0xbf: {  	s26 =	rddreg [dreg:$0x3]  }
0xc0: {  	[sflag:s7] =	ssyncset.done $0x0;
	s28 =	sld [smem:$0x7F2]  }
0xc1: {  	s29 =	sld [smem:$0x7F3];
	[sflag:s7] =	ssyncadd.s32 $0xFFFFF800  }
0xc2: {  	[hbm4b:s26+s2] =	stream.linear.scatter [tilespmem:s6], [sflag:$0x3], $0xA000, $0x38;
	[tilespmem:$0x15400] =	vst v63  }
0xc3: {  	s8 =	simm.s32 $0xB400;
	s19 =	sld [smem:$0x7F4]  }
0xc4: {  	[tilespmem:s8], [sflag:$0x2] =	stream.indirect.gather [hbm4b:s4+s5], $0x10, s25, s5, $0xb8;
	[tilespmem:$0x15400] =	vst v63  }
0xc5: {  	s20 =	sld [smem:$0x7F5]  }
0xc6: {  	[tilespmem:s24], [sflag:$0x2] =	stream.indirect.gather [hbm4b:s4+s5], $0x10, s23, s5, $0xb8;
	[tilespmem:$0x15400] =	vst v63  }
0xc7: {  	s21 =	sld [smem:$0x7F6]  }
0xc8: {  	[tilespmem:s18], [sflag:$0x2] =	stream.indirect.gather [hbm4b:s4+s5], $0x10, s22, s5, $0xb8;
	[tilespmem:$0x15400] =	vst v63  }
0xc9: {  	s22 =	sld [smem:$0x7F7]  }
0xca: {  	[tilespmem:s20], [sflag:$0x2] =	stream.indirect.gather [hbm4b:s4+s5], $0x10, s21, s5, $0xb8;
	[tilespmem:$0x15400] =	vst v63  }
0xcb: {  	s23 =	sld [smem:$0x7F8]  }
0xcc: {  	[tilespmem:s19], [sflag:$0x2] =	stream.indirect.gather [hbm4b:s4+s5], $0x10, s22, s5, $0xb8;
	[tilespmem:$0x15400] =	vst v63  }
0xcd: {  	s24 =	sld [smem:$0x7F9]  }
0xce: {  	[tilespmem:s28], [sflag:$0x2] =	stream.indirect.gather [hbm4b:s4+s5], $0x10, s23, s5, $0xb8;
	[tilespmem:$0x15400] =	vst v63  }
0xcf: {  	s25 =	sld [smem:$0x7FA]  }
0xd0: {  	[tilespmem:s29], [sflag:$0x2] =	stream.indirect.gather [hbm4b:s4+s5], $0x10, s24, s5, $0xb8;
	[tilespmem:$0x15400] =	vst v63  }
0xd1: {  	s26 =	sld [smem:$0x7FB]  }
0xd2: {  	[tilespmem:s9], [sflag:$0x2] =	stream.indirect.gather [hbm4b:s4+s5], $0x10, s25, s5, $0xb8;
	[tilespmem:$0x15400] =	vst v63  }
0xd3: {  	s28 =	sld [smem:$0x7FC]  }
0xd4: {  	[tilespmem:s10], [sflag:$0x2] =	stream.indirect.gather [hbm4b:s4+s5], $0x10, s26, s5, $0xb8;
	[tilespmem:$0x15400] =	vst v63  }
0xd5: {  	s29 =	sld [smem:$0x7FD]  }
0xd6: {  	[tilespmem:s0], [sflag:$0x2] =	stream.indirect.gather [hbm4b:s4+s5], $0x10, s28, s5, $0xb8;
	[tilespmem:$0x15400] =	vst v63  }
0xd7: {  	s9 =	simm.s32 $0x10400  }
0xd8: {  	[tilespmem:s9], [sflag:$0x2] =	stream.indirect.gather [hbm4b:s4+s5], $0x10, s29, s5, $0xb8;
	[tilespmem:$0x15400] =	vst v63  }
0xd9: {  	s11 =	simm.s32 $0x10C00;
	s10 =	simm.s32 $0xF80  }
0xda: {  	[tilespmem:s11], [sflag:$0x2] =	stream.indirect.gather [hbm4b:s4+s5], $0x10, s10, s5, $0xb8;
	[tilespmem:$0x15400] =	vst v63  }
0xdb: {  	s13 =	simm.s32 $0x11400;
	s12 =	simm.s32 $0x1000  }
0xdc: {  	[tilespmem:s13], [sflag:$0x2] =	stream.indirect.gather [hbm4b:s4+s5], $0x10, s12, s5, $0xb8;
	[tilespmem:$0x15400] =	vst v63  }
0xdd: {  	s14 =	simm.s32 $0x1080;
	s15 =	simm.s32 $0x11C00  }
0xde: {  	[tilespmem:s15], [sflag:$0x2] =	stream.indirect.gather [hbm4b:s4+s5], $0x10, s14, s5, $0xb8;
	[tilespmem:$0x15400] =	vst v63  }
0xdf: {  	s16 =	simm.s32 $0x1100;
	s17 =	simm.s32 $0x12400  }
0xe0: {  	[tilespmem:s17], [sflag:$0x2] =	stream.indirect.gather [hbm4b:s4+s5], $0x10, s16, s5, $0xb8;
	[tilespmem:$0x15400] =	vst v63  }
0xe1: {  	s18 =	simm.s32 $0x1180;
	s19 =	simm.s32 $0x12C00  }
0xe2: {  	[tilespmem:s19], [sflag:$0x2] =	stream.indirect.gather [hbm4b:s4+s5], $0x10, s18, s5, $0xb8;
	[tilespmem:$0x15400] =	vst v63  }
0xe3: {  	s20 =	simm.s32 $0x1200;
	s21 =	simm.s32 $0x13400  }
0xe4: {  	[tilespmem:s21], [sflag:$0x2] =	stream.indirect.gather [hbm4b:s4+s5], $0x10, s20, s5, $0xb8;
	[tilespmem:$0x15400] =	vst v63  }
0xe5: {  	s22 =	simm.s32 $0x1280;
	s23 =	simm.s32 $0x13C00  }
0xe6: {  	[tilespmem:s23], [sflag:$0x2] =	stream.indirect.gather [hbm4b:s4+s5], $0x10, s22, s5, $0xb8;
	[tilespmem:$0x15400] =	vst v63  }
0xe7: {  	s24 =	simm.s32 $0x1300;
	s25 =	simm.s32 $0x14400  }
0xe8: {  	[tilespmem:s25], [sflag:$0x2] =	stream.indirect.gather [hbm4b:s4+s5], $0x10, s24, s5, $0xb8;
	[tilespmem:$0x15400] =	vst v63  }
0xe9: {  	s26 =	simm.s32 $0x1380;
	s28 =	simm.s32 $0x14C00;
	s14 =	simm.s32 $0x2  }
0xea: {  	[tilespmem:s28], [sflag:$0x2] =	stream.indirect.gather [hbm4b:s4+s5], $0x10, s26, s5, $0xb8;
	[tilespmem:$0x15400] =	vst v63  }
0xeb: {  	_ =	swait.ge [sflag:s14], $0x800  }
0xec: {  	[sflag:s14] =	ssyncset.done $0x0  }
0xed: {  	[sflag:s14] =	ssyncadd.s32 $0xFFFFF800  }
0xee: {  	_ =	swait.ge [sflag:s14], $0x800  }
0xef: {  	[sflag:s14] =	ssyncset.done $0x0  }
0xf0: {  	[sflag:s14] =	ssyncadd.s32 $0xFFFFF800  }
0xf1: {  	_ =	swait.ge [sflag:s14], $0x800  }
0xf2: {  	[sflag:s14] =	ssyncset.done $0x0  }
0xf3: {  	[sflag:s14] =	ssyncadd.s32 $0xFFFFF800  }
0xf4: {  	_ =	swait.ge [sflag:s14], $0x800  }
0xf5: {  	[sflag:s14] =	ssyncset.done $0x0  }
0xf6: {  	[sflag:s14] =	ssyncadd.s32 $0xFFFFF800  }
0xf7: {  	_ =	swait.ge [sflag:s14], $0x800  }
0xf8: {  	[sflag:s14] =	ssyncset.done $0x0  }
0xf9: {  	[sflag:s14] =	ssyncadd.s32 $0xFFFFF800  }
0xfa: {  	_ =	swait.ge [sflag:s14], $0x800  }
0xfb: {  	[sflag:s14] =	ssyncset.done $0x0  }
0xfc: {  	[sflag:s14] =	ssyncadd.s32 $0xFFFFF800  }
0xfd: {  	_ =	swait.ge [sflag:s14], $0x800  }
0xfe: {  	[sflag:s14] =	ssyncset.done $0x0  }
0xff: {  	[sflag:s14] =	ssyncadd.s32 $0xFFFFF800  }
0x100: {  	_ =	swait.ge [sflag:s14], $0x800  }
0x101: {  	[sflag:s14] =	ssyncset.done $0x0  }
0x102: {  	[sflag:s14] =	ssyncadd.s32 $0xFFFFF800  }
0x103: {  	_ =	swait.ge [sflag:s14], $0x800  }
0x104: {  	[sflag:s14] =	ssyncset.done $0x0  }
0x105: {  	[sflag:s14] =	ssyncadd.s32 $0xFFFFF800  }
0x106: {  	_ =	swait.ge [sflag:s14], $0x800  }
0x107: {  	[sflag:s14] =	ssyncset.done $0x0  }
0x108: {  	[sflag:s14] =	ssyncadd.s32 $0xFFFFF800  }
0x109: {  	s29 =	ssub.s32 $0x2, s1;
	_ =	swait.ge [sflag:s14], $0x800  }
0x10a: {  	s1 =	sshrl.u32 s29, $0x1;
	[sflag:s14] =	ssyncset.done $0x0  }
0x10b: {  	s0 =	ssub.s32 s29, s1;
	[sflag:s14] =	ssyncadd.s32 $0xFFFFF800  }
0x10c: {  	s0 =	smax.u32 s0, $0x1;
	_ =	swait.ge [sflag:s14], $0x800  }
0x10d: {  	p0 =	sne.s32 s0, $0x1;
	[sflag:s14] =	ssyncset.done $0x0  }
.Ltmp0:
0x10e: {  	[sflag:s14] =	ssyncadd.s32 $0xFFFFF800;
	(pc) =	sbr.rel @!p0 .LBB2_2-.Ltmp0, $4  }
0x10f: {  	_ =	swait.ge [sflag:s14], $0x800  }
0x110: {  	[sflag:s14] =	ssyncset.done $0x0  }
0x111: {  	s31 =	simm.s32 $0x3;
	[sflag:s14] =	ssyncadd.s32 $0xFFFFF800  }
0x112: {  	s30 =	simm.s32 $0x4;
	s1 =	sadd.s32 $0xFFFFFFFF, s0;
	_ =	swait.ge [sflag:s14], $0x800  }
.LBB2_1:
0x113: {  	[sflag:s14] =	ssyncset.done $0x0  }
0x114: {  	[sflag:s14] =	ssyncadd.s32 $0xFFFFF800  }
0x115: {  	_ =	swait.ge [sflag:s14], $0x800  }
0x116: {  	[sflag:s14] =	ssyncset.done $0x0  }
0x117: {  	[sflag:s14] =	ssyncadd.s32 $0xFFFFF800  }
0x118: {  	_ =	swait.ge [sflag:s14], $0x800  }
0x119: {  	[sflag:s14] =	ssyncset.done $0x0  }
0x11a: {  	[sflag:s14] =	ssyncadd.s32 $0xFFFFF800  }
0x11b: {  	_ =	swait.ge [sflag:s14], $0x800  }
0x11c: {  	[sflag:s14] =	ssyncset.done $0x0  }
0x11d: {  	[sflag:s14] =	ssyncadd.s32 $0xFFFFF800  }
0x11e: {  	_ =	swait.ge [sflag:s14], $0x800  }
0x11f: {  	[sflag:s14] =	ssyncset.done $0x0  }
0x120: {  	[sflag:s14] =	ssyncadd.s32 $0xFFFFF800  }
0x121: {  	_ =	swait.ge [sflag:s14], $0x800  }
0x122: {  	[sflag:s14] =	ssyncset.done $0x0  }
0x123: {  	[sflag:s14] =	ssyncadd.s32 $0xFFFFF800  }
0x124: {  	_ =	swait.ge [sflag:s14], $0x800  }
0x125: {  	[sflag:s14] =	ssyncset.done $0x0  }
0x126: {  	s0 =	rddreg [dreg:$0x4];
	[sflag:s14] =	ssyncadd.s32 $0xFFFFF800  }
0x127: {  	[hbm4b:s0+s2] =	stream.linear.scatter [tilespmem:s8], [sflag:$0x4], $0xA000, $0x38;
	[tilespmem:$0x15400] =	vst v63  }
0x128: {  	_ =	swait.ge [sflag:s31], $0xA000  }
0x129: {  	[sflag:s31] =	ssyncset.done $0x0  }
0x12a: {  	[sflag:s31] =	ssyncadd.s32 $0xFFFF6000  }
0x12b: {  	_ =	swait.ge [sflag:s30], $0xA000  }
0x12c: {  	[sflag:s30] =	ssyncset.done $0x0  }
0x12d: {  	s25 =	rddreg [dreg:$0x2];
	[sflag:s30] =	ssyncadd.s32 $0xFFFF6000  }
0x12e: {  	[tilespmem:s2], [sflag:$0x5] =	stream.linear.gather [hbm4b:s25+s2], $0x1400, $0x38;
	[tilespmem:$0x15400] =	vst v63  }
0x12f: {  	_ =	swait.ge [sflag:s3], $0x1400  }
0x130: {  	s11 =	rddreg [dreg:$0x13]  }
0x131: {  	s13 =	rddreg [dreg:$0xe]  }
0x132: {  	s0 =	sld [smem:$0x7E0]  }
0x133: {  	s15 =	rddreg [dreg:$0xf]  }
0x134: {  	s9 =	sld [smem:$0x7E1]  }
0x135: {  	s16 =	rddreg [dreg:$0xc]  }
0x136: {  	s10 =	rddreg [dreg:$0x1d]  }
0x137: {  	s17 =	rddreg [dreg:$0xb]  }
0x138: {  	s12 =	rddreg [dreg:$0x19]  }
0x139: {  	s18 =	rddreg [dreg:$0x8]  }
0x13a: {  	s19 =	rddreg [dreg:$0x15]  }
0x13b: {  	s20 =	rddreg [dreg:$0x11]  }
0x13c: {  	s21 =	rddreg [dreg:$0xd]  }
0x13d: {  	s22 =	rddreg [dreg:$0xa]  }
0x13e: {  	s23 =	rddreg [dreg:$0x6]  }
0x13f: {  	s24 =	rddreg [dreg:$0x9]  }
0x140: {  	s25 =	rddreg [dreg:$0x5]  }
0x141: {  	[sflag:s3] =	ssyncset.done $0x0;
	s26 =	rddreg [dreg:$0x7]  }
0x142: {  	s28 =	rddreg [dreg:$0x10];
	[sflag:s3] =	ssyncadd.s32 $0xFFFFEC00  }
0x143: {  	[tilespmem:s6], [sflag:$0x1] =	stream.indirect.gather [hbm4b:s4+s5], $0x10, s2, s5, $0xb8;
	[tilespmem:$0x15400] =	vst v63  }
0x144: {  	s29 =	rddreg [dreg:$0x12]  }
0x145: {  	[tilespmem:s25], [sflag:$0x1] =	stream.indirect.gather [hbm4b:s4+s5], $0x10, s5, s5, $0xb8;
	[tilespmem:$0x15400] =	vst v63  }
0x146: {  	s25 =	rddreg [dreg:$0x14]  }
0x147: {  	[tilespmem:s26], [sflag:$0x1] =	stream.indirect.gather [hbm4b:s4+s5], $0x10, s23, s5, $0xb8;
	[tilespmem:$0x15400] =	vst v63  }
0x148: {  	s23 =	rddreg [dreg:$0x17]  }
0x149: {  	[tilespmem:s24], [sflag:$0x1] =	stream.indirect.gather [hbm4b:s4+s5], $0x10, s18, s5, $0xb8;
	[tilespmem:$0x15400] =	vst v63  }
0x14a: {  	s26 =	rddreg [dreg:$0x18]  }
0x14b: {  	[tilespmem:s17], [sflag:$0x1] =	stream.indirect.gather [hbm4b:s4+s5], $0x10, s22, s5, $0xb8;
	[tilespmem:$0x15400] =	vst v63  }
0x14c: {  	s18 =	rddreg [dreg:$0x16]  }
0x14d: {  	[tilespmem:s21], [sflag:$0x1] =	stream.indirect.gather [hbm4b:s4+s5], $0x10, s16, s5, $0xb8;
	[tilespmem:$0x15400] =	vst v63  }
0x14e: {  	s24 =	rddreg [dreg:$0x1e]  }
0x14f: {  	[tilespmem:s15], [sflag:$0x1] =	stream.indirect.gather [hbm4b:s4+s5], $0x10, s13, s5, $0xb8;
	[tilespmem:$0x15400] =	vst v63  }
0x150: {  	s22 =	rddreg [dreg:$0x1f]  }
0x151: {  	[tilespmem:s20], [sflag:$0x1] =	stream.indirect.gather [hbm4b:s4+s5], $0x10, s28, s5, $0xb8;
	[tilespmem:$0x15400] =	vst v63  }
0x152: {  	s17 =	sld [smem:$0x7E8]  }
0x153: {  	[tilespmem:s11], [sflag:$0x1] =	stream.indirect.gather [hbm4b:s4+s5], $0x10, s29, s5, $0xb8;
	[tilespmem:$0x15400] =	vst v63  }
0x154: {  	s16 =	rddreg [dreg:$0x1b]  }
0x155: {  	[tilespmem:s19], [sflag:$0x1] =	stream.indirect.gather [hbm4b:s4+s5], $0x10, s25, s5, $0xb8;
	[tilespmem:$0x15400] =	vst v63  }
0x156: {  	s21 =	rddreg [dreg:$0x1c]  }
0x157: {  	[tilespmem:s23], [sflag:$0x1] =	stream.indirect.gather [hbm4b:s4+s5], $0x10, s18, s5, $0xb8;
	[tilespmem:$0x15400] =	vst v63  }
0x158: {  	s15 =	rddreg [dreg:$0x1a]  }
0x159: {  	[tilespmem:s12], [sflag:$0x1] =	stream.indirect.gather [hbm4b:s4+s5], $0x10, s26, s5, $0xb8;
	[tilespmem:$0x15400] =	vst v63  }
0x15a: {  	s28 =	sld [smem:$0x7E4]  }
0x15b: {  	[tilespmem:s16], [sflag:$0x1] =	stream.indirect.gather [hbm4b:s4+s5], $0x10, s15, s5, $0xb8;
	[tilespmem:$0x15400] =	vst v63  }
0x15c: {  	s29 =	sld [smem:$0x7E5]  }
0x15d: {  	[tilespmem:s10], [sflag:$0x1] =	stream.indirect.gather [hbm4b:s4+s5], $0x10, s21, s5, $0xb8;
	[tilespmem:$0x15400] =	vst v63  }
0x15e: {  	s25 =	sld [smem:$0x7E2]  }
0x15f: {  	[tilespmem:s22], [sflag:$0x1] =	stream.indirect.gather [hbm4b:s4+s5], $0x10, s24, s5, $0xb8;
	[tilespmem:$0x15400] =	vst v63  }
0x160: {  	s26 =	sld [smem:$0x7E3]  }
0x161: {  	[tilespmem:s9], [sflag:$0x1] =	stream.indirect.gather [hbm4b:s4+s5], $0x10, s25, s5, $0xb8;
	[tilespmem:$0x15400] =	vst v63  }
0x162: {  	s15 =	sld [smem:$0x7E6]  }
0x163: {  	[tilespmem:s26], [sflag:$0x1] =	stream.indirect.gather [hbm4b:s4+s5], $0x10, s28, s5, $0xb8;
	[tilespmem:$0x15400] =	vst v63  }
0x164: {  	s16 =	sld [smem:$0x7E7]  }
0x165: {  	[tilespmem:s0], [sflag:$0x1] =	stream.indirect.gather [hbm4b:s4+s5], $0x10, s29, s5, $0xb8;
	[tilespmem:$0x15400] =	vst v63  }
0x166: {  	s18 =	sld [smem:$0x7E9]  }
0x167: {  	[tilespmem:s15], [sflag:$0x1] =	stream.indirect.gather [hbm4b:s4+s5], $0x10, s16, s5, $0xb8;
	[tilespmem:$0x15400] =	vst v63  }
0x168: {  	_ = 	snop  }
0x169: {  	[tilespmem:s18], [sflag:$0x1] =	stream.indirect.gather [hbm4b:s4+s5], $0x10, s17, s5, $0xb8;
	[tilespmem:$0x15400] =	vst v63  }
0x16a: {  	_ =	swait.ge [sflag:s7], $0x800  }
0x16b: {  	[sflag:s7] =	ssyncset.done $0x0  }
0x16c: {  	[sflag:s7] =	ssyncadd.s32 $0xFFFFF800  }
0x16d: {  	_ =	swait.ge [sflag:s7], $0x800  }
0x16e: {  	[sflag:s7] =	ssyncset.done $0x0  }
0x16f: {  	[sflag:s7] =	ssyncadd.s32 $0xFFFFF800  }
0x170: {  	_ =	swait.ge [sflag:s7], $0x800  }
0x171: {  	[sflag:s7] =	ssyncset.done $0x0  }
0x172: {  	[sflag:s7] =	ssyncadd.s32 $0xFFFFF800  }
0x173: {  	_ =	swait.ge [sflag:s7], $0x800  }
0x174: {  	[sflag:s7] =	ssyncset.done $0x0  }
0x175: {  	[sflag:s7] =	ssyncadd.s32 $0xFFFFF800  }
0x176: {  	_ =	swait.ge [sflag:s7], $0x800  }
0x177: {  	[sflag:s7] =	ssyncset.done $0x0  }
0x178: {  	[sflag:s7] =	ssyncadd.s32 $0xFFFFF800  }
0x179: {  	_ =	swait.ge [sflag:s7], $0x800  }
0x17a: {  	[sflag:s7] =	ssyncset.done $0x0  }
0x17b: {  	[sflag:s7] =	ssyncadd.s32 $0xFFFFF800  }
0x17c: {  	_ =	swait.ge [sflag:s7], $0x800  }
0x17d: {  	[sflag:s7] =	ssyncset.done $0x0  }
0x17e: {  	[sflag:s7] =	ssyncadd.s32 $0xFFFFF800  }
0x17f: {  	_ =	swait.ge [sflag:s7], $0x800  }
0x180: {  	[sflag:s7] =	ssyncset.done $0x0  }
0x181: {  	[sflag:s7] =	ssyncadd.s32 $0xFFFFF800  }
0x182: {  	_ =	swait.ge [sflag:s7], $0x800  }
0x183: {  	[sflag:s7] =	ssyncset.done $0x0  }
0x184: {  	[sflag:s7] =	ssyncadd.s32 $0xFFFFF800  }
0x185: {  	_ =	swait.ge [sflag:s7], $0x800  }
0x186: {  	[sflag:s7] =	ssyncset.done $0x0  }
0x187: {  	[sflag:s7] =	ssyncadd.s32 $0xFFFFF800  }
0x188: {  	_ =	swait.ge [sflag:s7], $0x800  }
0x189: {  	[sflag:s7] =	ssyncset.done $0x0  }
0x18a: {  	[sflag:s7] =	ssyncadd.s32 $0xFFFFF800  }
0x18b: {  	_ =	swait.ge [sflag:s7], $0x800  }
0x18c: {  	[sflag:s7] =	ssyncset.done $0x0  }
0x18d: {  	[sflag:s7] =	ssyncadd.s32 $0xFFFFF800  }
0x18e: {  	_ =	swait.ge [sflag:s7], $0x800  }
0x18f: {  	[sflag:s7] =	ssyncset.done $0x0  }
0x190: {  	[sflag:s7] =	ssyncadd.s32 $0xFFFFF800  }
0x191: {  	_ =	swait.ge [sflag:s7], $0x800  }
0x192: {  	[sflag:s7] =	ssyncset.done $0x0  }
0x193: {  	[sflag:s7] =	ssyncadd.s32 $0xFFFFF800  }
0x194: {  	_ =	swait.ge [sflag:s7], $0x800  }
0x195: {  	[sflag:s7] =	ssyncset.done $0x0  }
0x196: {  	[sflag:s7] =	ssyncadd.s32 $0xFFFFF800  }
0x197: {  	_ =	swait.ge [sflag:s7], $0x800  }
0x198: {  	[sflag:s7] =	ssyncset.done $0x0  }
0x199: {  	[sflag:s7] =	ssyncadd.s32 $0xFFFFF800  }
0x19a: {  	_ =	swait.ge [sflag:s7], $0x800  }
0x19b: {  	[sflag:s7] =	ssyncset.done $0x0  }
0x19c: {  	[sflag:s7] =	ssyncadd.s32 $0xFFFFF800  }
0x19d: {  	_ =	swait.ge [sflag:s7], $0x800  }
0x19e: {  	[sflag:s7] =	ssyncset.done $0x0  }
0x19f: {  	[sflag:s7] =	ssyncadd.s32 $0xFFFFF800  }
0x1a0: {  	_ =	swait.ge [sflag:s7], $0x800  }
0x1a1: {  	[sflag:s7] =	ssyncset.done $0x0  }
0x1a2: {  	[sflag:s7] =	ssyncadd.s32 $0xFFFFF800  }
0x1a3: {  	_ =	swait.ge [sflag:s7], $0x800  }
0x1a4: {  	s9 =	sld [smem:$0x7EA]  }
0x1a5: {  	s10 =	sld [smem:$0x7EB]  }
0x1a6: {  	s11 =	sld [smem:$0x7EC]  }
0x1a7: {  	s19 =	sld [smem:$0x7ED]  }
0x1a8: {  	s20 =	sld [smem:$0x7EE]  }
0x1a9: {  	s21 =	sld [smem:$0x7EF]  }
0x1aa: {  	s22 =	sld [smem:$0x7F0]  }
0x1ab: {  	s23 =	sld [smem:$0x7F1]  }
0x1ac: {  	s24 =	rddreg [dreg:$0x3]  }
0x1ad: {  	[sflag:s7] =	ssyncset.done $0x0;
	s25 =	sld [smem:$0x7F2]  }
0x1ae: {  	s26 =	sld [smem:$0x7F3];
	[sflag:s7] =	ssyncadd.s32 $0xFFFFF800  }
0x1af: {  	[hbm4b:s24+s2] =	stream.linear.scatter [tilespmem:s6], [sflag:$0x3], $0xA000, $0x38;
	[tilespmem:$0x15400] =	vst v63  }
0x1b0: {  	s28 =	sld [smem:$0x7F4]  }
0x1b1: {  	[tilespmem:s8], [sflag:$0x2] =	stream.indirect.gather [hbm4b:s4+s5], $0x10, s23, s5, $0xb8;
	[tilespmem:$0x15400] =	vst v63  }
0x1b2: {  	s29 =	sld [smem:$0x7F5]  }
0x1b3: {  	[tilespmem:s22], [sflag:$0x2] =	stream.indirect.gather [hbm4b:s4+s5], $0x10, s21, s5, $0xb8;
	[tilespmem:$0x15400] =	vst v63  }
0x1b4: {  	s21 =	sld [smem:$0x7F6]  }
0x1b5: {  	[tilespmem:s19], [sflag:$0x2] =	stream.indirect.gather [hbm4b:s4+s5], $0x10, s20, s5, $0xb8;
	[tilespmem:$0x15400] =	vst v63  }
0x1b6: {  	s22 =	sld [smem:$0x7F7]  }
0x1b7: {  	[tilespmem:s29], [sflag:$0x2] =	stream.indirect.gather [hbm4b:s4+s5], $0x10, s21, s5, $0xb8;
	[tilespmem:$0x15400] =	vst v63  }
0x1b8: {  	s23 =	sld [smem:$0x7F8]  }
0x1b9: {  	[tilespmem:s28], [sflag:$0x2] =	stream.indirect.gather [hbm4b:s4+s5], $0x10, s22, s5, $0xb8;
	[tilespmem:$0x15400] =	vst v63  }
0x1ba: {  	s24 =	sld [smem:$0x7F9]  }
0x1bb: {  	[tilespmem:s25], [sflag:$0x2] =	stream.indirect.gather [hbm4b:s4+s5], $0x10, s23, s5, $0xb8;
	[tilespmem:$0x15400] =	vst v63  }
0x1bc: {  	s25 =	sld [smem:$0x7FA]  }
0x1bd: {  	[tilespmem:s26], [sflag:$0x2] =	stream.indirect.gather [hbm4b:s4+s5], $0x10, s24, s5, $0xb8;
	[tilespmem:$0x15400] =	vst v63  }
0x1be: {  	s26 =	sld [smem:$0x7FB]  }
0x1bf: {  	[tilespmem:s10], [sflag:$0x2] =	stream.indirect.gather [hbm4b:s4+s5], $0x10, s25, s5, $0xb8;
	[tilespmem:$0x15400] =	vst v63  }
0x1c0: {  	s28 =	sld [smem:$0x7FC]  }
0x1c1: {  	[tilespmem:s11], [sflag:$0x2] =	stream.indirect.gather [hbm4b:s4+s5], $0x10, s26, s5, $0xb8;
	[tilespmem:$0x15400] =	vst v63  }
0x1c2: {  	s0 =	sld [smem:$0x7FD]  }
0x1c3: {  	[tilespmem:s9], [sflag:$0x2] =	stream.indirect.gather [hbm4b:s4+s5], $0x10, s28, s5, $0xb8;
	[tilespmem:$0x15400] =	vst v63  }
0x1c4: {  	s29 =	simm.s32 $0x10400  }
0x1c5: {  	[tilespmem:s29], [sflag:$0x2] =	stream.indirect.gather [hbm4b:s4+s5], $0x10, s0, s5, $0xb8;
	[tilespmem:$0x15400] =	vst v63  }
0x1c6: {  	s10 =	simm.s32 $0xF80;
	s11 =	simm.s32 $0x10C00  }
0x1c7: {  	[tilespmem:s11], [sflag:$0x2] =	stream.indirect.gather [hbm4b:s4+s5], $0x10, s10, s5, $0xb8;
	[tilespmem:$0x15400] =	vst v63  }
0x1c8: {  	s13 =	simm.s32 $0x11400;
	s12 =	simm.s32 $0x1000  }
0x1c9: {  	[tilespmem:s13], [sflag:$0x2] =	stream.indirect.gather [hbm4b:s4+s5], $0x10, s12, s5, $0xb8;
	[tilespmem:$0x15400] =	vst v63  }
0x1ca: {  	s15 =	simm.s32 $0x1080;
	s16 =	simm.s32 $0x11C00  }
0x1cb: {  	[tilespmem:s16], [sflag:$0x2] =	stream.indirect.gather [hbm4b:s4+s5], $0x10, s15, s5, $0xb8;
	[tilespmem:$0x15400] =	vst v63  }
0x1cc: {  	s17 =	simm.s32 $0x1100;
	s18 =	simm.s32 $0x12400  }
0x1cd: {  	[tilespmem:s18], [sflag:$0x2] =	stream.indirect.gather [hbm4b:s4+s5], $0x10, s17, s5, $0xb8;
	[tilespmem:$0x15400] =	vst v63  }
0x1ce: {  	s19 =	simm.s32 $0x1180;
	s20 =	simm.s32 $0x12C00  }
0x1cf: {  	[tilespmem:s20], [sflag:$0x2] =	stream.indirect.gather [hbm4b:s4+s5], $0x10, s19, s5, $0xb8;
	[tilespmem:$0x15400] =	vst v63  }
0x1d0: {  	s21 =	simm.s32 $0x1200;
	s22 =	simm.s32 $0x13400  }
0x1d1: {  	[tilespmem:s22], [sflag:$0x2] =	stream.indirect.gather [hbm4b:s4+s5], $0x10, s21, s5, $0xb8;
	[tilespmem:$0x15400] =	vst v63  }
0x1d2: {  	s23 =	simm.s32 $0x1280;
	s24 =	simm.s32 $0x13C00  }
0x1d3: {  	[tilespmem:s24], [sflag:$0x2] =	stream.indirect.gather [hbm4b:s4+s5], $0x10, s23, s5, $0xb8;
	[tilespmem:$0x15400] =	vst v63  }
0x1d4: {  	s25 =	simm.s32 $0x1300;
	s26 =	simm.s32 $0x14400  }
0x1d5: {  	[tilespmem:s26], [sflag:$0x2] =	stream.indirect.gather [hbm4b:s4+s5], $0x10, s25, s5, $0xb8;
	[tilespmem:$0x15400] =	vst v63  }
0x1d6: {  	s28 =	simm.s32 $0x1380;
	s29 =	simm.s32 $0x14C00  }
0x1d7: {  	[tilespmem:s29], [sflag:$0x2] =	stream.indirect.gather [hbm4b:s4+s5], $0x10, s28, s5, $0xb8;
	[tilespmem:$0x15400] =	vst v63  }
0x1d8: {  	_ =	swait.ge [sflag:s14], $0x800  }
0x1d9: {  	[sflag:s14] =	ssyncset.done $0x0  }
0x1da: {  	[sflag:s14] =	ssyncadd.s32 $0xFFFFF800  }
0x1db: {  	_ =	swait.ge [sflag:s14], $0x800  }
0x1dc: {  	[sflag:s14] =	ssyncset.done $0x0  }
0x1dd: {  	[sflag:s14] =	ssyncadd.s32 $0xFFFFF800  }
0x1de: {  	_ =	swait.ge [sflag:s14], $0x800  }
0x1df: {  	[sflag:s14] =	ssyncset.done $0x0  }
0x1e0: {  	[sflag:s14] =	ssyncadd.s32 $0xFFFFF800  }
0x1e1: {  	_ =	swait.ge [sflag:s14], $0x800  }
0x1e2: {  	[sflag:s14] =	ssyncset.done $0x0  }
0x1e3: {  	[sflag:s14] =	ssyncadd.s32 $0xFFFFF800  }
0x1e4: {  	_ =	swait.ge [sflag:s14], $0x800  }
0x1e5: {  	[sflag:s14] =	ssyncset.done $0x0  }
0x1e6: {  	[sflag:s14] =	ssyncadd.s32 $0xFFFFF800  }
0x1e7: {  	_ =	swait.ge [sflag:s14], $0x800  }
0x1e8: {  	[sflag:s14] =	ssyncset.done $0x0  }
0x1e9: {  	[sflag:s14] =	ssyncadd.s32 $0xFFFFF800  }
0x1ea: {  	_ =	swait.ge [sflag:s14], $0x800  }
0x1eb: {  	[sflag:s14] =	ssyncset.done $0x0  }
0x1ec: {  	[sflag:s14] =	ssyncadd.s32 $0xFFFFF800  }
0x1ed: {  	_ =	swait.ge [sflag:s14], $0x800  }
0x1ee: {  	[sflag:s14] =	ssyncset.done $0x0  }
0x1ef: {  	[sflag:s14] =	ssyncadd.s32 $0xFFFFF800  }
0x1f0: {  	_ =	swait.ge [sflag:s14], $0x800  }
0x1f1: {  	[sflag:s14] =	ssyncset.done $0x0  }
0x1f2: {  	[sflag:s14] =	ssyncadd.s32 $0xFFFFF800  }
0x1f3: {  	_ =	swait.ge [sflag:s14], $0x800  }
0x1f4: {  	[sflag:s14] =	ssyncset.done $0x0  }
0x1f5: {  	[sflag:s14] =	ssyncadd.s32 $0xFFFFF800  }
0x1f6: {  	_ =	swait.ge [sflag:s14], $0x800  }
0x1f7: {  	[sflag:s14] =	ssyncset.done $0x0  }
0x1f8: {  	[sflag:s14] =	ssyncadd.s32 $0xFFFFF800  }
0x1f9: {  	_ =	swait.ge [sflag:s14], $0x800  }
0x1fa: {  	p0 =	sne.s32 s1, $0x1;
	[sflag:s14] =	ssyncset.done $0x0  }
.Ltmp1:
0x1fb: {  	[sflag:s14] =	ssyncadd.s32 $0xFFFFF800;
	(pc) =	sbr.rel @p0 .LBB2_1-.Ltmp1, $4  }
0x1fc: {  	_ =	swait.ge [sflag:s14], $0x800  }
0x1fd: {  	[sflag:s14] =	ssyncset.done $0x0  }
0x1fe: {  	[sflag:s14] =	ssyncadd.s32 $0xFFFFF800  }
0x1ff: {  	s1 =	sadd.s32 $0xFFFFFFFF, s1;
	_ =	swait.ge [sflag:s14], $0x800  }
.LBB2_2:
0x200: {  	[sflag:s14] =	ssyncset.done $0x0  }
0x201: {  	[sflag:s14] =	ssyncadd.s32 $0xFFFFF800  }
0x202: {  	_ =	swait.ge [sflag:s14], $0x800  }
0x203: {  	[sflag:s14] =	ssyncset.done $0x0  }
0x204: {  	[sflag:s14] =	ssyncadd.s32 $0xFFFFF800  }
0x205: {  	_ =	swait.ge [sflag:s14], $0x800  }
0x206: {  	[sflag:s14] =	ssyncset.done $0x0  }
0x207: {  	[sflag:s14] =	ssyncadd.s32 $0xFFFFF800  }
0x208: {  	_ =	swait.ge [sflag:s14], $0x800  }
0x209: {  	[sflag:s14] =	ssyncset.done $0x0  }
0x20a: {  	[sflag:s14] =	ssyncadd.s32 $0xFFFFF800  }
0x20b: {  	_ =	swait.ge [sflag:s14], $0x800  }
0x20c: {  	[sflag:s14] =	ssyncset.done $0x0  }
0x20d: {  	[sflag:s14] =	ssyncadd.s32 $0xFFFFF800  }
0x20e: {  	_ =	swait.ge [sflag:s14], $0x800  }
0x20f: {  	[sflag:s14] =	ssyncset.done $0x0  }
0x210: {  	[sflag:s14] =	ssyncadd.s32 $0xFFFFF800  }
0x211: {  	_ =	swait.ge [sflag:s14], $0x800  }
0x212: {  	[sflag:s14] =	ssyncset.done $0x0  }
0x213: {  	s0 =	rddreg [dreg:$0x4];
	[sflag:s14] =	ssyncadd.s32 $0xFFFFF800  }
0x214: {  	[hbm4b:s0+s2] =	stream.linear.scatter [tilespmem:s8], [sflag:$0x4], $0xA000, $0x38;
	[tilespmem:$0x15400] =	vst v63  }
0x215: {  	_ =	swait.ge [sflag:s31], $0xA000  }
0x216: {  	[sflag:s31] =	ssyncset.done $0x0  }
0x217: {  	[sflag:s31] =	ssyncadd.s32 $0xFFFF6000  }
0x218: {  	_ =	swait.ge [sflag:s30], $0xA000  }
0x219: {  	[sflag:s30] =	ssyncset.done $0x0  }
0x21a: {  	[sflag:s30] =	ssyncadd.s32 $0xFFFF6000  }
0x21b: {  	_ =	sfence.sel $0x180000  }
0x21c: {  	[bflag:$0x0] =	sbarrier.arrive $0xFFFF  }
0x21d: {  	_ =	strace $0x9000004A  }
0x21e: {  	s31 =	stileid.u32;
	[bflag:$0x2] =	sbarrier.arrive $0xFFFF  }
0x21f: {  	p0 =	sne.s32 s31, $0x0;
	s0 =	rddreg [dreg:$0x1]  }
0x220: {  	s0 =	sadd.s32 @!p0 $0x100000, s0  }
0x221: {  	[sflag:s0] =	ssyncadd.tile.s32 @!p0 $0x1;
	_ =	shalt  }
.Lfunc_end2:
_tile_overlayer_lowered:
.L_overlay_start_2:
0x222: {  	(tag) =	ssettag $0x2  }
0x223: {  	s0 =	rddreg [dreg:$0x0];
	s2 =	stileid.u32  }
0x224: {  	s1 =	rddreg [dreg:$0x1];
	p0 =	sne.s32 s2, $0x0  }
0x225: {  	s3 =	rddreg [dreg:$0x2];
	[bflag:$0x3] =	sbarrier.arrive $0xFFFF;
	s2 =	simm.s32 @!p0 $0x1C05  }
0x226: {  	[timem:s3], [sflag:s2] =	dma.local @!p0 [hbm:s0], s1  }
0x227: {  	s0 =	simm.s32 @!p0 $0x5  }
0x228: {  	_ =	swait.ge @!p0 [sflag:s0], s1  }
0x229: {  	s1 =	ssub.s32 @!p0 $0x0, s1;
	[sflag:s0] =	ssyncset.done @!p0 $0x0  }
0x22a: {  	[sflag:s0] =	ssyncadd.s32 @!p0 s1  }
0x22b: {  	[bflag:$0x3] =	sbarrier.arrive $0xFFFF  }
0x22c: {  	_ =	shalt  }

// kernel: kernel.7.cloned.1.call-start
scs
__scs_entry_jumppad:
0x0: {  	(pc) =	sbr.rel $0x88, $3  }
0x1: {  	(tag) =	ssettag $0x0;
	lr =	simm.s32 $0x1  }
0x2: {  	[smem:$0x3F9D] =	sst lr;
	_ =	strace $0xD0000000  }
0x3: {  	_ = 	snop  }
0x4: {  	_ = 	snop  }
0x5: {  	_ = 	snop  }
0x6: {  	_ = 	snop  }
0x7: {  	_ = 	snop  }
__scs_overlays_trampoline_lowered:
0x8: {  	[smem:$0x3FAC] =	sst s0  }
0x9: {  	[smem:$0x3FAD] =	sst s1  }
0xa: {  	[smem:$0x3FAE] =	sst s2  }
0xb: {  	[smem:$0x3FAF] =	sst s3  }
0xc: {  	[smem:$0x3FB0] =	sst s4  }
0xd: {  	[smem:$0x3FB1] =	sst s5  }
0xe: {  	[smem:$0x3FB2] =	sst s6  }
0xf: {  	[smem:$0x3FB3] =	sst s7  }
0x10: {  	[smem:$0x3FB4] =	sst s8  }
0x11: {  	[smem:$0x3FB5] =	sst s9;
	s0 =	simm.s32 @!p0 $0x0  }
0x12: {  	s1 =	sld [smem:$0x3F9B];
	s0 =	simm.s32 @p0 $0x1  }
0x13: {  	[smem:$0x3FB6] =	sst s0;
	s0 =	simm.s32 @!p1 $0x0  }
0x14: {  	s2 =	sld [smem:$0x3F9A];
	s0 =	simm.s32 @p1 $0x1  }
0x15: {  	[smem:$0x3FB7] =	sst s0;
	s0 =	simm.s32 @!p2 $0x0  }
0x16: {  	s3 =	sld [smem:$0x3FDB];
	s0 =	simm.s32 @p2 $0x1  }
0x17: {  	s4 =	simm.s32 $0x1BF5;
	[smem:$0x3FB9] =	sst s0  }
0x18: {  	s0 =	sld [smem:$0x3F9C];
	_ =	swait.ge [sflag:s4], $0x0  }
0x19: {  	s7 =	sld [smem:$0x3F9D]  }
0x1a: {  	s8 =	sadd.s32 $0xFFFFE003, lr  }
0x1b: {  	s9 =	sadd.s32 $0xFFFFFEF7, lr;
	s5 =	simm.s32 $0xFFFFFFFF;
	p2 =	slt.u32 s8, $0xFFFFF086  }
0x1c: {  	p1 =	slt.u32 s9, $0xF7A;
	s5 =	simm.s32 @!p2 $0x0  }
0x1d: {  	s5 =	simm.s32 @p1 $0x1;
	p0 =	seq.s32 s7, s2  }
0x1e: {  	s7 =	smul.u32 @!p0 $0xF7A, s2;
	p2 =	seq.s32 @!p0 s5, $0x0  }
0x1f: {  	s9 =	smul.u32 $0xF7A, s1;
	s8 =	simm.s32 @!p0 $0x1BF5;
	p2 =	por !p2, p0  }
0x20: {  	[sflag:s8] =	ssyncset.s32 @!p0 $0xFFFFF086;
	s6 =	sadd.s32 @!p0 s3, s7;
	s7 =	simm.s32 @!p0 $0x108  }
0x21: {  	s3 =	sadd.s32 s3, s9;
	s6 =	sadd.s32 @!p0 $0x88, s6;
	s7 =	simm.s32 @p2 $0x1082  }
0x22: {  	[simem:s7], [sflag:s8] =	dma.local @!p0 [hbm:s6], $0xF7A  }
0x23: {  	s9 =	sor.u32 $0xD0000000, s2;
	s6 =	simm.s32 $0x108;
	_ =	swait.ge @!p0 [sflag:s8], $0x0  }
0x24: {  	s3 =	sadd.s32 $0x88, s3;
	s6 =	simm.s32 @!p1 $0x1082;
	[sflag:s4] =	ssyncset.s32 $0xFFFFF086  }
0x25: {  	[simem:s6], [sflag:s4] =	dma.local [hbm:s3], $0xF7A  }
0x26: {  	[smem:$0x3F9D] =	sst s1;
	(tag) =	ssettag s2;
	_ =	strace s9  }
0x27: {  	s1 =	sld [smem:$0x3FAD]  }
0x28: {  	s2 =	sld [smem:$0x3FAE]  }
0x29: {  	s4 =	sld [smem:$0x3FB0]  }
0x2a: {  	p0 =	seq.s32 s5, $0x0;
	s5 =	sld [smem:$0x3FB1]  }
0x2b: {  	s6 =	sld [smem:$0x3FB2]  }
0x2c: {  	s7 =	sld [smem:$0x3FB3]  }
0x2d: {  	s3 =	simm.s32 $0x108;
	s8 =	sld [smem:$0x3FB4]  }
0x2e: {  	s3 =	simm.s32 @!p0 $0x1082;
	s9 =	sld [smem:$0x3FB5]  }
0x2f: {  	lr =	sadd.s32 s0, s3;
	s0 =	sld [smem:$0x3FAC]  }
0x30: {  	s3 =	sld [smem:$0x3FAF]  }
0x31: {  	[smem:$0x3FB8] =	sst s10  }
0x32: {  	s10 =	sld [smem:$0x3FB6];
	_ =	sdelay $0x3  }
0x33: {  	p0 =	seq.s32 s10, $0x1;
	s10 =	sld [smem:$0x3FB8];
	_ =	sdelay $0x3  }
0x34: {  	[smem:$0x3FB8] =	sst s10  }
0x35: {  	s10 =	sld [smem:$0x3FB7];
	_ =	sdelay $0x3  }
0x36: {  	p1 =	seq.s32 s10, $0x1;
	s10 =	sld [smem:$0x3FB8];
	_ =	sdelay $0x3  }
0x37: {  	[smem:$0x3FB8] =	sst s10  }
0x38: {  	s10 =	sld [smem:$0x3FB9]  }
0x39: {  	_ = 	snop;
	(pc) =	sbr.ind lr, $3  }
0x3a: {  	_ = 	snop  }
0x3b: {  	_ = 	snop  }
0x3c: {  	p2 =	seq.s32 s10, $0x1;
	s10 =	sld [smem:$0x3FB8]  }
0x3d: {  	_ =	shalt  }
0x3e: {  	_ =	shalt  }
0x3f: {  	_ =	shalt  }
0x40: {  	_ =	shalt  }
0x41: {  	_ =	shalt  }
0x42: {  	_ =	shalt  }
0x43: {  	_ =	shalt  }
0x44: {  	_ =	shalt  }
0x45: {  	_ =	shalt  }
0x46: {  	_ =	shalt  }
0x47: {  	_ =	shalt  }
0x48: {  	_ =	shalt  }
0x49: {  	_ =	shalt  }
0x4a: {  	_ =	shalt  }
0x4b: {  	_ =	shalt  }
0x4c: {  	_ =	shalt  }
0x4d: {  	_ =	shalt  }
0x4e: {  	_ =	shalt  }
0x4f: {  	_ =	shalt  }
0x50: {  	_ =	shalt  }
0x51: {  	_ =	shalt  }
0x52: {  	_ =	shalt  }
0x53: {  	_ =	shalt  }
0x54: {  	_ =	shalt  }
0x55: {  	_ =	shalt  }
0x56: {  	_ =	shalt  }
0x57: {  	_ =	shalt  }
0x58: {  	_ =	shalt  }
0x59: {  	_ =	shalt  }
0x5a: {  	_ =	shalt  }
0x5b: {  	_ =	shalt  }
0x5c: {  	_ =	shalt  }
0x5d: {  	_ =	shalt  }
0x5e: {  	_ =	shalt  }
0x5f: {  	_ =	shalt  }
0x60: {  	_ =	shalt  }
0x61: {  	_ =	shalt  }
0x62: {  	_ =	shalt  }
0x63: {  	_ =	shalt  }
0x64: {  	_ =	shalt  }
0x65: {  	_ =	shalt  }
0x66: {  	_ =	shalt  }
0x67: {  	_ =	shalt  }
0x68: {  	_ =	shalt  }
0x69: {  	_ =	shalt  }
0x6a: {  	_ =	shalt  }
0x6b: {  	_ =	shalt  }
0x6c: {  	_ =	shalt  }
0x6d: {  	_ =	shalt  }
0x6e: {  	_ =	shalt  }
0x6f: {  	_ =	shalt  }
0x70: {  	_ =	shalt  }
0x71: {  	_ =	shalt  }
0x72: {  	_ =	shalt  }
0x73: {  	_ =	shalt  }
0x74: {  	_ =	shalt  }
0x75: {  	_ =	shalt  }
0x76: {  	_ =	shalt  }
0x77: {  	_ =	shalt  }
0x78: {  	_ =	shalt  }
0x79: {  	_ =	shalt  }
0x7a: {  	_ =	shalt  }
0x7b: {  	_ =	shalt  }
0x7c: {  	_ =	shalt  }
0x7d: {  	_ =	shalt  }
0x7e: {  	_ =	shalt  }
0x7f: {  	_ =	shalt  }
0x80: {  	_ =	shalt  }
0x81: {  	_ =	shalt  }
0x82: {  	_ =	shalt  }
0x83: {  	_ =	shalt  }
0x84: {  	_ =	shalt  }
0x85: {  	_ =	shalt  }
0x86: {  	_ =	shalt  }
0x87: {  	_ =	shalt  }
.Lfunc_end0:
.L_simem_size_0:
called_computation_lowered:
.L_overlay_start_0:
0x88: {  	s2 =	sld [smem:$0x3FD9]  }
0x89: {  	s3 =	sld [smem:$0x3FFE];
	_ =	sdelay $0x1  }
0x8a: {  	s1 =	srdreg.scid  }
0x8b: {  	s0 =	sand.u32 $0x1, s1  }
0x8c: {  	s16 =	sshll.u32 s0, $0xA;
	s2 =	sadd.s32 s3, s2  }
0x8d: {  	s2 =	sadd.s32 s2, s16  }
0x8e: {  	[smem:$0x3FC4] =	sst s2  }
0x8f: {  	_ = 	snop  }
0x90: {  	(tm) =	ssettm $0x1  }
0x91: {  	s17 =	sld [smem:$0x3FFB];
	_ =	sdelay $0x3  }
0x92: {  	_ =	strace s17  }
0x93: {  	s2 =	sld [smem:$0x3FFC];
	_ =	sdelay $0x3  }
0x94: {  	_ =	strace s2  }
0x95: {  	s2 =	sld [smem:$0x3FFD];
	_ =	sdelay $0x3  }
0x96: {  	_ =	strace s2  }
0x97: {  	_ =	strace $0x8FFFFFFF  }
0x98: {  	s18 =	sld [smem:$0x3FDB];
	_ =	sdelay $0x1  }
0x99: {  	s19 =	simm.s32 $_scs_section_size  }
0x9a: {  	s4 =	simm.s32 $_size__tile_overlayer_lowered;
	s5 =	simm.s32 $_tile_overlayer_lowered  }
0x9b: {  	s22 =	simm.s32 $0x1BFF;
	s21 =	sshll.u32 s5, $0x1;
	s2 =	sadd.s32 s19, s18  }
0x9c: {  	s6 =	simm.s32 $0x0;
	s20 =	sshll.u32 s4, $0x1;
	s4 =	sadd.s32 s21, s2  }
0x9d: {  	[timem:s6], [sflag:s22] =	dma.local [hbm:s4], s20  }
0x9e: {  	_ =	swait.ge [sflag:s22], s20  }
0x9f: {  	s3 =	ssub.s32 $0x0, s20;
	[sflag:s22] =	ssyncset.done $0x0  }
0xa0: {  	[sflag:s22] =	ssyncadd.s32 s3;
	_ =	sdelay $0x1  }
0xa1: {  	s23 =	simm.s32 $0x1B8B  }
0xa2: {  	_ =	swait.ge [sflag:s23], $0x1  }
0xa3: {  	[sflag:s23] =	ssyncset.done $0x0  }
0xa4: {  	s25 =	simm.s32 $0x1B8E;
	s24 =	sld [smem:$0x3FFE];
	[sflag:s23] =	ssyncadd.s32 $0xFFFFFFFF  }
0xa5: {  	s26 =	simm.s32 $execute0_lowered;
	[smem:$0x3FD2] =	sst s25  }
0xa6: {  	s4 =	sshll.u32 s26, $0x1;
	_ =	strace $0x80000046;
	[dreg:$0x1] =	wrdreg $0xFFFFFFFF  }
0xa7: {  	s28 =	simm.s32 $_size_execute0_lowered;
	s2 =	sadd.s32 s2, s4;
	[dreg:$0x0] =	wrdreg $0x0  }
0xa8: {  	s4 =	sshll.u32 s28, $0x1;
	[dreg:$0x2] =	wrdreg s2  }
0xa9: {  	[dreg:$0x3] =	wrdreg s4  }
0xaa: {  	[dreg:$0x4] =	wrdreg $0xC0  }
0xab: {  	_ =	task [dreg:s6], $0x5FFFF  }
0xac: {  	[dreg:$0x1] =	wrdreg $0xFFFFFFFF  }
0xad: {  	[dreg:$0x0] =	wrdreg $0x60  }
0xae: {  	[dreg:$0x2] =	wrdreg s24  }
0xaf: {  	[dreg:$0x3] =	wrdreg $0x9  }
0xb0: {  	_ =	task.clear_ibuf [dreg:s6], $0x4FFFF;
	_ =	strace $0x90000046  }
0xb1: {  	s29 =	simm.s32 $0x9;
	_ =	strace $0x80000048  }
0xb2: {  	_ =	swait.ge [sflag:s29], $0x1  }
0xb3: {  	[sflag:s29] =	ssyncadd.s32 $0xFFFFFFFF  }
0xb4: {  	_ =	strace $0x90000048  }
0xb5: {  	_ =	sfence  }
0xb6: {  	s30 =	sld [smem:$0x0];
	_ =	sdelay $0x2  }
0xb7: {  	s31 =	sshll.u32 s1, $0xD;
	s1 =	sshrl.u32 s1, $0x2  }
0xb8: {  	s3 =	sand.u32 $0x4000, s31;
	s1 =	sadd.s32 s1, s30  }
0xb9: {  	s0 =	sor.u32 s3, s0;
	s1 =	sshll.u32 s1, $0x11  }
0xba: {  	s0 =	sor.u32 s1, s0  }
0xbb: {  	s0 =	sadd.s32 $0x8F2B, s0  }
0xbc: {  	[sflag:s0] =	ssyncadd.remote.s32 $0x1  }
0xbd: {  	_ =	sfence.sel $0xFFFF  }
0xbe: {  	[dreg:$0x0] =	wrdreg $0xFFFFFFFF;
	(pc) =	sbr.abs _section_cstart, $3  }
0xbf: {  	[dreg:$0x1] =	wrdreg $0xFFFFFFFF  }
0xc0: {  	_ =	task.clear_ibuf [dreg:s6], $0x2FFFF;
	_ =	strace $0x9FFFFFFF  }
0xc1: {  	(tm) =	ssettm $0x7FFFFFFF  }
tec
execute0_lowered:
.L_overlay_start_1:
0x0: {  	(tag) =	ssettag $0x1  }
0x1: {  	s0 =	rddreg [dreg:$0x0];
	s2 =	simm.s32 $0x0  }
0x2: {  	s1 =	srdreg.scid;
	s3 =	stileid.u32;
	s8 =	simm.s32 $0x80  }
0x3: {  	s9 =	simm.s32 $0x2000;
	s16 =	simm.s32 $0x2;
	s7 =	simm.s32 $0x9000  }
0x4: {  	s10 =	simm.s32 $0x9800;
	s11 =	simm.s32 $0xA800;
	s12 =	simm.s32 $0xB000  }
0x5: {  	s13 =	simm.s32 $0xB800;
	s14 =	simm.s32 $0xC000;
	s15 =	simm.s32 $0xC800  }
0x6: {  	s20 =	simm.s32 $0xD000;
	s21 =	simm.s32 $0xD800;
	s22 =	simm.s32 $0xE000  }
0x7: {  	s23 =	simm.s32 $0xE800;
	s24 =	simm.s32 $0xF000;
	s28 =	simm.s32 $0xF800  }
0x8: {  	s29 =	simm.s32 $0x10000;
	s30 =	simm.s32 $0x10800;
	s31 =	simm.s32 $0x11000  }
0x9: {  	[smem:$0x7FF] =	sst s2;
	s1 =	sand.u32 $0x1, s1;
	s4 =	sshll.u32 s3, $0xE  }
0xa: {  	s3 =	sadd.s32 $0x1000, s0;
	s5 =	sshll.u32 s1, $0xD;
	s1 =	ssub.s32 $0x2, s1  }
0xb: {  	_ =	strace $0x80000047;
	s4 =	sor.u32 s5, s4;
	s6 =	sshrl.u32 s1, $0x1  }
0xc: {  	s5 =	sshrl.u32 s4, $0x3;
	s4 =	sshll.u32 s4, $0x1;
	s1 =	ssub.s32 s1, s6  }
0xd: {  	s6 =	simm.s32 $0x8800;
	s5 =	sadd.s32 s5, s0;
	s0 =	sadd.s32 s4, s0  }
0xe: {  	s26 =	smax.u32 s1, $0x1;
	s1 =	simm.s32 $0x0;
	s4 =	simm.s32 $0x8000  }
0xf: {  	s25 =	sadd.s32 $0x191000, s5;
	s5 =	sadd.s32 $0x199000, s0;
	[dreg:$0x3] =	wrdreg s26  }
0x10: {  	s26 =	simm.s32 $0xA000;
	[dreg:$0x2] =	wrdreg s25;
	s25 =	simm.s32 $0x1  }
.LBB2_1:
0x11: {  	[dreg:$0x4] =	wrdreg s1  }
0x12: {  	s17 =	rddreg [dreg:$0x2];
	s19 =	simm.s32 $0x5  }
0x13: {  	[tilespmem:s2], [sflag:$0x5] =	stream.linear.gather [hbm4b:s17+s2], $0x2000, $0x38;
	[tilespmem:$0x12000] =	vst v63  }
0x14: {  	_ =	swait.ge [sflag:s19], $0x2000  }
0x15: {  	[sflag:s19] =	ssyncset.done $0x0  }
0x16: {  	p1 =	por $0x1, $0x1;
	s17 =	simm.s32 $0x0;
	[sflag:s19] =	ssyncadd.s32 $0xFFFFE000  }
.LBB2_2:
0x17: {  	s18 =	simm.s32 @!p1 $0x3  }
0x18: {  	_ =	swait.ge @!p1 [sflag:s18], $0x8000  }
0x19: {  	s19 =	sshll.u32 s17, $0xC;
	[sflag:s18] =	ssyncset.done @!p1 $0x0  }
0x1a: {  	[sflag:s18] =	ssyncadd.s32 @!p1 $0xFFFF8000;
	s18 =	sand.u32 $0x3FFFF000, s19  }
0x1b: {  	[tilespmem:s9], [sflag:$0x1] =	stream.indirect.gather [hbm4b:s3+s8], $0x10, s18, s8, $0xb8;
	[tilespmem:$0x12000] =	vst v63  }
0x1c: {  	s1 =	simm.s32 $0x2800;
	s19 =	sor.u32 $0x80, s18  }
0x1d: {  	[tilespmem:s1], [sflag:$0x1] =	stream.indirect.gather [hbm4b:s3+s8], $0x10, s19, s8, $0xb8;
	[tilespmem:$0x12000] =	vst v63  }
0x1e: {  	s19 =	sor.u32 $0x100, s18;
	s1 =	simm.s32 $0x3000  }
0x1f: {  	[tilespmem:s1], [sflag:$0x1] =	stream.indirect.gather [hbm4b:s3+s8], $0x10, s19, s8, $0xb8;
	[tilespmem:$0x12000] =	vst v63  }
0x20: {  	s19 =	sor.u32 $0x180, s18;
	s1 =	simm.s32 $0x3800  }
0x21: {  	[tilespmem:s1], [sflag:$0x1] =	stream.indirect.gather [hbm4b:s3+s8], $0x10, s19, s8, $0xb8;
	[tilespmem:$0x12000] =	vst v63  }
0x22: {  	s19 =	sor.u32 $0x200, s18;
	s1 =	simm.s32 $0x4000  }
0x23: {  	[tilespmem:s1], [sflag:$0x1] =	stream.indirect.gather [hbm4b:s3+s8], $0x10, s19, s8, $0xb8;
	[tilespmem:$0x12000] =	vst v63  }
0x24: {  	s19 =	sor.u32 $0x280, s18;
	s1 =	simm.s32 $0x4800  }
0x25: {  	[tilespmem:s1], [sflag:$0x1] =	stream.indirect.gather [hbm4b:s3+s8], $0x10, s19, s8, $0xb8;
	[tilespmem:$0x12000] =	vst v63  }
0x26: {  	s19 =	sor.u32 $0x300, s18;
	s1 =	simm.s32 $0x5000  }
0x27: {  	[tilespmem:s1], [sflag:$0x1] =	stream.indirect.gather [hbm4b:s3+s8], $0x10, s19, s8, $0xb8;
	[tilespmem:$0x12000] =	vst v63  }
0x28: {  	s19 =	sor.u32 $0x380, s18;
	s1 =	simm.s32 $0x5800  }
0x29: {  	[tilespmem:s1], [sflag:$0x1] =	stream.indirect.gather [hbm4b:s3+s8], $0x10, s19, s8, $0xb8;
	[tilespmem:$0x12000] =	vst v63  }
0x2a: {  	s19 =	sor.u32 $0x400, s18;
	s1 =	simm.s32 $0x6000  }
0x2b: {  	[tilespmem:s1], [sflag:$0x1] =	stream.indirect.gather [hbm4b:s3+s8], $0x10, s19, s8, $0xb8;
	[tilespmem:$0x12000] =	vst v63  }
0x2c: {  	s19 =	sor.u32 $0x480, s18;
	s1 =	simm.s32 $0x6800  }
0x2d: {  	[tilespmem:s1], [sflag:$0x1] =	stream.indirect.gather [hbm4b:s3+s8], $0x10, s19, s8, $0xb8;
	[tilespmem:$0x12000] =	vst v63  }
0x2e: {  	s19 =	sor.u32 $0x500, s18;
	s1 =	simm.s32 $0x7000  }
0x2f: {  	[tilespmem:s1], [sflag:$0x1] =	stream.indirect.gather [hbm4b:s3+s8], $0x10, s19, s8, $0xb8;
	[tilespmem:$0x12000] =	vst v63  }
0x30: {  	s19 =	sor.u32 $0x580, s18;
	s1 =	simm.s32 $0x7800  }
0x31: {  	[tilespmem:s1], [sflag:$0x1] =	stream.indirect.gather [hbm4b:s3+s8], $0x10, s19, s8, $0xb8;
	[tilespmem:$0x12000] =	vst v63  }
0x32: {  	s1 =	sor.u32 $0x600, s18  }
0x33: {  	[tilespmem:s4], [sflag:$0x1] =	stream.indirect.gather [hbm4b:s3+s8], $0x10, s1, s8, $0xb8;
	[tilespmem:$0x12000] =	vst v63  }
0x34: {  	s1 =	sor.u32 $0x680, s18  }
0x35: {  	[tilespmem:s6], [sflag:$0x1] =	stream.indirect.gather [hbm4b:s3+s8], $0x10, s1, s8, $0xb8;
	[tilespmem:$0x12000] =	vst v63  }
0x36: {  	s1 =	sor.u32 $0x700, s18  }
0x37: {  	[tilespmem:s7], [sflag:$0x1] =	stream.indirect.gather [hbm4b:s3+s8], $0x10, s1, s8, $0xb8;
	[tilespmem:$0x12000] =	vst v63  }
0x38: {  	s18 =	sor.u32 $0x780, s18  }
0x39: {  	[tilespmem:s10], [sflag:$0x1] =	stream.indirect.gather [hbm4b:s3+s8], $0x10, s18, s8, $0xb8;
	[tilespmem:$0x12000] =	vst v63  }
0x3a: {  	_ =	swait.ge [sflag:s25], $0x800  }
0x3b: {  	[sflag:s25] =	ssyncset.done $0x0  }
0x3c: {  	[sflag:s25] =	ssyncadd.s32 $0xFFFFF800  }
0x3d: {  	_ =	swait.ge [sflag:s25], $0x800  }
0x3e: {  	[sflag:s25] =	ssyncset.done $0x0  }
0x3f: {  	[sflag:s25] =	ssyncadd.s32 $0xFFFFF800  }
0x40: {  	_ =	swait.ge [sflag:s25], $0x800  }
0x41: {  	[sflag:s25] =	ssyncset.done $0x0  }
0x42: {  	[sflag:s25] =	ssyncadd.s32 $0xFFFFF800  }
0x43: {  	_ =	swait.ge [sflag:s25], $0x800  }
0x44: {  	[sflag:s25] =	ssyncset.done $0x0  }
0x45: {  	[sflag:s25] =	ssyncadd.s32 $0xFFFFF800  }
0x46: {  	_ =	swait.ge [sflag:s25], $0x800  }
0x47: {  	[sflag:s25] =	ssyncset.done $0x0  }
0x48: {  	[sflag:s25] =	ssyncadd.s32 $0xFFFFF800  }
0x49: {  	_ =	swait.ge [sflag:s25], $0x800  }
0x4a: {  	[sflag:s25] =	ssyncset.done $0x0  }
0x4b: {  	[sflag:s25] =	ssyncadd.s32 $0xFFFFF800  }
0x4c: {  	_ =	swait.ge [sflag:s25], $0x800  }
0x4d: {  	[sflag:s25] =	ssyncset.done $0x0  }
0x4e: {  	[sflag:s25] =	ssyncadd.s32 $0xFFFFF800  }
0x4f: {  	_ =	swait.ge [sflag:s25], $0x800  }
0x50: {  	[sflag:s25] =	ssyncset.done $0x0  }
0x51: {  	[sflag:s25] =	ssyncadd.s32 $0xFFFFF800  }
0x52: {  	_ =	swait.ge [sflag:s25], $0x800  }
0x53: {  	[sflag:s25] =	ssyncset.done $0x0  }
0x54: {  	[sflag:s25] =	ssyncadd.s32 $0xFFFFF800  }
0x55: {  	_ =	swait.ge [sflag:s25], $0x800  }
0x56: {  	[sflag:s25] =	ssyncset.done $0x0  }
0x57: {  	[sflag:s25] =	ssyncadd.s32 $0xFFFFF800  }
0x58: {  	_ =	swait.ge [sflag:s25], $0x800  }
0x59: {  	[sflag:s25] =	ssyncset.done $0x0  }
0x5a: {  	[sflag:s25] =	ssyncadd.s32 $0xFFFFF800  }
0x5b: {  	_ =	swait.ge [sflag:s25], $0x800  }
0x5c: {  	[sflag:s25] =	ssyncset.done $0x0  }
0x5d: {  	[sflag:s25] =	ssyncadd.s32 $0xFFFFF800  }
0x5e: {  	_ =	swait.ge [sflag:s25], $0x800  }
0x5f: {  	[sflag:s25] =	ssyncset.done $0x0  }
0x60: {  	[sflag:s25] =	ssyncadd.s32 $0xFFFFF800  }
0x61: {  	_ =	swait.ge [sflag:s25], $0x800  }
0x62: {  	[sflag:s25] =	ssyncset.done $0x0  }
0x63: {  	[sflag:s25] =	ssyncadd.s32 $0xFFFFF800  }
0x64: {  	_ =	swait.ge [sflag:s25], $0x800  }
0x65: {  	[sflag:s25] =	ssyncset.done $0x0  }
0x66: {  	[sflag:s25] =	ssyncadd.s32 $0xFFFFF800  }
0x67: {  	_ =	swait.ge [sflag:s25], $0x800  }
0x68: {  	s1 =	sshll.u32 s17, $0xD;
	[sflag:s25] =	ssyncset.done $0x0  }
0x69: {  	s18 =	sadd.s32 s1, s5;
	[sflag:s25] =	ssyncadd.s32 $0xFFFFF800  }
0x6a: {  	[hbm4b:s18+s2] =	stream.linear.scatter [tilespmem:s9], [sflag:$0x3], $0x8000, $0x38;
	[tilespmem:$0x12000] =	vst v63  }
0x6b: {  	s19 =	sshll.u32 s17, $0x1;
	s18 =	simm.s32 @!p1 $0x4  }
0x6c: {  	s17 =	sor.u32 $0x1, s19;
	_ =	swait.ge @!p1 [sflag:s18], $0x8000  }
0x6d: {  	s1 =	sshll.u32 s17, $0xB;
	[sflag:s18] =	ssyncset.done @!p1 $0x0  }
0x6e: {  	[sflag:s18] =	ssyncadd.s32 @!p1 $0xFFFF8000;
	s18 =	sand.u32 $0x3FFFF800, s1  }
0x6f: {  	[tilespmem:s26], [sflag:$0x2] =	stream.indirect.gather [hbm4b:s3+s8], $0x10, s18, s8, $0xb8;
	[tilespmem:$0x12000] =	vst v63  }
0x70: {  	s19 =	sor.u32 $0x80, s18  }
0x71: {  	[tilespmem:s11], [sflag:$0x2] =	stream.indirect.gather [hbm4b:s3+s8], $0x10, s19, s8, $0xb8;
	[tilespmem:$0x12000] =	vst v63  }
0x72: {  	s1 =	sor.u32 $0x100, s18  }
0x73: {  	[tilespmem:s12], [sflag:$0x2] =	stream.indirect.gather [hbm4b:s3+s8], $0x10, s1, s8, $0xb8;
	[tilespmem:$0x12000] =	vst v63  }
0x74: {  	s1 =	sor.u32 $0x180, s18  }
0x75: {  	[tilespmem:s13], [sflag:$0x2] =	stream.indirect.gather [hbm4b:s3+s8], $0x10, s1, s8, $0xb8;
	[tilespmem:$0x12000] =	vst v63  }
0x76: {  	s1 =	sor.u32 $0x200, s18  }
0x77: {  	[tilespmem:s14], [sflag:$0x2] =	stream.indirect.gather [hbm4b:s3+s8], $0x10, s1, s8, $0xb8;
	[tilespmem:$0x12000] =	vst v63  }
0x78: {  	s1 =	sor.u32 $0x280, s18  }
0x79: {  	[tilespmem:s15], [sflag:$0x2] =	stream.indirect.gather [hbm4b:s3+s8], $0x10, s1, s8, $0xb8;
	[tilespmem:$0x12000] =	vst v63  }
0x7a: {  	s1 =	sor.u32 $0x300, s18  }
0x7b: {  	[tilespmem:s20], [sflag:$0x2] =	stream.indirect.gather [hbm4b:s3+s8], $0x10, s1, s8, $0xb8;
	[tilespmem:$0x12000] =	vst v63  }
0x7c: {  	s1 =	sor.u32 $0x380, s18  }
0x7d: {  	[tilespmem:s21], [sflag:$0x2] =	stream.indirect.gather [hbm4b:s3+s8], $0x10, s1, s8, $0xb8;
	[tilespmem:$0x12000] =	vst v63  }
0x7e: {  	s1 =	sor.u32 $0x400, s18  }
0x7f: {  	[tilespmem:s22], [sflag:$0x2] =	stream.indirect.gather [hbm4b:s3+s8], $0x10, s1, s8, $0xb8;
	[tilespmem:$0x12000] =	vst v63  }
0x80: {  	s1 =	sor.u32 $0x480, s18  }
0x81: {  	[tilespmem:s23], [sflag:$0x2] =	stream.indirect.gather [hbm4b:s3+s8], $0x10, s1, s8, $0xb8;
	[tilespmem:$0x12000] =	vst v63  }
0x82: {  	s1 =	sor.u32 $0x500, s18  }
0x83: {  	[tilespmem:s24], [sflag:$0x2] =	stream.indirect.gather [hbm4b:s3+s8], $0x10, s1, s8, $0xb8;
	[tilespmem:$0x12000] =	vst v63  }
0x84: {  	s1 =	sor.u32 $0x580, s18  }
0x85: {  	[tilespmem:s28], [sflag:$0x2] =	stream.indirect.gather [hbm4b:s3+s8], $0x10, s1, s8, $0xb8;
	[tilespmem:$0x12000] =	vst v63  }
0x86: {  	s1 =	sor.u32 $0x600, s18  }
0x87: {  	[tilespmem:s29], [sflag:$0x2] =	stream.indirect.gather [hbm4b:s3+s8], $0x10, s1, s8, $0xb8;
	[tilespmem:$0x12000] =	vst v63  }
0x88: {  	s1 =	sor.u32 $0x680, s18  }
0x89: {  	[tilespmem:s30], [sflag:$0x2] =	stream.indirect.gather [hbm4b:s3+s8], $0x10, s1, s8, $0xb8;
	[tilespmem:$0x12000] =	vst v63  }
0x8a: {  	s1 =	sor.u32 $0x700, s18  }
0x8b: {  	[tilespmem:s31], [sflag:$0x2] =	stream.indirect.gather [hbm4b:s3+s8], $0x10, s1, s8, $0xb8;
	[tilespmem:$0x12000] =	vst v63  }
0x8c: {  	s0 =	simm.s32 $0x11800;
	s18 =	sor.u32 $0x780, s18  }
0x8d: {  	[tilespmem:s0], [sflag:$0x2] =	stream.indirect.gather [hbm4b:s3+s8], $0x10, s18, s8, $0xb8;
	[tilespmem:$0x12000] =	vst v63  }
0x8e: {  	_ =	swait.ge [sflag:s16], $0x800  }
0x8f: {  	[sflag:s16] =	ssyncset.done $0x0  }
0x90: {  	[sflag:s16] =	ssyncadd.s32 $0xFFFFF800  }
0x91: {  	_ =	swait.ge [sflag:s16], $0x800  }
0x92: {  	[sflag:s16] =	ssyncset.done $0x0  }
0x93: {  	[sflag:s16] =	ssyncadd.s32 $0xFFFFF800  }
0x94: {  	_ =	swait.ge [sflag:s16], $0x800  }
0x95: {  	[sflag:s16] =	ssyncset.done $0x0  }
0x96: {  	[sflag:s16] =	ssyncadd.s32 $0xFFFFF800  }
0x97: {  	_ =	swait.ge [sflag:s16], $0x800  }
0x98: {  	[sflag:s16] =	ssyncset.done $0x0  }
0x99: {  	[sflag:s16] =	ssyncadd.s32 $0xFFFFF800  }
0x9a: {  	_ =	swait.ge [sflag:s16], $0x800  }
0x9b: {  	[sflag:s16] =	ssyncset.done $0x0  }
0x9c: {  	[sflag:s16] =	ssyncadd.s32 $0xFFFFF800  }
0x9d: {  	_ =	swait.ge [sflag:s16], $0x800  }
0x9e: {  	[sflag:s16] =	ssyncset.done $0x0  }
0x9f: {  	[sflag:s16] =	ssyncadd.s32 $0xFFFFF800  }
0xa0: {  	_ =	swait.ge [sflag:s16], $0x800  }
0xa1: {  	[sflag:s16] =	ssyncset.done $0x0  }
0xa2: {  	[sflag:s16] =	ssyncadd.s32 $0xFFFFF800  }
0xa3: {  	_ =	swait.ge [sflag:s16], $0x800  }
0xa4: {  	[sflag:s16] =	ssyncset.done $0x0  }
0xa5: {  	[sflag:s16] =	ssyncadd.s32 $0xFFFFF800  }
0xa6: {  	_ =	swait.ge [sflag:s16], $0x800  }
0xa7: {  	[sflag:s16] =	ssyncset.done $0x0  }
0xa8: {  	[sflag:s16] =	ssyncadd.s32 $0xFFFFF800  }
0xa9: {  	_ =	swait.ge [sflag:s16], $0x800  }
0xaa: {  	[sflag:s16] =	ssyncset.done $0x0  }
0xab: {  	[sflag:s16] =	ssyncadd.s32 $0xFFFFF800  }
0xac: {  	_ =	swait.ge [sflag:s16], $0x800  }
0xad: {  	[sflag:s16] =	ssyncset.done $0x0  }
0xae: {  	[sflag:s16] =	ssyncadd.s32 $0xFFFFF800  }
0xaf: {  	_ =	swait.ge [sflag:s16], $0x800  }
0xb0: {  	[sflag:s16] =	ssyncset.done $0x0  }
0xb1: {  	[sflag:s16] =	ssyncadd.s32 $0xFFFFF800  }
0xb2: {  	_ =	swait.ge [sflag:s16], $0x800  }
0xb3: {  	[sflag:s16] =	ssyncset.done $0x0  }
0xb4: {  	[sflag:s16] =	ssyncadd.s32 $0xFFFFF800  }
0xb5: {  	_ =	swait.ge [sflag:s16], $0x800  }
0xb6: {  	[sflag:s16] =	ssyncset.done $0x0  }
0xb7: {  	[sflag:s16] =	ssyncadd.s32 $0xFFFFF800  }
0xb8: {  	_ =	swait.ge [sflag:s16], $0x800  }
0xb9: {  	[sflag:s16] =	ssyncset.done $0x0  }
0xba: {  	p0 =	por p1, p1;
	[sflag:s16] =	ssyncadd.s32 $0xFFFFF800  }
.Ltmp0:
0xbb: {  	_ =	swait.ge [sflag:s16], $0x800;
	(pc) =	sbr.rel @p0 .LBB2_2-.Ltmp0, $4  }
0xbc: {  	s17 =	sshll.u32 s17, $0xC;
	[sflag:s16] =	ssyncset.done $0x0  }
0xbd: {  	s17 =	sadd.s32 s17, s5;
	[sflag:s16] =	ssyncadd.s32 $0xFFFFF800  }
0xbe: {  	[hbm4b:s17+s2] =	stream.linear.scatter [tilespmem:s26], [sflag:$0x4], $0x8000, $0x38;
	[tilespmem:$0x12000] =	vst v63  }
0xbf: {  	p1 =	por $0x0, $0x0;
	s17 =	simm.s32 $0x1  }
0xc0: {  	s0 =	simm.s32 $0x3  }
0xc1: {  	_ =	swait.ge [sflag:s0], $0x8000  }
0xc2: {  	[sflag:s0] =	ssyncset.done $0x0  }
0xc3: {  	s19 =	simm.s32 $0x4;
	[sflag:s0] =	ssyncadd.s32 $0xFFFF8000  }
0xc4: {  	_ =	swait.ge [sflag:s19], $0x8000  }
0xc5: {  	s1 =	rddreg [dreg:$0x4]  }
0xc6: {  	s17 =	rddreg [dreg:$0x3];
	s1 =	sadd.s32 $0x1, s1  }
0xc7: {  	p0 =	sne.s32 s1, s17  }
.Ltmp1:
0xc8: {  	_ = 	snop;
	(pc) =	sbr.rel @p0 .LBB2_1-.Ltmp1, $3  }
0xc9: {  	_ =	sdelay $0x1  }
0xca: {  	[sflag:s19] =	ssyncset.done $0x0  }
0xcb: {  	[sflag:s19] =	ssyncadd.s32 $0xFFFF8000  }
0xcc: {  	_ =	sfence.sel $0x180000  }
0xcd: {  	[bflag:$0x0] =	sbarrier.arrive $0xFFFF  }
0xce: {  	_ =	strace $0x90000047  }
0xcf: {  	s0 =	stileid.u32;
	[bflag:$0x2] =	sbarrier.arrive $0xFFFF  }
0xd0: {  	p0 =	sne.s32 s0, $0x0;
	s0 =	rddreg [dreg:$0x1]  }
0xd1: {  	s0 =	sadd.s32 @!p0 $0x100000, s0  }
0xd2: {  	[sflag:s0] =	ssyncadd.tile.s32 @!p0 $0x1;
	_ =	shalt  }
.Lfunc_end2:
_tile_overlayer_lowered:
.L_overlay_start_2:
0xd3: {  	(tag) =	ssettag $0x2  }
0xd4: {  	s0 =	rddreg [dreg:$0x0];
	s2 =	stileid.u32  }
0xd5: {  	s1 =	rddreg [dreg:$0x1];
	p0 =	sne.s32 s2, $0x0  }
0xd6: {  	s3 =	rddreg [dreg:$0x2];
	[bflag:$0x3] =	sbarrier.arrive $0xFFFF;
	s2 =	simm.s32 @!p0 $0x1C05  }
0xd7: {  	[timem:s3], [sflag:s2] =	dma.local @!p0 [hbm:s0], s1  }
0xd8: {  	s0 =	simm.s32 @!p0 $0x5  }
0xd9: {  	_ =	swait.ge @!p0 [sflag:s0], s1  }
0xda: {  	s1 =	ssub.s32 @!p0 $0x0, s1;
	[sflag:s0] =	ssyncset.done @!p0 $0x0  }
0xdb: {  	[sflag:s0] =	ssyncadd.s32 @!p0 s1  }
0xdc: {  	[bflag:$0x3] =	sbarrier.arrive $0xFFFF  }
0xdd: {  	_ =	shalt  }

</sc_bundles>
